<compile_context>
chip_gen: v7x
topology: tpu7x:2x2x1
jax: 0.10.2.dev20260603
libtpu: 0.0.44.dev20260713+nightly
codegen_flags: <defaults>
</compile_context>

<pallas_src>
import jax
import jax.numpy as jnp
from jax import lax
from jax.experimental import pallas as pl
from jax.experimental.pallas import tpu as pltpu
from jax.experimental.pallas import tpu_sc as plsc

N = 10000
D = 128
H = 8
C = 16
E = 320000
ROW = 144
NC = 2
NS = 16
NW = NC * NS
CH = 64
CPW = 162
N_TAB = 10016
N_ACC = 10240
RPS = N_ACC // NS



def _prep_body(x_ref, w_ref, a2_ref, r_ref, hs_ref, adst_ref, self_ref):
    h = jnp.dot(x_ref[...], w_ref[...], preferred_element_type=jnp.float32)
    a2 = jnp.dot(h, a2_ref[...], preferred_element_type=jnp.float32)
    asrc = a2[:, 0:16]
    adst = a2[:, 16:32]
    hs_ref[:, 0:D] = h
    hs_ref[:, D:ROW] = asrc
    adst_ref[...] = adst
    al = asrc + adst
    al = jnp.maximum(al, 0.2 * al)
    lane = lax.broadcasted_iota(jnp.int32, (1, 16), 1)
    wself = jnp.exp(al) * (lane < H).astype(jnp.float32)
    self_ref[:, 0:D] = h * jnp.dot(wself, r_ref[...],
                                   preferred_element_type=jnp.float32)
    self_ref[:, D:ROW] = wself


def _prep_call(xp, W, A2, R):
    bp = N_TAB // 4
    return pl.pallas_call(
        _prep_body,
        grid=(N_TAB // bp,),
        in_specs=[
            pl.BlockSpec((bp, D), lambda i: (i, 0)),
            pl.BlockSpec((D, D), lambda i: (0, 0)),
            pl.BlockSpec((D, 32), lambda i: (0, 0)),
            pl.BlockSpec((16, D), lambda i: (0, 0)),
        ],
        out_specs=[
            pl.BlockSpec((bp, ROW), lambda i: (i, 0)),
            pl.BlockSpec((bp, 16), lambda i: (i, 0)),
            pl.BlockSpec((bp, ROW), lambda i: (i, 0)),
        ],
        out_shape=[
            jax.ShapeDtypeStruct((N_TAB, ROW), jnp.float32),
            jax.ShapeDtypeStruct((N_TAB, 16), jnp.float32),
            jax.ShapeDtypeStruct((N_TAB, ROW), jnp.float32),
        ],
    )(xp, W, A2, R)



NBUF = 3
GROUPS = CPW // NBUF


def _edge_body(ei_ref, hs_ref, adst_ref,
               outa0_ref, outb0_ref, outa1_ref, outb1_ref,
               g0, g1, g2, d0, d1, d2, si0, si1, si2, di0, di1, di2,
               sc0, sc1, sc2, acc,
               sg0, sg1, sg2, ss0, ss1, ss2, sei0, sei1, sei2):
    gbufs = (g0, g1, g2)
    dbufs = (d0, d1, d2)
    sidxs = (si0, si1, si2)
    didxs = (di0, di1, di2)
    dscats = (sc0, sc1, sc2)
    sgs = (sg0, sg1, sg2)
    sss = (ss0, ss1, ss2)
    seis = (sei0, sei1, sei2)
    c = lax.axis_index("c")
    s = lax.axis_index("s")
    wid = s * NC + c
    groups = ROW // 16

    def zgb(i, carry):
        g0[i // groups, pl.ds((i % groups) * 16, 16)] = jnp.zeros((16,), jnp.float32)
        return carry
    lax.fori_loop(0, CH * groups, zgb, 0)
    r0 = s * RPS
    for t in range(RPS // CH):
        pltpu.sync_copy(g0, acc.at[pl.ds(r0 + t * CH, CH)])
    plsc.subcore_barrier()

    base = wid * (CPW * CH)

    def start_idx(ci, t):
        off = base + ci * CH

        @pl.when(off < E)
        def _():
            pltpu.async_copy(ei_ref.at[pl.ds(off, CH)], sidxs[t], seis[t])
            pltpu.async_copy(ei_ref.at[pl.ds(E + off, CH)], didxs[t], seis[t])

        @pl.when(off >= E)
        def _():
            for i in range(CH // 16):
                padv = N + (lax.iota(jnp.int32, 16) & 7)
                sidxs[t][pl.ds(i * 16, 16)] = padv
                didxs[t][pl.ds(i * 16, 16)] = padv

    def wait_idx(ci, t):
        off = base + ci * CH

        @pl.when(off < E)
        def _():
            pltpu.make_async_copy(ei_ref.at[pl.ds(0, CH)], sidxs[t], seis[t]).wait()
            pltpu.make_async_copy(ei_ref.at[pl.ds(0, CH)], didxs[t], seis[t]).wait()

    def start_gather(t):
        pltpu.async_copy(hs_ref.at[sidxs[t]], gbufs[t], sgs[t])
        pltpu.async_copy(adst_ref.at[didxs[t]], dbufs[t], sgs[t])

    def wait_gather(t):
        pltpu.make_async_copy(hs_ref.at[pl.ds(0, CH)], gbufs[t], sgs[t]).wait()
        pltpu.make_async_copy(adst_ref.at[pl.ds(0, CH)], dbufs[t], sgs[t]).wait()

    def wait_scatter(t):
        pltpu.make_async_copy(hs_ref.at[pl.ds(0, CH)], gbufs[t], sss[t]).wait()

    for t in range(NBUF):
        start_idx(jnp.int32(t), t)
    for t in range(NBUF - 1):
        wait_idx(jnp.int32(t), t)
        start_gather(t)

    def group(g, carry):
        for t in range(NBUF):
            ci = NBUF * g + t
            gbuf = gbufs[t]
            dbuf = dbufs[t]
            didx = didxs[t]
            dscat = dscats[t]
            fb = (t + NBUF - 1) % NBUF
            wait_gather(t)
            for i in range(CH // 16):
                dscat[pl.ds(i * 16, 16)] = didx[pl.ds(i * 16, 16)]

            @plsc.parallel_loop(0, CH, 1, unroll=4)
            def edge(k):
                al = gbuf[k, pl.ds(D, 16)] + dbuf[k, :]
                al = jnp.maximum(al, 0.2 * al)
                w = jnp.exp(al)
                gbuf[k, pl.ds(D, 16)] = w
                dn = lax.GatherDimensionNumbers(
                    offset_dims=(), collapsed_slice_dims=(0,),
                    start_index_map=(0,))
                for j in range(H):
                    wj = lax.gather(
                        w, jnp.full((16, 1), j, jnp.int32), dn, slice_sizes=(1,),
                        mode=lax.GatherScatterMode.PROMISE_IN_BOUNDS)
                    gbuf[k, pl.ds(j * 16, 16)] = gbuf[k, pl.ds(j * 16, 16)] * wj
            pltpu.async_copy(gbuf, acc.at[dscat], sss[t], add=True)

            if t == 0:
                @pl.when(g > 0)
                def _():
                    wait_scatter(fb)
                wait_idx(ci + NBUF - 1, fb)
                start_gather(fb)
            else:
                wait_scatter(fb)

                @pl.when(g < GROUPS - 1)
                def _():
                    wait_idx(ci + NBUF - 1, fb)
                    start_gather(fb)

            @pl.when(g < GROUPS - 1)
            def _():
                start_idx(ci + NBUF, t)
        return carry
    lax.fori_loop(0, GROUPS, group, 0)

    wait_scatter(NBUF - 1)
    plsc.subcore_barrier()

    @pl.when(c == 0)
    def _():
        for t in range(RPS // CH):
            rr = r0 + t * CH
            pltpu.sync_copy(acc.at[pl.ds(rr, CH), pl.ds(0, D)],
                            outa0_ref.at[pl.ds(rr, CH)])
            pltpu.sync_copy(acc.at[pl.ds(rr, CH), pl.ds(D, 16)],
                            outb0_ref.at[pl.ds(rr, CH)])

    @pl.when(c == 1)
    def _():
        for t in range(RPS // CH):
            rr = r0 + t * CH
            pltpu.sync_copy(acc.at[pl.ds(rr, CH), pl.ds(0, D)],
                            outa1_ref.at[pl.ds(rr, CH)])
            pltpu.sync_copy(acc.at[pl.ds(rr, CH), pl.ds(D, 16)],
                            outb1_ref.at[pl.ds(rr, CH)])


def _edge_call(eiflat, hs, adst):
    mesh = plsc.VectorSubcoreMesh(core_axis_name="c", subcore_axis_name="s",
                                  num_cores=NC, num_subcores=NS)
    f = pl.kernel(
        _edge_body,
        out_type=[jax.ShapeDtypeStruct((N_ACC, D), jnp.float32),
                  jax.ShapeDtypeStruct((N_ACC, 16), jnp.float32),
                  jax.ShapeDtypeStruct((N_ACC, D), jnp.float32),
                  jax.ShapeDtypeStruct((N_ACC, 16), jnp.float32)],
        mesh=mesh,
        compiler_params=pltpu.CompilerParams(use_tc_tiling_on_sc=False,
                                             needs_layout_passes=False),
        scratch_types=(
            [pltpu.VMEM((CH, ROW), jnp.float32) for _ in range(NBUF)]
            + [pltpu.VMEM((CH, 16), jnp.float32) for _ in range(NBUF)]
            + [pltpu.VMEM((CH,), jnp.int32) for _ in range(3 * NBUF)]
            + [pltpu.VMEM_SHARED((N_ACC, ROW), jnp.float32)]
            + [pltpu.SemaphoreType.DMA for _ in range(3 * NBUF)]
        ),
    )
    return f(eiflat, hs, adst)



def _norm1_body(a0_ref, a1_ref, b0_ref, b1_ref, sf_ref, b_ref, r_ref,
                o_ref, st_ref):
    tot = a0_ref[...] + a1_ref[...] + sf_ref[:, 0:D]
    den16 = b0_ref[...] + b1_ref[...] + sf_ref[:, D:ROW]
    den = jnp.dot(den16, r_ref[...], preferred_element_type=jnp.float32)
    o = tot / den + b_ref[...]
    o_ref[...] = o
    st_ref[0, 0:1, :] = jnp.sum(o, axis=0, keepdims=True)
    st_ref[0, 1:2, :] = jnp.sum(o * o, axis=0, keepdims=True)


def _norm1_call(a0, a1, b0, b1, sf, bias1, R):
    bp = 2000
    return pl.pallas_call(
        _norm1_body,
        grid=(N // bp,),
        in_specs=[
            pl.BlockSpec((bp, D), lambda i: (i, 0)),
            pl.BlockSpec((bp, D), lambda i: (i, 0)),
            pl.BlockSpec((bp, 16), lambda i: (i, 0)),
            pl.BlockSpec((bp, 16), lambda i: (i, 0)),
            pl.BlockSpec((bp, ROW), lambda i: (i, 0)),
            pl.BlockSpec((1, D), lambda i: (0, 0)),
            pl.BlockSpec((16, D), lambda i: (0, 0)),
        ],
        out_specs=[
            pl.BlockSpec((bp, D), lambda i: (i, 0)),
            pl.BlockSpec((1, 2, D), lambda i: (i, 0, 0)),
        ],
        out_shape=[
            jax.ShapeDtypeStruct((N, D), jnp.float32),
            jax.ShapeDtypeStruct((N // bp, 2, D), jnp.float32),
        ],
    )(a0, a1, b0, b1, sf, bias1, R)


def _norm2_body(o_ref, st_ref, x_ref, g_ref, be_ref, out_ref):
    st = jnp.sum(st_ref[...], axis=0)
    m = st[0:1, :] * (1.0 / N)
    v = st[1:2, :] * (1.0 / N) - m * m
    inv = lax.rsqrt(v + 1e-5)
    out_ref[...] = (o_ref[...] - m) * inv * g_ref[...] + be_ref[...] + x_ref[...]


def _norm2_call(o, st, x, g1, b1):
    bp = 2000
    nb = N // bp
    return pl.pallas_call(
        _norm2_body,
        grid=(nb,),
        in_specs=[
            pl.BlockSpec((bp, D), lambda i: (i, 0)),
            pl.BlockSpec((nb, 2, D), lambda i: (0, 0, 0)),
            pl.BlockSpec((bp, D), lambda i: (i, 0)),
            pl.BlockSpec((1, D), lambda i: (0, 0)),
            pl.BlockSpec((1, D), lambda i: (0, 0)),
        ],
        out_specs=pl.BlockSpec((bp, D), lambda i: (i, 0)),
        out_shape=jax.ShapeDtypeStruct((N, D), jnp.float32),
    )(o, st, x, g1, b1)



def kernel(x, edge_index, W, att_src, att_dst, bias, gamma, beta):
    f32 = jnp.float32
    xp = jnp.zeros((N_TAB, D), f32).at[:N].set(x)
    oh16 = (jnp.arange(D)[:, None] // C == jnp.arange(16)[None, :]).astype(f32)
    A2 = jnp.concatenate([att_src.reshape(D)[:, None] * oh16,
                          att_dst.reshape(D)[:, None] * oh16], axis=1)
    R = oh16.T
    hs, adst, selfacc = _prep_call(xp, W, A2, R)

    a0, b0, a1, b1 = _edge_call(edge_index.reshape(2 * E), hs, adst)

    o, st = _norm1_call(a0, a1, b0, b1, selfacc, bias.reshape(1, D), R)
    return _norm2_call(o, st, x, gamma.reshape(1, D), beta.reshape(1, D))

# --- scband reference (transcript-rebuilt; emitter-appended) ---
"""Pipeline reference for scband-gatlayer-3504693313904 (READ-ONLY COPY).

The authoritative reference and input builder live on the scoring server;
editing this copy changes nothing except your own understanding.
"""

import jax, jax.numpy as jnp
import numpy as np

N = 10000
E = 320000
D = 128
H = 8
C = 16  # out_channels // heads

def setup_inputs(seed: int = 0) -> dict:
    key = jax.random.key(seed)
    ks = jax.random.split(key, 8)
    x = jax.random.normal(ks[0], (N, D), dtype=jnp.float32)
    edge_index = jax.random.randint(ks[1], (2, E), 0, N, dtype=jnp.int32)
    W = jax.random.normal(ks[2], (D, H * C), dtype=jnp.float32) * (1.0 / np.sqrt(D))
    att_src = jax.random.normal(ks[3], (H, C), dtype=jnp.float32) * 0.1
    att_dst = jax.random.normal(ks[4], (H, C), dtype=jnp.float32) * 0.1
    bias = jnp.zeros((H * C,), dtype=jnp.float32)
    gamma = jnp.ones((H * C,), dtype=jnp.float32)
    beta = jnp.zeros((H * C,), dtype=jnp.float32)
    return {"x": x, "edge_index": edge_index, "W": W, "att_src": att_src,
            "att_dst": att_dst, "bias": bias, "gamma": gamma, "beta": beta}

def reference(x, edge_index, W, att_src, att_dst, bias, gamma, beta):
    n = x.shape[0]
    # PyG GATConv adds self-loops by default
    loops = jnp.arange(n, dtype=edge_index.dtype)
    ei = jnp.concatenate([edge_index, jnp.stack([loops, loops])], axis=1)
    src, dst = ei[0], ei[1]
    # linear projection per head
    h = (x @ W).reshape(n, H, C)
    # attention logits
    a_src = jnp.sum(h * att_src[None, :, :], axis=-1)  # [N, H]
    a_dst = jnp.sum(h * att_dst[None, :, :], axis=-1)  # [N, H]
    alpha = a_src[src] + a_dst[dst]                    # [E+N, H]
    alpha = jax.nn.leaky_relu(alpha, negative_slope=0.2)
    # segment softmax over incoming edges per dst node
    amax = jax.ops.segment_max(alpha, dst, num_segments=n)
    ex = jnp.exp(alpha - amax[dst])
    denom = jax.ops.segment_sum(ex, dst, num_segments=n)
    attn = ex / (denom[dst] + 1e-16)
    # message passing: weighted sum of source features (dropout skipped, eval)
    msg = h[src] * attn[:, :, None]
    out = jax.ops.segment_sum(msg, dst, num_segments=n).reshape(n, H * C) + bias
    # BatchNorm1d (batch statistics, as in a training-mode forward)
    mean = jnp.mean(out, axis=0)
    var = jnp.var(out, axis=0)
    out = (out - mean) / jnp.sqrt(var + 1e-5) * gamma + beta
    # residual (in_channels == out_channels)
    out = out + x
    return out

if __name__ == "__main__":
    import jax
    _d = setup_inputs()
    print(jax.jit(kernel)(*tuple(_d.values())))

</pallas_src>

<mosaic_0001>
#map = affine_map<(d0, d1) -> (0)>
#map1 = affine_map<(d0, d1) -> (0, 0)>
module attributes {stable_mosaic.version = 14 : i64} {
  func.func @_edge_body(%arg0: i32, %arg1: i32, %arg2: memref<640000xi32, #tpu.memory_space<hbm>>, %arg3: memref<10016x144xf32, #tpu.memory_space<hbm>>, %arg4: memref<10016x16xf32, #tpu.memory_space<hbm>>, %arg5: memref<10240x128xf32, #tpu.memory_space<hbm>>, %arg6: memref<10240x16xf32, #tpu.memory_space<hbm>>, %arg7: memref<10240x128xf32, #tpu.memory_space<hbm>>, %arg8: memref<10240x16xf32, #tpu.memory_space<hbm>>, %arg9: memref<64x144xf32, #tpu.memory_space<vmem>>, %arg10: memref<64x144xf32, #tpu.memory_space<vmem>>, %arg11: memref<64x144xf32, #tpu.memory_space<vmem>>, %arg12: memref<64x16xf32, #tpu.memory_space<vmem>>, %arg13: memref<64x16xf32, #tpu.memory_space<vmem>>, %arg14: memref<64x16xf32, #tpu.memory_space<vmem>>, %arg15: memref<64xi32, #tpu.memory_space<vmem>>, %arg16: memref<64xi32, #tpu.memory_space<vmem>>, %arg17: memref<64xi32, #tpu.memory_space<vmem>>, %arg18: memref<64xi32, #tpu.memory_space<vmem>>, %arg19: memref<64xi32, #tpu.memory_space<vmem>>, %arg20: memref<64xi32, #tpu.memory_space<vmem>>, %arg21: memref<64xi32, #tpu.memory_space<vmem>>, %arg22: memref<64xi32, #tpu.memory_space<vmem>>, %arg23: memref<64xi32, #tpu.memory_space<vmem>>, %arg24: memref<10240x144xf32, #tpu.memory_space<vmem_shared>>, %arg25: memref<!tpu.dma_semaphore, #tpu.memory_space<semaphore_mem>>, %arg26: memref<!tpu.dma_semaphore, #tpu.memory_space<semaphore_mem>>, %arg27: memref<!tpu.dma_semaphore, #tpu.memory_space<semaphore_mem>>, %arg28: memref<!tpu.dma_semaphore, #tpu.memory_space<semaphore_mem>>, %arg29: memref<!tpu.dma_semaphore, #tpu.memory_space<semaphore_mem>>, %arg30: memref<!tpu.dma_semaphore, #tpu.memory_space<semaphore_mem>>, %arg31: memref<!tpu.dma_semaphore, #tpu.memory_space<semaphore_mem>>, %arg32: memref<!tpu.dma_semaphore, #tpu.memory_space<semaphore_mem>>, %arg33: memref<!tpu.dma_semaphore, #tpu.memory_space<semaphore_mem>>) attributes {dimension_semantics = [#tpu.dimension_semantics<core_parallel>, #tpu.dimension_semantics<subcore_parallel>], iteration_bounds = array<i64: 2, 16>, scalar_prefetch = 0 : i64, scratch_operands = 25 : i64, tpu.core_type = #tpu.core_type<sc_vector_subcore>, window_params = [{transform_indices = #map}, {transform_indices = #map1}, {transform_indices = #map1}, {transform_indices = #map1}, {transform_indices = #map1}, {transform_indices = #map1}, {transform_indices = #map1}]} {
    %mul3A = arith.constant 2 : i32
    %mul3A_0 = arith.muli %arg1, %mul3A : i32
    %add3A = arith.addi %mul3A_0, %arg0 : i32
    %scan3A = arith.constant 0 : i32
    %scan3A_1 = arith.constant 0 : i32
    %scan3A_2 = arith.constant 576 : i32
    %scan3A_3 = arith.addi %scan3A_1, %scan3A_2 : i32
    %scan3A_4 = arith.constant 1 : i32
    scf.for %scan3A_118 = %scan3A_1 to %scan3A_3 step %scan3A_4  : i32 {
      %broadcast_in_dim3A = arith.constant 0.000000e+00 : f32
      %broadcast_in_dim3A_119 = vector.broadcast %broadcast_in_dim3A : f32 to vector<16xf32>
      %jit3A = arith.constant 9 : i32
      %div3A = arith.divsi %scan3A_118, %jit3A : i32
      %sign3A = arith.constant 0 : i32
      %sign3A_120 = arith.cmpi sgt, %scan3A_118, %sign3A : i32
      %sign3A_121 = arith.extui %sign3A_120 : i1 to i32
      %sign3A_122 = arith.constant 0 : i32
      %sign3A_123 = arith.cmpi slt, %scan3A_118, %sign3A_122 : i32
      %sign3A_124 = arith.extui %sign3A_123 : i1 to i32
      %sign3A_125 = arith.subi %sign3A_121, %sign3A_124 : i32
      %sign3A_126 = arith.constant 0 : i32
      %sign3A_127 = arith.cmpi sgt, %jit3A, %sign3A_126 : i32
      %sign3A_128 = arith.extui %sign3A_127 : i1 to i32
      %sign3A_129 = arith.constant 0 : i32
      %sign3A_130 = arith.cmpi slt, %jit3A, %sign3A_129 : i32
      %sign3A_131 = arith.extui %sign3A_130 : i1 to i32
      %sign3A_132 = arith.subi %sign3A_128, %sign3A_131 : i32
      %ne3A = arith.cmpi ne, %sign3A_125, %sign3A_132 : i32
      %rem3A = arith.remsi %scan3A_118, %jit3A : i32
      %ne3A_133 = arith.constant 0 : i32
      %ne3A_134 = arith.cmpi ne, %rem3A, %ne3A_133 : i32
      %and3A = arith.andi %ne3A, %ne3A_134 : i1
      %sub3A = arith.constant 1 : i32
      %sub3A_135 = arith.subi %div3A, %sub3A : i32
      %select_n3A = arith.select %and3A, %sub3A_135, %div3A : i32
      %jit3A_136 = arith.constant 9 : i32
      %eq3A_137 = arith.constant 0 : i32
      %eq3A_138 = arith.cmpi eq, %jit3A_136, %eq3A_137 : i32
      %jit3A_139 = arith.constant 1 : i32
      %select_n3A_140 = arith.select %eq3A_138, %jit3A_139, %jit3A_136 : i32
      %rem3A_141 = arith.remsi %scan3A_118, %select_n3A_140 : i32
      %ne3A_142 = arith.constant 0 : i32
      %ne3A_143 = arith.cmpi ne, %rem3A_141, %ne3A_142 : i32
      %lt3A_144 = arith.constant 0 : i32
      %lt3A_145 = arith.cmpi slt, %rem3A_141, %lt3A_144 : i32
      %lt3A_146 = arith.constant 0 : i32
      %lt3A_147 = arith.cmpi slt, %select_n3A_140, %lt3A_146 : i32
      %ne3A_148 = arith.xori %lt3A_145, %lt3A_147 : i1
      %and3A_149 = arith.andi %ne3A_148, %ne3A_143 : i1
      %add3A_150 = arith.addi %rem3A_141, %select_n3A_140 : i32
      %select_n3A_151 = arith.select %and3A_149, %add3A_150, %rem3A_141 : i32
      %mul3A_152 = arith.constant 16 : i32
      %mul3A_153 = arith.muli %select_n3A_151, %mul3A_152 : i32
      %swap3A = arith.index_cast %select_n3A : i32 to index
      %swap3A_154 = arith.index_cast %mul3A_153 : i32 to index
      %swap3A_155 = tpu.vector_load %arg9[%swap3A, %swap3A_154] {strides = array<i32>} : memref<64x144xf32, #tpu.memory_space<vmem>>, vector<16xf32>,
      tpu.vector_store %arg9[%swap3A, %swap3A_154], %broadcast_in_dim3A_119 {strides = array<i32>} : memref<64x144xf32, #tpu.memory_space<vmem>>, vector<16xf32>,
    }
    %scan3A_5 = arith.constant 576 : i32
    %mul3A_6 = arith.constant 640 : i32
    %mul3A_7 = arith.muli %arg1, %mul3A_6 : i32
    %add3A_8 = arith.constant 0 : i32
    %add3A_9 = arith.addi %mul3A_7, %add3A_8 : i32
    "tpu.region"() ({
      %run_scoped3A = tpu.sem_alloc : memref<!tpu.dma_semaphore, #tpu.memory_space<semaphore_mem>>
      %dma_start3A_118 = arith.constant 0 : i32
      %dma_start3A_119 = tpu.memref_slice %arg24[%add3A_9, %dma_start3A_118] : memref<10240x144xf32, #tpu.memory_space<vmem_shared>> -> memref<64x144xf32, #tpu.memory_space<vmem_shared>>
      %dma_start3A_120 = arith.constant 0 : i32
      %dma_start3A_121 = tpu.memref_slice %arg24[%add3A_9, %dma_start3A_120] : memref<10240x144xf32, #tpu.memory_space<vmem_shared>> -> memref<64x144xf32, #tpu.memory_space<vmem_shared>>
      tpu.enqueue_dma source(%arg9 : memref<64x144xf32, #tpu.memory_space<vmem>>) target(%dma_start3A_121 : memref<64x144xf32, #tpu.memory_space<vmem_shared>>) target_semaphore(%run_scoped3A : memref<!tpu.dma_semaphore, #tpu.memory_space<semaphore_mem>>)
      %dma_wait3A_122 = arith.constant 0 : i32
      %dma_wait3A_123 = tpu.memref_slice %arg24[%add3A_9, %dma_wait3A_122] : memref<10240x144xf32, #tpu.memory_space<vmem_shared>> -> memref<64x144xf32, #tpu.memory_space<vmem_shared>>
      %dma_wait3A_124 = arith.constant 0 : i32
      %dma_wait3A_125 = tpu.memref_slice %arg24[%add3A_9, %dma_wait3A_124] : memref<10240x144xf32, #tpu.memory_space<vmem_shared>> -> memref<64x144xf32, #tpu.memory_space<vmem_shared>>
      tpu.wait_dma2 semaphore(%run_scoped3A : memref<!tpu.dma_semaphore, #tpu.memory_space<semaphore_mem>>) src(%arg9 : memref<64x144xf32, #tpu.memory_space<vmem>>) dst(%dma_wait3A_125 : memref<64x144xf32, #tpu.memory_space<vmem_shared>>)
      tpu.yield
    }) : () -> ()
    %add3A_10 = arith.constant 64 : i32
    %add3A_11 = arith.addi %mul3A_7, %add3A_10 : i32
    "tpu.region"() ({
      %run_scoped3A = tpu.sem_alloc : memref<!tpu.dma_semaphore, #tpu.memory_space<semaphore_mem>>
      %dma_start3A_118 = arith.constant 0 : i32
      %dma_start3A_119 = tpu.memref_slice %arg24[%add3A_11, %dma_start3A_118] : memref<10240x144xf32, #tpu.memory_space<vmem_shared>> -> memref<64x144xf32, #tpu.memory_space<vmem_shared>>
      %dma_start3A_120 = arith.constant 0 : i32
      %dma_start3A_121 = tpu.memref_slice %arg24[%add3A_11, %dma_start3A_120] : memref<10240x144xf32, #tpu.memory_space<vmem_shared>> -> memref<64x144xf32, #tpu.memory_space<vmem_shared>>
      tpu.enqueue_dma source(%arg9 : memref<64x144xf32, #tpu.memory_space<vmem>>) target(%dma_start3A_121 : memref<64x144xf32, #tpu.memory_space<vmem_shared>>) target_semaphore(%run_scoped3A : memref<!tpu.dma_semaphore, #tpu.memory_space<semaphore_mem>>)
      %dma_wait3A_122 = arith.constant 0 : i32
      %dma_wait3A_123 = tpu.memref_slice %arg24[%add3A_11, %dma_wait3A_122] : memref<10240x144xf32, #tpu.memory_space<vmem_shared>> -> memref<64x144xf32, #tpu.memory_space<vmem_shared>>
      %dma_wait3A_124 = arith.constant 0 : i32
      %dma_wait3A_125 = tpu.memref_slice %arg24[%add3A_11, %dma_wait3A_124] : memref<10240x144xf32, #tpu.memory_space<vmem_shared>> -> memref<64x144xf32, #tpu.memory_space<vmem_shared>>
      tpu.wait_dma2 semaphore(%run_scoped3A : memref<!tpu.dma_semaphore, #tpu.memory_space<semaphore_mem>>) src(%arg9 : memref<64x144xf32, #tpu.memory_space<vmem>>) dst(%dma_wait3A_125 : memref<64x144xf32, #tpu.memory_space<vmem_shared>>)
      tpu.yield
    }) : () -> ()
    %add3A_12 = arith.constant 128 : i32
    %add3A_13 = arith.addi %mul3A_7, %add3A_12 : i32
    "tpu.region"() ({
      %run_scoped3A = tpu.sem_alloc : memref<!tpu.dma_semaphore, #tpu.memory_space<semaphore_mem>>
      %dma_start3A_118 = arith.constant 0 : i32
      %dma_start3A_119 = tpu.memref_slice %arg24[%add3A_13, %dma_start3A_118] : memref<10240x144xf32, #tpu.memory_space<vmem_shared>> -> memref<64x144xf32, #tpu.memory_space<vmem_shared>>
      %dma_start3A_120 = arith.constant 0 : i32
      %dma_start3A_121 = tpu.memref_slice %arg24[%add3A_13, %dma_start3A_120] : memref<10240x144xf32, #tpu.memory_space<vmem_shared>> -> memref<64x144xf32, #tpu.memory_space<vmem_shared>>
      tpu.enqueue_dma source(%arg9 : memref<64x144xf32, #tpu.memory_space<vmem>>) target(%dma_start3A_121 : memref<64x144xf32, #tpu.memory_space<vmem_shared>>) target_semaphore(%run_scoped3A : memref<!tpu.dma_semaphore, #tpu.memory_space<semaphore_mem>>)
      %dma_wait3A_122 = arith.constant 0 : i32
      %dma_wait3A_123 = tpu.memref_slice %arg24[%add3A_13, %dma_wait3A_122] : memref<10240x144xf32, #tpu.memory_space<vmem_shared>> -> memref<64x144xf32, #tpu.memory_space<vmem_shared>>
      %dma_wait3A_124 = arith.constant 0 : i32
      %dma_wait3A_125 = tpu.memref_slice %arg24[%add3A_13, %dma_wait3A_124] : memref<10240x144xf32, #tpu.memory_space<vmem_shared>> -> memref<64x144xf32, #tpu.memory_space<vmem_shared>>
      tpu.wait_dma2 semaphore(%run_scoped3A : memref<!tpu.dma_semaphore, #tpu.memory_space<semaphore_mem>>) src(%arg9 : memref<64x144xf32, #tpu.memory_space<vmem>>) dst(%dma_wait3A_125 : memref<64x144xf32, #tpu.memory_space<vmem_shared>>)
      tpu.yield
    }) : () -> ()
    %add3A_14 = arith.constant 192 : i32
    %add3A_15 = arith.addi %mul3A_7, %add3A_14 : i32
    "tpu.region"() ({
      %run_scoped3A = tpu.sem_alloc : memref<!tpu.dma_semaphore, #tpu.memory_space<semaphore_mem>>
      %dma_start3A_118 = arith.constant 0 : i32
      %dma_start3A_119 = tpu.memref_slice %arg24[%add3A_15, %dma_start3A_118] : memref<10240x144xf32, #tpu.memory_space<vmem_shared>> -> memref<64x144xf32, #tpu.memory_space<vmem_shared>>
      %dma_start3A_120 = arith.constant 0 : i32
      %dma_start3A_121 = tpu.memref_slice %arg24[%add3A_15, %dma_start3A_120] : memref<10240x144xf32, #tpu.memory_space<vmem_shared>> -> memref<64x144xf32, #tpu.memory_space<vmem_shared>>
      tpu.enqueue_dma source(%arg9 : memref<64x144xf32, #tpu.memory_space<vmem>>) target(%dma_start3A_121 : memref<64x144xf32, #tpu.memory_space<vmem_shared>>) target_semaphore(%run_scoped3A : memref<!tpu.dma_semaphore, #tpu.memory_space<semaphore_mem>>)
      %dma_wait3A_122 = arith.constant 0 : i32
      %dma_wait3A_123 = tpu.memref_slice %arg24[%add3A_15, %dma_wait3A_122] : memref<10240x144xf32, #tpu.memory_space<vmem_shared>> -> memref<64x144xf32, #tpu.memory_space<vmem_shared>>
      %dma_wait3A_124 = arith.constant 0 : i32
      %dma_wait3A_125 = tpu.memref_slice %arg24[%add3A_15, %dma_wait3A_124] : memref<10240x144xf32, #tpu.memory_space<vmem_shared>> -> memref<64x144xf32, #tpu.memory_space<vmem_shared>>
      tpu.wait_dma2 semaphore(%run_scoped3A : memref<!tpu.dma_semaphore, #tpu.memory_space<semaphore_mem>>) src(%arg9 : memref<64x144xf32, #tpu.memory_space<vmem>>) dst(%dma_wait3A_125 : memref<64x144xf32, #tpu.memory_space<vmem_shared>>)
      tpu.yield
    }) : () -> ()
    %add3A_16 = arith.constant 256 : i32
    %add3A_17 = arith.addi %mul3A_7, %add3A_16 : i32
    "tpu.region"() ({
      %run_scoped3A = tpu.sem_alloc : memref<!tpu.dma_semaphore, #tpu.memory_space<semaphore_mem>>
      %dma_start3A_118 = arith.constant 0 : i32
      %dma_start3A_119 = tpu.memref_slice %arg24[%add3A_17, %dma_start3A_118] : memref<10240x144xf32, #tpu.memory_space<vmem_shared>> -> memref<64x144xf32, #tpu.memory_space<vmem_shared>>
      %dma_start3A_120 = arith.constant 0 : i32
      %dma_start3A_121 = tpu.memref_slice %arg24[%add3A_17, %dma_start3A_120] : memref<10240x144xf32, #tpu.memory_space<vmem_shared>> -> memref<64x144xf32, #tpu.memory_space<vmem_shared>>
      tpu.enqueue_dma source(%arg9 : memref<64x144xf32, #tpu.memory_space<vmem>>) target(%dma_start3A_121 : memref<64x144xf32, #tpu.memory_space<vmem_shared>>) target_semaphore(%run_scoped3A : memref<!tpu.dma_semaphore, #tpu.memory_space<semaphore_mem>>)
      %dma_wait3A_122 = arith.constant 0 : i32
      %dma_wait3A_123 = tpu.memref_slice %arg24[%add3A_17, %dma_wait3A_122] : memref<10240x144xf32, #tpu.memory_space<vmem_shared>> -> memref<64x144xf32, #tpu.memory_space<vmem_shared>>
      %dma_wait3A_124 = arith.constant 0 : i32
      %dma_wait3A_125 = tpu.memref_slice %arg24[%add3A_17, %dma_wait3A_124] : memref<10240x144xf32, #tpu.memory_space<vmem_shared>> -> memref<64x144xf32, #tpu.memory_space<vmem_shared>>
      tpu.wait_dma2 semaphore(%run_scoped3A : memref<!tpu.dma_semaphore, #tpu.memory_space<semaphore_mem>>) src(%arg9 : memref<64x144xf32, #tpu.memory_space<vmem>>) dst(%dma_wait3A_125 : memref<64x144xf32, #tpu.memory_space<vmem_shared>>)
      tpu.yield
    }) : () -> ()
    %add3A_18 = arith.constant 320 : i32
    %add3A_19 = arith.addi %mul3A_7, %add3A_18 : i32
    "tpu.region"() ({
      %run_scoped3A = tpu.sem_alloc : memref<!tpu.dma_semaphore, #tpu.memory_space<semaphore_mem>>
      %dma_start3A_118 = arith.constant 0 : i32
      %dma_start3A_119 = tpu.memref_slice %arg24[%add3A_19, %dma_start3A_118] : memref<10240x144xf32, #tpu.memory_space<vmem_shared>> -> memref<64x144xf32, #tpu.memory_space<vmem_shared>>
      %dma_start3A_120 = arith.constant 0 : i32
      %dma_start3A_121 = tpu.memref_slice %arg24[%add3A_19, %dma_start3A_120] : memref<10240x144xf32, #tpu.memory_space<vmem_shared>> -> memref<64x144xf32, #tpu.memory_space<vmem_shared>>
      tpu.enqueue_dma source(%arg9 : memref<64x144xf32, #tpu.memory_space<vmem>>) target(%dma_start3A_121 : memref<64x144xf32, #tpu.memory_space<vmem_shared>>) target_semaphore(%run_scoped3A : memref<!tpu.dma_semaphore, #tpu.memory_space<semaphore_mem>>)
      %dma_wait3A_122 = arith.constant 0 : i32
      %dma_wait3A_123 = tpu.memref_slice %arg24[%add3A_19, %dma_wait3A_122] : memref<10240x144xf32, #tpu.memory_space<vmem_shared>> -> memref<64x144xf32, #tpu.memory_space<vmem_shared>>
      %dma_wait3A_124 = arith.constant 0 : i32
      %dma_wait3A_125 = tpu.memref_slice %arg24[%add3A_19, %dma_wait3A_124] : memref<10240x144xf32, #tpu.memory_space<vmem_shared>> -> memref<64x144xf32, #tpu.memory_space<vmem_shared>>
      tpu.wait_dma2 semaphore(%run_scoped3A : memref<!tpu.dma_semaphore, #tpu.memory_space<semaphore_mem>>) src(%arg9 : memref<64x144xf32, #tpu.memory_space<vmem>>) dst(%dma_wait3A_125 : memref<64x144xf32, #tpu.memory_space<vmem_shared>>)
      tpu.yield
    }) : () -> ()
    %add3A_20 = arith.constant 384 : i32
    %add3A_21 = arith.addi %mul3A_7, %add3A_20 : i32
    "tpu.region"() ({
      %run_scoped3A = tpu.sem_alloc : memref<!tpu.dma_semaphore, #tpu.memory_space<semaphore_mem>>
      %dma_start3A_118 = arith.constant 0 : i32
      %dma_start3A_119 = tpu.memref_slice %arg24[%add3A_21, %dma_start3A_118] : memref<10240x144xf32, #tpu.memory_space<vmem_shared>> -> memref<64x144xf32, #tpu.memory_space<vmem_shared>>
      %dma_start3A_120 = arith.constant 0 : i32
      %dma_start3A_121 = tpu.memref_slice %arg24[%add3A_21, %dma_start3A_120] : memref<10240x144xf32, #tpu.memory_space<vmem_shared>> -> memref<64x144xf32, #tpu.memory_space<vmem_shared>>
      tpu.enqueue_dma source(%arg9 : memref<64x144xf32, #tpu.memory_space<vmem>>) target(%dma_start3A_121 : memref<64x144xf32, #tpu.memory_space<vmem_shared>>) target_semaphore(%run_scoped3A : memref<!tpu.dma_semaphore, #tpu.memory_space<semaphore_mem>>)
      %dma_wait3A_122 = arith.constant 0 : i32
      %dma_wait3A_123 = tpu.memref_slice %arg24[%add3A_21, %dma_wait3A_122] : memref<10240x144xf32, #tpu.memory_space<vmem_shared>> -> memref<64x144xf32, #tpu.memory_space<vmem_shared>>
      %dma_wait3A_124 = arith.constant 0 : i32
      %dma_wait3A_125 = tpu.memref_slice %arg24[%add3A_21, %dma_wait3A_124] : memref<10240x144xf32, #tpu.memory_space<vmem_shared>> -> memref<64x144xf32, #tpu.memory_space<vmem_shared>>
      tpu.wait_dma2 semaphore(%run_scoped3A : memref<!tpu.dma_semaphore, #tpu.memory_space<semaphore_mem>>) src(%arg9 : memref<64x144xf32, #tpu.memory_space<vmem>>) dst(%dma_wait3A_125 : memref<64x144xf32, #tpu.memory_space<vmem_shared>>)
      tpu.yield
    }) : () -> ()
    %add3A_22 = arith.constant 448 : i32
    %add3A_23 = arith.addi %mul3A_7, %add3A_22 : i32
    "tpu.region"() ({
      %run_scoped3A = tpu.sem_alloc : memref<!tpu.dma_semaphore, #tpu.memory_space<semaphore_mem>>
      %dma_start3A_118 = arith.constant 0 : i32
      %dma_start3A_119 = tpu.memref_slice %arg24[%add3A_23, %dma_start3A_118] : memref<10240x144xf32, #tpu.memory_space<vmem_shared>> -> memref<64x144xf32, #tpu.memory_space<vmem_shared>>
      %dma_start3A_120 = arith.constant 0 : i32
      %dma_start3A_121 = tpu.memref_slice %arg24[%add3A_23, %dma_start3A_120] : memref<10240x144xf32, #tpu.memory_space<vmem_shared>> -> memref<64x144xf32, #tpu.memory_space<vmem_shared>>
      tpu.enqueue_dma source(%arg9 : memref<64x144xf32, #tpu.memory_space<vmem>>) target(%dma_start3A_121 : memref<64x144xf32, #tpu.memory_space<vmem_shared>>) target_semaphore(%run_scoped3A : memref<!tpu.dma_semaphore, #tpu.memory_space<semaphore_mem>>)
      %dma_wait3A_122 = arith.constant 0 : i32
      %dma_wait3A_123 = tpu.memref_slice %arg24[%add3A_23, %dma_wait3A_122] : memref<10240x144xf32, #tpu.memory_space<vmem_shared>> -> memref<64x144xf32, #tpu.memory_space<vmem_shared>>
      %dma_wait3A_124 = arith.constant 0 : i32
      %dma_wait3A_125 = tpu.memref_slice %arg24[%add3A_23, %dma_wait3A_124] : memref<10240x144xf32, #tpu.memory_space<vmem_shared>> -> memref<64x144xf32, #tpu.memory_space<vmem_shared>>
      tpu.wait_dma2 semaphore(%run_scoped3A : memref<!tpu.dma_semaphore, #tpu.memory_space<semaphore_mem>>) src(%arg9 : memref<64x144xf32, #tpu.memory_space<vmem>>) dst(%dma_wait3A_125 : memref<64x144xf32, #tpu.memory_space<vmem_shared>>)
      tpu.yield
    }) : () -> ()
    %add3A_24 = arith.constant 512 : i32
    %add3A_25 = arith.addi %mul3A_7, %add3A_24 : i32
    "tpu.region"() ({
      %run_scoped3A = tpu.sem_alloc : memref<!tpu.dma_semaphore, #tpu.memory_space<semaphore_mem>>
      %dma_start3A_118 = arith.constant 0 : i32
      %dma_start3A_119 = tpu.memref_slice %arg24[%add3A_25, %dma_start3A_118] : memref<10240x144xf32, #tpu.memory_space<vmem_shared>> -> memref<64x144xf32, #tpu.memory_space<vmem_shared>>
      %dma_start3A_120 = arith.constant 0 : i32
      %dma_start3A_121 = tpu.memref_slice %arg24[%add3A_25, %dma_start3A_120] : memref<10240x144xf32, #tpu.memory_space<vmem_shared>> -> memref<64x144xf32, #tpu.memory_space<vmem_shared>>
      tpu.enqueue_dma source(%arg9 : memref<64x144xf32, #tpu.memory_space<vmem>>) target(%dma_start3A_121 : memref<64x144xf32, #tpu.memory_space<vmem_shared>>) target_semaphore(%run_scoped3A : memref<!tpu.dma_semaphore, #tpu.memory_space<semaphore_mem>>)
      %dma_wait3A_122 = arith.constant 0 : i32
      %dma_wait3A_123 = tpu.memref_slice %arg24[%add3A_25, %dma_wait3A_122] : memref<10240x144xf32, #tpu.memory_space<vmem_shared>> -> memref<64x144xf32, #tpu.memory_space<vmem_shared>>
      %dma_wait3A_124 = arith.constant 0 : i32
      %dma_wait3A_125 = tpu.memref_slice %arg24[%add3A_25, %dma_wait3A_124] : memref<10240x144xf32, #tpu.memory_space<vmem_shared>> -> memref<64x144xf32, #tpu.memory_space<vmem_shared>>
      tpu.wait_dma2 semaphore(%run_scoped3A : memref<!tpu.dma_semaphore, #tpu.memory_space<semaphore_mem>>) src(%arg9 : memref<64x144xf32, #tpu.memory_space<vmem>>) dst(%dma_wait3A_125 : memref<64x144xf32, #tpu.memory_space<vmem_shared>>)
      tpu.yield
    }) : () -> ()
    %add3A_26 = arith.constant 576 : i32
    %add3A_27 = arith.addi %mul3A_7, %add3A_26 : i32
    "tpu.region"() ({
      %run_scoped3A = tpu.sem_alloc : memref<!tpu.dma_semaphore, #tpu.memory_space<semaphore_mem>>
      %dma_start3A_118 = arith.constant 0 : i32
      %dma_start3A_119 = tpu.memref_slice %arg24[%add3A_27, %dma_start3A_118] : memref<10240x144xf32, #tpu.memory_space<vmem_shared>> -> memref<64x144xf32, #tpu.memory_space<vmem_shared>>
      %dma_start3A_120 = arith.constant 0 : i32
      %dma_start3A_121 = tpu.memref_slice %arg24[%add3A_27, %dma_start3A_120] : memref<10240x144xf32, #tpu.memory_space<vmem_shared>> -> memref<64x144xf32, #tpu.memory_space<vmem_shared>>
      tpu.enqueue_dma source(%arg9 : memref<64x144xf32, #tpu.memory_space<vmem>>) target(%dma_start3A_121 : memref<64x144xf32, #tpu.memory_space<vmem_shared>>) target_semaphore(%run_scoped3A : memref<!tpu.dma_semaphore, #tpu.memory_space<semaphore_mem>>)
      %dma_wait3A_122 = arith.constant 0 : i32
      %dma_wait3A_123 = tpu.memref_slice %arg24[%add3A_27, %dma_wait3A_122] : memref<10240x144xf32, #tpu.memory_space<vmem_shared>> -> memref<64x144xf32, #tpu.memory_space<vmem_shared>>
      %dma_wait3A_124 = arith.constant 0 : i32
      %dma_wait3A_125 = tpu.memref_slice %arg24[%add3A_27, %dma_wait3A_124] : memref<10240x144xf32, #tpu.memory_space<vmem_shared>> -> memref<64x144xf32, #tpu.memory_space<vmem_shared>>
      tpu.wait_dma2 semaphore(%run_scoped3A : memref<!tpu.dma_semaphore, #tpu.memory_space<semaphore_mem>>) src(%arg9 : memref<64x144xf32, #tpu.memory_space<vmem>>) dst(%dma_wait3A_125 : memref<64x144xf32, #tpu.memory_space<vmem_shared>>)
      tpu.yield
    }) : () -> ()
    %barrier3A = arith.constant 0 : index
    tpu.barrier barrier_id(%barrier3A)
    %mul3A_28 = arith.constant 10368 : i32
    %mul3A_29 = arith.muli %add3A, %mul3A_28 : i32
    %mul3A_30 = arith.constant 0 : i32
    %mul3A_31 = arith.constant 64 : i32
    %mul3A_32 = arith.muli %mul3A_30, %mul3A_31 : i32
    %add3A_33 = arith.addi %mul3A_29, %mul3A_32 : i32
    %lt3A = arith.constant 320000 : i32
    %lt3A_34 = arith.cmpi slt, %add3A_33, %lt3A : i32
    %convert_element_type3A = arith.extui %lt3A_34 : i1 to i32
    %cond3A = arith.constant 0 : i32
    %cond3A_35 = arith.cmpi ne, %convert_element_type3A, %cond3A : i32
    scf.if %cond3A_35 {
      %dma_start3A_118 = tpu.memref_slice %arg2[%add3A_33] : memref<640000xi32, #tpu.memory_space<hbm>> -> memref<64xi32, #tpu.memory_space<hbm>>
      %dma_start3A_119 = tpu.memref_slice %arg2[%add3A_33] : memref<640000xi32, #tpu.memory_space<hbm>> -> memref<64xi32, #tpu.memory_space<hbm>>
      tpu.enqueue_dma source(%dma_start3A_119 : memref<64xi32, #tpu.memory_space<hbm>>) target(%arg15 : memref<64xi32, #tpu.memory_space<vmem>>) target_semaphore(%arg31 : memref<!tpu.dma_semaphore, #tpu.memory_space<semaphore_mem>>)
      %add3A_120 = arith.constant 320000 : i32
      %add3A_121 = arith.addi %add3A_120, %add3A_33 : i32
      %dma_start3A_122 = tpu.memref_slice %arg2[%add3A_121] : memref<640000xi32, #tpu.memory_space<hbm>> -> memref<64xi32, #tpu.memory_space<hbm>>
      %dma_start3A_123 = tpu.memref_slice %arg2[%add3A_121] : memref<640000xi32, #tpu.memory_space<hbm>> -> memref<64xi32, #tpu.memory_space<hbm>>
      tpu.enqueue_dma source(%dma_start3A_123 : memref<64xi32, #tpu.memory_space<hbm>>) target(%arg18 : memref<64xi32, #tpu.memory_space<vmem>>) target_semaphore(%arg31 : memref<!tpu.dma_semaphore, #tpu.memory_space<semaphore_mem>>)
    } else {
    }
    %ge3A = arith.constant 320000 : i32
    %ge3A_36 = arith.cmpi sge, %add3A_33, %ge3A : i32
    %convert_element_type3A_37 = arith.extui %ge3A_36 : i1 to i32
    %cond3A_38 = arith.constant 0 : i32
    %cond3A_39 = arith.cmpi ne, %convert_element_type3A_37, %cond3A_38 : i32
    scf.if %cond3A_39 {
      %iota3A = tpu.iota {dimensions = array<i32: 0>} : vector<16xi32>
      %and3A = arith.constant 7 : i32
      %and3A_118 = vector.broadcast %and3A : i32 to vector<16xi32>
      %and3A_119 = arith.andi %iota3A, %and3A_118 : vector<16xi32>
      %add3A_120 = arith.constant 10000 : i32
      %add3A_121 = vector.broadcast %add3A_120 : i32 to vector<16xi32>
      %add3A_122 = arith.addi %add3A_121, %and3A_119 : vector<16xi32>
      %swap3A = arith.constant 0 : index
      %swap3A_123 = tpu.vector_load %arg15[%swap3A] {strides = array<i32>} : memref<64xi32, #tpu.memory_space<vmem>>, vector<16xi32>,
      tpu.vector_store %arg15[%swap3A], %add3A_122 {strides = array<i32>} : memref<64xi32, #tpu.memory_space<vmem>>, vector<16xi32>,
      %swap3A_124 = arith.constant 0 : index
      %swap3A_125 = tpu.vector_load %arg18[%swap3A_124] {strides = array<i32>} : memref<64xi32, #tpu.memory_space<vmem>>, vector<16xi32>,
      tpu.vector_store %arg18[%swap3A_124], %add3A_122 {strides = array<i32>} : memref<64xi32, #tpu.memory_space<vmem>>, vector<16xi32>,
      %iota3A_126 = tpu.iota {dimensions = array<i32: 0>} : vector<16xi32>
      %and3A_127 = arith.constant 7 : i32
      %and3A_128 = vector.broadcast %and3A_127 : i32 to vector<16xi32>
      %and3A_129 = arith.andi %iota3A_126, %and3A_128 : vector<16xi32>
      %add3A_130 = arith.constant 10000 : i32
      %add3A_131 = vector.broadcast %add3A_130 : i32 to vector<16xi32>
      %add3A_132 = arith.addi %add3A_131, %and3A_129 : vector<16xi32>
      %swap3A_133 = arith.constant 16 : index
      %swap3A_134 = tpu.vector_load %arg15[%swap3A_133] {strides = array<i32>} : memref<64xi32, #tpu.memory_space<vmem>>, vector<16xi32>,
      tpu.vector_store %arg15[%swap3A_133], %add3A_132 {strides = array<i32>} : memref<64xi32, #tpu.memory_space<vmem>>, vector<16xi32>,
      %swap3A_135 = arith.constant 16 : index
      %swap3A_136 = tpu.vector_load %arg18[%swap3A_135] {strides = array<i32>} : memref<64xi32, #tpu.memory_space<vmem>>, vector<16xi32>,
      tpu.vector_store %arg18[%swap3A_135], %add3A_132 {strides = array<i32>} : memref<64xi32, #tpu.memory_space<vmem>>, vector<16xi32>,
      %iota3A_137 = tpu.iota {dimensions = array<i32: 0>} : vector<16xi32>
      %and3A_138 = arith.constant 7 : i32
      %and3A_139 = vector.broadcast %and3A_138 : i32 to vector<16xi32>
      %and3A_140 = arith.andi %iota3A_137, %and3A_139 : vector<16xi32>
      %add3A_141 = arith.constant 10000 : i32
      %add3A_142 = vector.broadcast %add3A_141 : i32 to vector<16xi32>
      %add3A_143 = arith.addi %add3A_142, %and3A_140 : vector<16xi32>
      %swap3A_144 = arith.constant 32 : index
      %swap3A_145 = tpu.vector_load %arg15[%swap3A_144] {strides = array<i32>} : memref<64xi32, #tpu.memory_space<vmem>>, vector<16xi32>,
      tpu.vector_store %arg15[%swap3A_144], %add3A_143 {strides = array<i32>} : memref<64xi32, #tpu.memory_space<vmem>>, vector<16xi32>,
      %swap3A_146 = arith.constant 32 : index
      %swap3A_147 = tpu.vector_load %arg18[%swap3A_146] {strides = array<i32>} : memref<64xi32, #tpu.memory_space<vmem>>, vector<16xi32>,
      tpu.vector_store %arg18[%swap3A_146], %add3A_143 {strides = array<i32>} : memref<64xi32, #tpu.memory_space<vmem>>, vector<16xi32>,
      %iota3A_148 = tpu.iota {dimensions = array<i32: 0>} : vector<16xi32>
      %and3A_149 = arith.constant 7 : i32
      %and3A_150 = vector.broadcast %and3A_149 : i32 to vector<16xi32>
      %and3A_151 = arith.andi %iota3A_148, %and3A_150 : vector<16xi32>
      %add3A_152 = arith.constant 10000 : i32
      %add3A_153 = vector.broadcast %add3A_152 : i32 to vector<16xi32>
      %add3A_154 = arith.addi %add3A_153, %and3A_151 : vector<16xi32>
      %swap3A_155 = arith.constant 48 : index
      %swap3A_156 = tpu.vector_load %arg15[%swap3A_155] {strides = array<i32>} : memref<64xi32, #tpu.memory_space<vmem>>, vector<16xi32>,
      tpu.vector_store %arg15[%swap3A_155], %add3A_154 {strides = array<i32>} : memref<64xi32, #tpu.memory_space<vmem>>, vector<16xi32>,
      %swap3A_157 = arith.constant 48 : index
      %swap3A_158 = tpu.vector_load %arg18[%swap3A_157] {strides = array<i32>} : memref<64xi32, #tpu.memory_space<vmem>>, vector<16xi32>,
      tpu.vector_store %arg18[%swap3A_157], %add3A_154 {strides = array<i32>} : memref<64xi32, #tpu.memory_space<vmem>>, vector<16xi32>,
    } else {
    }
    %mul3A_40 = arith.constant 1 : i32
    %mul3A_41 = arith.constant 64 : i32
    %mul3A_42 = arith.muli %mul3A_40, %mul3A_41 : i32
    %add3A_43 = arith.addi %mul3A_29, %mul3A_42 : i32
    %lt3A_44 = arith.constant 320000 : i32
    %lt3A_45 = arith.cmpi slt, %add3A_43, %lt3A_44 : i32
    %convert_element_type3A_46 = arith.extui %lt3A_45 : i1 to i32
    %cond3A_47 = arith.constant 0 : i32
    %cond3A_48 = arith.cmpi ne, %convert_element_type3A_46, %cond3A_47 : i32
    scf.if %cond3A_48 {
      %dma_start3A_118 = tpu.memref_slice %arg2[%add3A_43] : memref<640000xi32, #tpu.memory_space<hbm>> -> memref<64xi32, #tpu.memory_space<hbm>>
      %dma_start3A_119 = tpu.memref_slice %arg2[%add3A_43] : memref<640000xi32, #tpu.memory_space<hbm>> -> memref<64xi32, #tpu.memory_space<hbm>>
      tpu.enqueue_dma source(%dma_start3A_119 : memref<64xi32, #tpu.memory_space<hbm>>) target(%arg16 : memref<64xi32, #tpu.memory_space<vmem>>) target_semaphore(%arg32 : memref<!tpu.dma_semaphore, #tpu.memory_space<semaphore_mem>>)
      %add3A_120 = arith.constant 320000 : i32
      %add3A_121 = arith.addi %add3A_120, %add3A_43 : i32
      %dma_start3A_122 = tpu.memref_slice %arg2[%add3A_121] : memref<640000xi32, #tpu.memory_space<hbm>> -> memref<64xi32, #tpu.memory_space<hbm>>
      %dma_start3A_123 = tpu.memref_slice %arg2[%add3A_121] : memref<640000xi32, #tpu.memory_space<hbm>> -> memref<64xi32, #tpu.memory_space<hbm>>
      tpu.enqueue_dma source(%dma_start3A_123 : memref<64xi32, #tpu.memory_space<hbm>>) target(%arg19 : memref<64xi32, #tpu.memory_space<vmem>>) target_semaphore(%arg32 : memref<!tpu.dma_semaphore, #tpu.memory_space<semaphore_mem>>)
    } else {
    }
    %ge3A_49 = arith.constant 320000 : i32
    %ge3A_50 = arith.cmpi sge, %add3A_43, %ge3A_49 : i32
    %convert_element_type3A_51 = arith.extui %ge3A_50 : i1 to i32
    %cond3A_52 = arith.constant 0 : i32
    %cond3A_53 = arith.cmpi ne, %convert_element_type3A_51, %cond3A_52 : i32
    scf.if %cond3A_53 {
      %iota3A = tpu.iota {dimensions = array<i32: 0>} : vector<16xi32>
      %and3A = arith.constant 7 : i32
      %and3A_118 = vector.broadcast %and3A : i32 to vector<16xi32>
      %and3A_119 = arith.andi %iota3A, %and3A_118 : vector<16xi32>
      %add3A_120 = arith.constant 10000 : i32
      %add3A_121 = vector.broadcast %add3A_120 : i32 to vector<16xi32>
      %add3A_122 = arith.addi %add3A_121, %and3A_119 : vector<16xi32>
      %swap3A = arith.constant 0 : index
      %swap3A_123 = tpu.vector_load %arg16[%swap3A] {strides = array<i32>} : memref<64xi32, #tpu.memory_space<vmem>>, vector<16xi32>,
      tpu.vector_store %arg16[%swap3A], %add3A_122 {strides = array<i32>} : memref<64xi32, #tpu.memory_space<vmem>>, vector<16xi32>,
      %swap3A_124 = arith.constant 0 : index
      %swap3A_125 = tpu.vector_load %arg19[%swap3A_124] {strides = array<i32>} : memref<64xi32, #tpu.memory_space<vmem>>, vector<16xi32>,
      tpu.vector_store %arg19[%swap3A_124], %add3A_122 {strides = array<i32>} : memref<64xi32, #tpu.memory_space<vmem>>, vector<16xi32>,
      %iota3A_126 = tpu.iota {dimensions = array<i32: 0>} : vector<16xi32>
      %and3A_127 = arith.constant 7 : i32
      %and3A_128 = vector.broadcast %and3A_127 : i32 to vector<16xi32>
      %and3A_129 = arith.andi %iota3A_126, %and3A_128 : vector<16xi32>
      %add3A_130 = arith.constant 10000 : i32
      %add3A_131 = vector.broadcast %add3A_130 : i32 to vector<16xi32>
      %add3A_132 = arith.addi %add3A_131, %and3A_129 : vector<16xi32>
      %swap3A_133 = arith.constant 16 : index
      %swap3A_134 = tpu.vector_load %arg16[%swap3A_133] {strides = array<i32>} : memref<64xi32, #tpu.memory_space<vmem>>, vector<16xi32>,
      tpu.vector_store %arg16[%swap3A_133], %add3A_132 {strides = array<i32>} : memref<64xi32, #tpu.memory_space<vmem>>, vector<16xi32>,
      %swap3A_135 = arith.constant 16 : index
      %swap3A_136 = tpu.vector_load %arg19[%swap3A_135] {strides = array<i32>} : memref<64xi32, #tpu.memory_space<vmem>>, vector<16xi32>,
      tpu.vector_store %arg19[%swap3A_135], %add3A_132 {strides = array<i32>} : memref<64xi32, #tpu.memory_space<vmem>>, vector<16xi32>,
      %iota3A_137 = tpu.iota {dimensions = array<i32: 0>} : vector<16xi32>
      %and3A_138 = arith.constant 7 : i32
      %and3A_139 = vector.broadcast %and3A_138 : i32 to vector<16xi32>
      %and3A_140 = arith.andi %iota3A_137, %and3A_139 : vector<16xi32>
      %add3A_141 = arith.constant 10000 : i32
      %add3A_142 = vector.broadcast %add3A_141 : i32 to vector<16xi32>
      %add3A_143 = arith.addi %add3A_142, %and3A_140 : vector<16xi32>
      %swap3A_144 = arith.constant 32 : index
      %swap3A_145 = tpu.vector_load %arg16[%swap3A_144] {strides = array<i32>} : memref<64xi32, #tpu.memory_space<vmem>>, vector<16xi32>,
      tpu.vector_store %arg16[%swap3A_144], %add3A_143 {strides = array<i32>} : memref<64xi32, #tpu.memory_space<vmem>>, vector<16xi32>,
      %swap3A_146 = arith.constant 32 : index
      %swap3A_147 = tpu.vector_load %arg19[%swap3A_146] {strides = array<i32>} : memref<64xi32, #tpu.memory_space<vmem>>, vector<16xi32>,
      tpu.vector_store %arg19[%swap3A_146], %add3A_143 {strides = array<i32>} : memref<64xi32, #tpu.memory_space<vmem>>, vector<16xi32>,
      %iota3A_148 = tpu.iota {dimensions = array<i32: 0>} : vector<16xi32>
      %and3A_149 = arith.constant 7 : i32
      %and3A_150 = vector.broadcast %and3A_149 : i32 to vector<16xi32>
      %and3A_151 = arith.andi %iota3A_148, %and3A_150 : vector<16xi32>
      %add3A_152 = arith.constant 10000 : i32
      %add3A_153 = vector.broadcast %add3A_152 : i32 to vector<16xi32>
      %add3A_154 = arith.addi %add3A_153, %and3A_151 : vector<16xi32>
      %swap3A_155 = arith.constant 48 : index
      %swap3A_156 = tpu.vector_load %arg16[%swap3A_155] {strides = array<i32>} : memref<64xi32, #tpu.memory_space<vmem>>, vector<16xi32>,
      tpu.vector_store %arg16[%swap3A_155], %add3A_154 {strides = array<i32>} : memref<64xi32, #tpu.memory_space<vmem>>, vector<16xi32>,
      %swap3A_157 = arith.constant 48 : index
      %swap3A_158 = tpu.vector_load %arg19[%swap3A_157] {strides = array<i32>} : memref<64xi32, #tpu.memory_space<vmem>>, vector<16xi32>,
      tpu.vector_store %arg19[%swap3A_157], %add3A_154 {strides = array<i32>} : memref<64xi32, #tpu.memory_space<vmem>>, vector<16xi32>,
    } else {
    }
    %mul3A_54 = arith.constant 2 : i32
    %mul3A_55 = arith.constant 64 : i32
    %mul3A_56 = arith.muli %mul3A_54, %mul3A_55 : i32
    %add3A_57 = arith.addi %mul3A_29, %mul3A_56 : i32
    %lt3A_58 = arith.constant 320000 : i32
    %lt3A_59 = arith.cmpi slt, %add3A_57, %lt3A_58 : i32
    %convert_element_type3A_60 = arith.extui %lt3A_59 : i1 to i32
    %cond3A_61 = arith.constant 0 : i32
    %cond3A_62 = arith.cmpi ne, %convert_element_type3A_60, %cond3A_61 : i32
    scf.if %cond3A_62 {
      %dma_start3A_118 = tpu.memref_slice %arg2[%add3A_57] : memref<640000xi32, #tpu.memory_space<hbm>> -> memref<64xi32, #tpu.memory_space<hbm>>
      %dma_start3A_119 = tpu.memref_slice %arg2[%add3A_57] : memref<640000xi32, #tpu.memory_space<hbm>> -> memref<64xi32, #tpu.memory_space<hbm>>
      tpu.enqueue_dma source(%dma_start3A_119 : memref<64xi32, #tpu.memory_space<hbm>>) target(%arg17 : memref<64xi32, #tpu.memory_space<vmem>>) target_semaphore(%arg33 : memref<!tpu.dma_semaphore, #tpu.memory_space<semaphore_mem>>)
      %add3A_120 = arith.constant 320000 : i32
      %add3A_121 = arith.addi %add3A_120, %add3A_57 : i32
      %dma_start3A_122 = tpu.memref_slice %arg2[%add3A_121] : memref<640000xi32, #tpu.memory_space<hbm>> -> memref<64xi32, #tpu.memory_space<hbm>>
      %dma_start3A_123 = tpu.memref_slice %arg2[%add3A_121] : memref<640000xi32, #tpu.memory_space<hbm>> -> memref<64xi32, #tpu.memory_space<hbm>>
      tpu.enqueue_dma source(%dma_start3A_123 : memref<64xi32, #tpu.memory_space<hbm>>) target(%arg20 : memref<64xi32, #tpu.memory_space<vmem>>) target_semaphore(%arg33 : memref<!tpu.dma_semaphore, #tpu.memory_space<semaphore_mem>>)
    } else {
    }
    %ge3A_63 = arith.constant 320000 : i32
    %ge3A_64 = arith.cmpi sge, %add3A_57, %ge3A_63 : i32
    %convert_element_type3A_65 = arith.extui %ge3A_64 : i1 to i32
    %cond3A_66 = arith.constant 0 : i32
    %cond3A_67 = arith.cmpi ne, %convert_element_type3A_65, %cond3A_66 : i32
    scf.if %cond3A_67 {
      %iota3A = tpu.iota {dimensions = array<i32: 0>} : vector<16xi32>
      %and3A = arith.constant 7 : i32
      %and3A_118 = vector.broadcast %and3A : i32 to vector<16xi32>
      %and3A_119 = arith.andi %iota3A, %and3A_118 : vector<16xi32>
      %add3A_120 = arith.constant 10000 : i32
      %add3A_121 = vector.broadcast %add3A_120 : i32 to vector<16xi32>
      %add3A_122 = arith.addi %add3A_121, %and3A_119 : vector<16xi32>
      %swap3A = arith.constant 0 : index
      %swap3A_123 = tpu.vector_load %arg17[%swap3A] {strides = array<i32>} : memref<64xi32, #tpu.memory_space<vmem>>, vector<16xi32>,
      tpu.vector_store %arg17[%swap3A], %add3A_122 {strides = array<i32>} : memref<64xi32, #tpu.memory_space<vmem>>, vector<16xi32>,
      %swap3A_124 = arith.constant 0 : index
      %swap3A_125 = tpu.vector_load %arg20[%swap3A_124] {strides = array<i32>} : memref<64xi32, #tpu.memory_space<vmem>>, vector<16xi32>,
      tpu.vector_store %arg20[%swap3A_124], %add3A_122 {strides = array<i32>} : memref<64xi32, #tpu.memory_space<vmem>>, vector<16xi32>,
      %iota3A_126 = tpu.iota {dimensions = array<i32: 0>} : vector<16xi32>
      %and3A_127 = arith.constant 7 : i32
      %and3A_128 = vector.broadcast %and3A_127 : i32 to vector<16xi32>
      %and3A_129 = arith.andi %iota3A_126, %and3A_128 : vector<16xi32>
      %add3A_130 = arith.constant 10000 : i32
      %add3A_131 = vector.broadcast %add3A_130 : i32 to vector<16xi32>
      %add3A_132 = arith.addi %add3A_131, %and3A_129 : vector<16xi32>
      %swap3A_133 = arith.constant 16 : index
      %swap3A_134 = tpu.vector_load %arg17[%swap3A_133] {strides = array<i32>} : memref<64xi32, #tpu.memory_space<vmem>>, vector<16xi32>,
      tpu.vector_store %arg17[%swap3A_133], %add3A_132 {strides = array<i32>} : memref<64xi32, #tpu.memory_space<vmem>>, vector<16xi32>,
      %swap3A_135 = arith.constant 16 : index
      %swap3A_136 = tpu.vector_load %arg20[%swap3A_135] {strides = array<i32>} : memref<64xi32, #tpu.memory_space<vmem>>, vector<16xi32>,
      tpu.vector_store %arg20[%swap3A_135], %add3A_132 {strides = array<i32>} : memref<64xi32, #tpu.memory_space<vmem>>, vector<16xi32>,
      %iota3A_137 = tpu.iota {dimensions = array<i32: 0>} : vector<16xi32>
      %and3A_138 = arith.constant 7 : i32
      %and3A_139 = vector.broadcast %and3A_138 : i32 to vector<16xi32>
      %and3A_140 = arith.andi %iota3A_137, %and3A_139 : vector<16xi32>
      %add3A_141 = arith.constant 10000 : i32
      %add3A_142 = vector.broadcast %add3A_141 : i32 to vector<16xi32>
      %add3A_143 = arith.addi %add3A_142, %and3A_140 : vector<16xi32>
      %swap3A_144 = arith.constant 32 : index
      %swap3A_145 = tpu.vector_load %arg17[%swap3A_144] {strides = array<i32>} : memref<64xi32, #tpu.memory_space<vmem>>, vector<16xi32>,
      tpu.vector_store %arg17[%swap3A_144], %add3A_143 {strides = array<i32>} : memref<64xi32, #tpu.memory_space<vmem>>, vector<16xi32>,
      %swap3A_146 = arith.constant 32 : index
      %swap3A_147 = tpu.vector_load %arg20[%swap3A_146] {strides = array<i32>} : memref<64xi32, #tpu.memory_space<vmem>>, vector<16xi32>,
      tpu.vector_store %arg20[%swap3A_146], %add3A_143 {strides = array<i32>} : memref<64xi32, #tpu.memory_space<vmem>>, vector<16xi32>,
      %iota3A_148 = tpu.iota {dimensions = array<i32: 0>} : vector<16xi32>
      %and3A_149 = arith.constant 7 : i32
      %and3A_150 = vector.broadcast %and3A_149 : i32 to vector<16xi32>
      %and3A_151 = arith.andi %iota3A_148, %and3A_150 : vector<16xi32>
      %add3A_152 = arith.constant 10000 : i32
      %add3A_153 = vector.broadcast %add3A_152 : i32 to vector<16xi32>
      %add3A_154 = arith.addi %add3A_153, %and3A_151 : vector<16xi32>
      %swap3A_155 = arith.constant 48 : index
      %swap3A_156 = tpu.vector_load %arg17[%swap3A_155] {strides = array<i32>} : memref<64xi32, #tpu.memory_space<vmem>>, vector<16xi32>,
      tpu.vector_store %arg17[%swap3A_155], %add3A_154 {strides = array<i32>} : memref<64xi32, #tpu.memory_space<vmem>>, vector<16xi32>,
      %swap3A_157 = arith.constant 48 : index
      %swap3A_158 = tpu.vector_load %arg20[%swap3A_157] {strides = array<i32>} : memref<64xi32, #tpu.memory_space<vmem>>, vector<16xi32>,
      tpu.vector_store %arg20[%swap3A_157], %add3A_154 {strides = array<i32>} : memref<64xi32, #tpu.memory_space<vmem>>, vector<16xi32>,
    } else {
    }
    %mul3A_68 = arith.constant 0 : i32
    %mul3A_69 = arith.constant 64 : i32
    %mul3A_70 = arith.muli %mul3A_68, %mul3A_69 : i32
    %add3A_71 = arith.addi %mul3A_29, %mul3A_70 : i32
    %lt3A_72 = arith.constant 320000 : i32
    %lt3A_73 = arith.cmpi slt, %add3A_71, %lt3A_72 : i32
    %convert_element_type3A_74 = arith.extui %lt3A_73 : i1 to i32
    %cond3A_75 = arith.constant 0 : i32
    %cond3A_76 = arith.cmpi ne, %convert_element_type3A_74, %cond3A_75 : i32
    scf.if %cond3A_76 {
      %dma_wait3A_118 = arith.constant 0 : i32
      %dma_wait3A_119 = tpu.memref_slice %arg2[%dma_wait3A_118] : memref<640000xi32, #tpu.memory_space<hbm>> -> memref<64xi32, #tpu.memory_space<hbm>>
      %dma_wait3A_120 = arith.constant 0 : i32
      %dma_wait3A_121 = tpu.memref_slice %arg2[%dma_wait3A_120] : memref<640000xi32, #tpu.memory_space<hbm>> -> memref<64xi32, #tpu.memory_space<hbm>>
      tpu.wait_dma2 semaphore(%arg31 : memref<!tpu.dma_semaphore, #tpu.memory_space<semaphore_mem>>) src(%dma_wait3A_121 : memref<64xi32, #tpu.memory_space<hbm>>) dst(%arg15 : memref<64xi32, #tpu.memory_space<vmem>>)
      %dma_wait3A_122 = arith.constant 0 : i32
      %dma_wait3A_123 = tpu.memref_slice %arg2[%dma_wait3A_122] : memref<640000xi32, #tpu.memory_space<hbm>> -> memref<64xi32, #tpu.memory_space<hbm>>
      %dma_wait3A_124 = arith.constant 0 : i32
      %dma_wait3A_125 = tpu.memref_slice %arg2[%dma_wait3A_124] : memref<640000xi32, #tpu.memory_space<hbm>> -> memref<64xi32, #tpu.memory_space<hbm>>
      tpu.wait_dma2 semaphore(%arg31 : memref<!tpu.dma_semaphore, #tpu.memory_space<semaphore_mem>>) src(%dma_wait3A_125 : memref<64xi32, #tpu.memory_space<hbm>>) dst(%arg18 : memref<64xi32, #tpu.memory_space<vmem>>)
    } else {
    }
    %dma_start3A = arith.constant 0 : i32
    %dma_start3A_77 = arith.constant 0 : i32
    %dma_start3A_78 = tpu.memref_slice %arg3[%dma_start3A, %dma_start3A_77] : memref<10016x144xf32, #tpu.memory_space<hbm>> -> memref<10016x144xf32, #tpu.memory_space<hbm>>
    tpu.enqueue_indirect_dma source(%dma_start3A_78 : memref<10016x144xf32, #tpu.memory_space<hbm>>) target(%arg9 : memref<64x144xf32, #tpu.memory_space<vmem>>) offsets(%arg15 : memref<64xi32, #tpu.memory_space<vmem>>) semaphore(%arg25 : memref<!tpu.dma_semaphore, #tpu.memory_space<semaphore_mem>>)
    %dma_start3A_79 = arith.constant 0 : i32
    %dma_start3A_80 = arith.constant 0 : i32
    %dma_start3A_81 = tpu.memref_slice %arg4[%dma_start3A_79, %dma_start3A_80] : memref<10016x16xf32, #tpu.memory_space<hbm>> -> memref<10016x16xf32, #tpu.memory_space<hbm>>
    tpu.enqueue_indirect_dma source(%dma_start3A_81 : memref<10016x16xf32, #tpu.memory_space<hbm>>) target(%arg12 : memref<64x16xf32, #tpu.memory_space<vmem>>) offsets(%arg18 : memref<64xi32, #tpu.memory_space<vmem>>) semaphore(%arg25 : memref<!tpu.dma_semaphore, #tpu.memory_space<semaphore_mem>>)
    %mul3A_82 = arith.constant 1 : i32
    %mul3A_83 = arith.constant 64 : i32
    %mul3A_84 = arith.muli %mul3A_82, %mul3A_83 : i32
    %add3A_85 = arith.addi %mul3A_29, %mul3A_84 : i32
    %lt3A_86 = arith.constant 320000 : i32
    %lt3A_87 = arith.cmpi slt, %add3A_85, %lt3A_86 : i32
    %convert_element_type3A_88 = arith.extui %lt3A_87 : i1 to i32
    %cond3A_89 = arith.constant 0 : i32
    %cond3A_90 = arith.cmpi ne, %convert_element_type3A_88, %cond3A_89 : i32
    scf.if %cond3A_90 {
      %dma_wait3A_118 = arith.constant 0 : i32
      %dma_wait3A_119 = tpu.memref_slice %arg2[%dma_wait3A_118] : memref<640000xi32, #tpu.memory_space<hbm>> -> memref<64xi32, #tpu.memory_space<hbm>>
      %dma_wait3A_120 = arith.constant 0 : i32
      %dma_wait3A_121 = tpu.memref_slice %arg2[%dma_wait3A_120] : memref<640000xi32, #tpu.memory_space<hbm>> -> memref<64xi32, #tpu.memory_space<hbm>>
      tpu.wait_dma2 semaphore(%arg32 : memref<!tpu.dma_semaphore, #tpu.memory_space<semaphore_mem>>) src(%dma_wait3A_121 : memref<64xi32, #tpu.memory_space<hbm>>) dst(%arg16 : memref<64xi32, #tpu.memory_space<vmem>>)
      %dma_wait3A_122 = arith.constant 0 : i32
      %dma_wait3A_123 = tpu.memref_slice %arg2[%dma_wait3A_122] : memref<640000xi32, #tpu.memory_space<hbm>> -> memref<64xi32, #tpu.memory_space<hbm>>
      %dma_wait3A_124 = arith.constant 0 : i32
      %dma_wait3A_125 = tpu.memref_slice %arg2[%dma_wait3A_124] : memref<640000xi32, #tpu.memory_space<hbm>> -> memref<64xi32, #tpu.memory_space<hbm>>
      tpu.wait_dma2 semaphore(%arg32 : memref<!tpu.dma_semaphore, #tpu.memory_space<semaphore_mem>>) src(%dma_wait3A_125 : memref<64xi32, #tpu.memory_space<hbm>>) dst(%arg19 : memref<64xi32, #tpu.memory_space<vmem>>)
    } else {
    }
    %dma_start3A_91 = arith.constant 0 : i32
    %dma_start3A_92 = arith.constant 0 : i32
    %dma_start3A_93 = tpu.memref_slice %arg3[%dma_start3A_91, %dma_start3A_92] : memref<10016x144xf32, #tpu.memory_space<hbm>> -> memref<10016x144xf32, #tpu.memory_space<hbm>>
    tpu.enqueue_indirect_dma source(%dma_start3A_93 : memref<10016x144xf32, #tpu.memory_space<hbm>>) target(%arg10 : memref<64x144xf32, #tpu.memory_space<vmem>>) offsets(%arg16 : memref<64xi32, #tpu.memory_space<vmem>>) semaphore(%arg26 : memref<!tpu.dma_semaphore, #tpu.memory_space<semaphore_mem>>)
    %dma_start3A_94 = arith.constant 0 : i32
    %dma_start3A_95 = arith.constant 0 : i32
    %dma_start3A_96 = tpu.memref_slice %arg4[%dma_start3A_94, %dma_start3A_95] : memref<10016x16xf32, #tpu.memory_space<hbm>> -> memref<10016x16xf32, #tpu.memory_space<hbm>>
    tpu.enqueue_indirect_dma source(%dma_start3A_96 : memref<10016x16xf32, #tpu.memory_space<hbm>>) target(%arg13 : memref<64x16xf32, #tpu.memory_space<vmem>>) offsets(%arg19 : memref<64xi32, #tpu.memory_space<vmem>>) semaphore(%arg26 : memref<!tpu.dma_semaphore, #tpu.memory_space<semaphore_mem>>)
    %scan3A_97 = arith.constant 0 : i32
    %scan3A_98 = arith.constant 0 : i32
    %scan3A_99 = arith.constant 54 : i32
    %scan3A_100 = arith.addi %scan3A_98, %scan3A_99 : i32
    %scan3A_101 = arith.constant 1 : i32
    scf.for %scan3A_118 = %scan3A_98 to %scan3A_100 step %scan3A_101  : i32 {
      %mul3A_119 = arith.constant 3 : i32
      %mul3A_120 = arith.muli %mul3A_119, %scan3A_118 : i32
      %add3A_121 = arith.constant 0 : i32
      %add3A_122 = arith.addi %mul3A_120, %add3A_121 : i32
      %dma_wait3A_123 = arith.constant 0 : i32
      %dma_wait3A_124 = arith.constant 0 : i32
      %dma_wait3A_125 = tpu.memref_slice %arg3[%dma_wait3A_123, %dma_wait3A_124] : memref<10016x144xf32, #tpu.memory_space<hbm>> -> memref<64x144xf32, #tpu.memory_space<hbm>>
      %dma_wait3A_126 = arith.constant 0 : i32
      %dma_wait3A_127 = arith.constant 0 : i32
      %dma_wait3A_128 = tpu.memref_slice %arg3[%dma_wait3A_126, %dma_wait3A_127] : memref<10016x144xf32, #tpu.memory_space<hbm>> -> memref<64x144xf32, #tpu.memory_space<hbm>>
      tpu.wait_dma2 semaphore(%arg25 : memref<!tpu.dma_semaphore, #tpu.memory_space<semaphore_mem>>) src(%dma_wait3A_128 : memref<64x144xf32, #tpu.memory_space<hbm>>) dst(%arg9 : memref<64x144xf32, #tpu.memory_space<vmem>>)
      %dma_wait3A_129 = arith.constant 0 : i32
      %dma_wait3A_130 = arith.constant 0 : i32
      %dma_wait3A_131 = tpu.memref_slice %arg4[%dma_wait3A_129, %dma_wait3A_130] : memref<10016x16xf32, #tpu.memory_space<hbm>> -> memref<64x16xf32, #tpu.memory_space<hbm>>
      %dma_wait3A_132 = arith.constant 0 : i32
      %dma_wait3A_133 = arith.constant 0 : i32
      %dma_wait3A_134 = tpu.memref_slice %arg4[%dma_wait3A_132, %dma_wait3A_133] : memref<10016x16xf32, #tpu.memory_space<hbm>> -> memref<64x16xf32, #tpu.memory_space<hbm>>
      tpu.wait_dma2 semaphore(%arg25 : memref<!tpu.dma_semaphore, #tpu.memory_space<semaphore_mem>>) src(%dma_wait3A_134 : memref<64x16xf32, #tpu.memory_space<hbm>>) dst(%arg12 : memref<64x16xf32, #tpu.memory_space<vmem>>)
      %get3A = arith.constant 0 : index
      %get3A_135 = tpu.vector_load %arg18[%get3A] {strides = array<i32>} : memref<64xi32, #tpu.memory_space<vmem>>, vector<16xi32>,
      %swap3A = arith.constant 0 : index
      %swap3A_136 = tpu.vector_load %arg21[%swap3A] {strides = array<i32>} : memref<64xi32, #tpu.memory_space<vmem>>, vector<16xi32>,
      tpu.vector_store %arg21[%swap3A], %get3A_135 {strides = array<i32>} : memref<64xi32, #tpu.memory_space<vmem>>, vector<16xi32>,
      %get3A_137 = arith.constant 16 : index
      %get3A_138 = tpu.vector_load %arg18[%get3A_137] {strides = array<i32>} : memref<64xi32, #tpu.memory_space<vmem>>, vector<16xi32>,
      %swap3A_139 = arith.constant 16 : index
      %swap3A_140 = tpu.vector_load %arg21[%swap3A_139] {strides = array<i32>} : memref<64xi32, #tpu.memory_space<vmem>>, vector<16xi32>,
      tpu.vector_store %arg21[%swap3A_139], %get3A_138 {strides = array<i32>} : memref<64xi32, #tpu.memory_space<vmem>>, vector<16xi32>,
      %get3A_141 = arith.constant 32 : index
      %get3A_142 = tpu.vector_load %arg18[%get3A_141] {strides = array<i32>} : memref<64xi32, #tpu.memory_space<vmem>>, vector<16xi32>,
      %swap3A_143 = arith.constant 32 : index
      %swap3A_144 = tpu.vector_load %arg21[%swap3A_143] {strides = array<i32>} : memref<64xi32, #tpu.memory_space<vmem>>, vector<16xi32>,
      tpu.vector_store %arg21[%swap3A_143], %get3A_142 {strides = array<i32>} : memref<64xi32, #tpu.memory_space<vmem>>, vector<16xi32>,
      %get3A_145 = arith.constant 48 : index
      %get3A_146 = tpu.vector_load %arg18[%get3A_145] {strides = array<i32>} : memref<64xi32, #tpu.memory_space<vmem>>, vector<16xi32>,
      %swap3A_147 = arith.constant 48 : index
      %swap3A_148 = tpu.vector_load %arg21[%swap3A_147] {strides = array<i32>} : memref<64xi32, #tpu.memory_space<vmem>>, vector<16xi32>,
      tpu.vector_store %arg21[%swap3A_147], %get3A_146 {strides = array<i32>} : memref<64xi32, #tpu.memory_space<vmem>>, vector<16xi32>,
      %parallel_loop3A = arith.constant 0 : i32
      %parallel_loop3A_149 = arith.constant 64 : i32
      %parallel_loop3A_150 = arith.constant 1 : i32
      scf.for %parallel_loop3A_288 = %parallel_loop3A to %parallel_loop3A_149 step %parallel_loop3A_150  : i32 {
        %parallel_loop3A_289 = arith.index_cast %parallel_loop3A_288 : i32 to index
        %parallel_loop3A_290 = arith.constant 128 : index
        %parallel_loop3A_291 = tpu.vector_load %arg9[%parallel_loop3A_289, %parallel_loop3A_290] {strides = array<i32>} : memref<64x144xf32, #tpu.memory_space<vmem>>, vector<16xf32>,
        %parallel_loop3A_292 = arith.index_cast %parallel_loop3A_288 : i32 to index
        %parallel_loop3A_293 = arith.constant 0 : index
        %parallel_loop3A_294 = tpu.vector_load %arg12[%parallel_loop3A_292, %parallel_loop3A_293] {strides = array<i32>} : memref<64x16xf32, #tpu.memory_space<vmem>>, vector<16xf32>,
        %parallel_loop3A_295 = arith.addf %parallel_loop3A_291, %parallel_loop3A_294 : vector<16xf32>
        %parallel_loop3A_296 = arith.constant 2.000000e-01 : f32
        %parallel_loop3A_297 = vector.broadcast %parallel_loop3A_296 : f32 to vector<16xf32>
        %parallel_loop3A_298 = arith.mulf %parallel_loop3A_297, %parallel_loop3A_295 : vector<16xf32>
        %parallel_loop3A_299 = arith.maximumf %parallel_loop3A_295, %parallel_loop3A_298 : vector<16xf32>
        %parallel_loop3A_300 = math.exp %parallel_loop3A_299 : vector<16xf32>
        %parallel_loop3A_301 = arith.index_cast %parallel_loop3A_288 : i32 to index
        %parallel_loop3A_302 = arith.constant 128 : index
        %parallel_loop3A_303 = tpu.vector_load %arg9[%parallel_loop3A_301, %parallel_loop3A_302] {strides = array<i32>} : memref<64x144xf32, #tpu.memory_space<vmem>>, vector<16xf32>,
        tpu.vector_store %arg9[%parallel_loop3A_301, %parallel_loop3A_302], %parallel_loop3A_300 {strides = array<i32>} : memref<64x144xf32, #tpu.memory_space<vmem>>, vector<16xf32>,
        %parallel_loop3A_304 = arith.constant 0 : i32
        %parallel_loop3A_305 = vector.broadcast %parallel_loop3A_304 : i32 to vector<16x1xi32>
        %parallel_loop3A_306 = vector.shape_cast %parallel_loop3A_305 : vector<16x1xi32> to vector<16xi32>
        %parallel_loop3A_307 = tpu.dynamic_gather %parallel_loop3A_300[%parallel_loop3A_306] in [0] : vector<16xf32>, vector<16xi32> -> vector<16xf32>
        %parallel_loop3A_308 = arith.index_cast %parallel_loop3A_288 : i32 to index
        %parallel_loop3A_309 = arith.constant 0 : index
        %parallel_loop3A_310 = tpu.vector_load %arg9[%parallel_loop3A_308, %parallel_loop3A_309] {strides = array<i32>} : memref<64x144xf32, #tpu.memory_space<vmem>>, vector<16xf32>,
        %parallel_loop3A_311 = arith.mulf %parallel_loop3A_310, %parallel_loop3A_307 : vector<16xf32>
        %parallel_loop3A_312 = arith.index_cast %parallel_loop3A_288 : i32 to index
        %parallel_loop3A_313 = arith.constant 0 : index
        %parallel_loop3A_314 = tpu.vector_load %arg9[%parallel_loop3A_312, %parallel_loop3A_313] {strides = array<i32>} : memref<64x144xf32, #tpu.memory_space<vmem>>, vector<16xf32>,
        tpu.vector_store %arg9[%parallel_loop3A_312, %parallel_loop3A_313], %parallel_loop3A_311 {strides = array<i32>} : memref<64x144xf32, #tpu.memory_space<vmem>>, vector<16xf32>,
        %parallel_loop3A_315 = arith.constant 1 : i32
        %parallel_loop3A_316 = vector.broadcast %parallel_loop3A_315 : i32 to vector<16x1xi32>
        %parallel_loop3A_317 = vector.shape_cast %parallel_loop3A_316 : vector<16x1xi32> to vector<16xi32>
        %parallel_loop3A_318 = tpu.dynamic_gather %parallel_loop3A_300[%parallel_loop3A_317] in [0] : vector<16xf32>, vector<16xi32> -> vector<16xf32>
        %parallel_loop3A_319 = arith.index_cast %parallel_loop3A_288 : i32 to index
        %parallel_loop3A_320 = arith.constant 16 : index
        %parallel_loop3A_321 = tpu.vector_load %arg9[%parallel_loop3A_319, %parallel_loop3A_320] {strides = array<i32>} : memref<64x144xf32, #tpu.memory_space<vmem>>, vector<16xf32>,
        %parallel_loop3A_322 = arith.mulf %parallel_loop3A_321, %parallel_loop3A_318 : vector<16xf32>
        %parallel_loop3A_323 = arith.index_cast %parallel_loop3A_288 : i32 to index
        %parallel_loop3A_324 = arith.constant 16 : index
        %parallel_loop3A_325 = tpu.vector_load %arg9[%parallel_loop3A_323, %parallel_loop3A_324] {strides = array<i32>} : memref<64x144xf32, #tpu.memory_space<vmem>>, vector<16xf32>,
        tpu.vector_store %arg9[%parallel_loop3A_323, %parallel_loop3A_324], %parallel_loop3A_322 {strides = array<i32>} : memref<64x144xf32, #tpu.memory_space<vmem>>, vector<16xf32>,
        %parallel_loop3A_326 = arith.constant 2 : i32
        %parallel_loop3A_327 = vector.broadcast %parallel_loop3A_326 : i32 to vector<16x1xi32>
        %parallel_loop3A_328 = vector.shape_cast %parallel_loop3A_327 : vector<16x1xi32> to vector<16xi32>
        %parallel_loop3A_329 = tpu.dynamic_gather %parallel_loop3A_300[%parallel_loop3A_328] in [0] : vector<16xf32>, vector<16xi32> -> vector<16xf32>
        %parallel_loop3A_330 = arith.index_cast %parallel_loop3A_288 : i32 to index
        %parallel_loop3A_331 = arith.constant 32 : index
        %parallel_loop3A_332 = tpu.vector_load %arg9[%parallel_loop3A_330, %parallel_loop3A_331] {strides = array<i32>} : memref<64x144xf32, #tpu.memory_space<vmem>>, vector<16xf32>,
        %parallel_loop3A_333 = arith.mulf %parallel_loop3A_332, %parallel_loop3A_329 : vector<16xf32>
        %parallel_loop3A_334 = arith.index_cast %parallel_loop3A_288 : i32 to index
        %parallel_loop3A_335 = arith.constant 32 : index
        %parallel_loop3A_336 = tpu.vector_load %arg9[%parallel_loop3A_334, %parallel_loop3A_335] {strides = array<i32>} : memref<64x144xf32, #tpu.memory_space<vmem>>, vector<16xf32>,
        tpu.vector_store %arg9[%parallel_loop3A_334, %parallel_loop3A_335], %parallel_loop3A_333 {strides = array<i32>} : memref<64x144xf32, #tpu.memory_space<vmem>>, vector<16xf32>,
        %parallel_loop3A_337 = arith.constant 3 : i32
        %parallel_loop3A_338 = vector.broadcast %parallel_loop3A_337 : i32 to vector<16x1xi32>
        %parallel_loop3A_339 = vector.shape_cast %parallel_loop3A_338 : vector<16x1xi32> to vector<16xi32>
        %parallel_loop3A_340 = tpu.dynamic_gather %parallel_loop3A_300[%parallel_loop3A_339] in [0] : vector<16xf32>, vector<16xi32> -> vector<16xf32>
        %parallel_loop3A_341 = arith.index_cast %parallel_loop3A_288 : i32 to index
        %parallel_loop3A_342 = arith.constant 48 : index
        %parallel_loop3A_343 = tpu.vector_load %arg9[%parallel_loop3A_341, %parallel_loop3A_342] {strides = array<i32>} : memref<64x144xf32, #tpu.memory_space<vmem>>, vector<16xf32>,
        %parallel_loop3A_344 = arith.mulf %parallel_loop3A_343, %parallel_loop3A_340 : vector<16xf32>
        %parallel_loop3A_345 = arith.index_cast %parallel_loop3A_288 : i32 to index
        %parallel_loop3A_346 = arith.constant 48 : index
        %parallel_loop3A_347 = tpu.vector_load %arg9[%parallel_loop3A_345, %parallel_loop3A_346] {strides = array<i32>} : memref<64x144xf32, #tpu.memory_space<vmem>>, vector<16xf32>,
        tpu.vector_store %arg9[%parallel_loop3A_345, %parallel_loop3A_346], %parallel_loop3A_344 {strides = array<i32>} : memref<64x144xf32, #tpu.memory_space<vmem>>, vector<16xf32>,
        %parallel_loop3A_348 = arith.constant 4 : i32
        %parallel_loop3A_349 = vector.broadcast %parallel_loop3A_348 : i32 to vector<16x1xi32>
        %parallel_loop3A_350 = vector.shape_cast %parallel_loop3A_349 : vector<16x1xi32> to vector<16xi32>
        %parallel_loop3A_351 = tpu.dynamic_gather %parallel_loop3A_300[%parallel_loop3A_350] in [0] : vector<16xf32>, vector<16xi32> -> vector<16xf32>
        %parallel_loop3A_352 = arith.index_cast %parallel_loop3A_288 : i32 to index
        %parallel_loop3A_353 = arith.constant 64 : index
        %parallel_loop3A_354 = tpu.vector_load %arg9[%parallel_loop3A_352, %parallel_loop3A_353] {strides = array<i32>} : memref<64x144xf32, #tpu.memory_space<vmem>>, vector<16xf32>,
        %parallel_loop3A_355 = arith.mulf %parallel_loop3A_354, %parallel_loop3A_351 : vector<16xf32>
        %parallel_loop3A_356 = arith.index_cast %parallel_loop3A_288 : i32 to index
        %parallel_loop3A_357 = arith.constant 64 : index
        %parallel_loop3A_358 = tpu.vector_load %arg9[%parallel_loop3A_356, %parallel_loop3A_357] {strides = array<i32>} : memref<64x144xf32, #tpu.memory_space<vmem>>, vector<16xf32>,
        tpu.vector_store %arg9[%parallel_loop3A_356, %parallel_loop3A_357], %parallel_loop3A_355 {strides = array<i32>} : memref<64x144xf32, #tpu.memory_space<vmem>>, vector<16xf32>,
        %parallel_loop3A_359 = arith.constant 5 : i32
        %parallel_loop3A_360 = vector.broadcast %parallel_loop3A_359 : i32 to vector<16x1xi32>
        %parallel_loop3A_361 = vector.shape_cast %parallel_loop3A_360 : vector<16x1xi32> to vector<16xi32>
        %parallel_loop3A_362 = tpu.dynamic_gather %parallel_loop3A_300[%parallel_loop3A_361] in [0] : vector<16xf32>, vector<16xi32> -> vector<16xf32>
        %parallel_loop3A_363 = arith.index_cast %parallel_loop3A_288 : i32 to index
        %parallel_loop3A_364 = arith.constant 80 : index
        %parallel_loop3A_365 = tpu.vector_load %arg9[%parallel_loop3A_363, %parallel_loop3A_364] {strides = array<i32>} : memref<64x144xf32, #tpu.memory_space<vmem>>, vector<16xf32>,
        %parallel_loop3A_366 = arith.mulf %parallel_loop3A_365, %parallel_loop3A_362 : vector<16xf32>
        %parallel_loop3A_367 = arith.index_cast %parallel_loop3A_288 : i32 to index
        %parallel_loop3A_368 = arith.constant 80 : index
        %parallel_loop3A_369 = tpu.vector_load %arg9[%parallel_loop3A_367, %parallel_loop3A_368] {strides = array<i32>} : memref<64x144xf32, #tpu.memory_space<vmem>>, vector<16xf32>,
        tpu.vector_store %arg9[%parallel_loop3A_367, %parallel_loop3A_368], %parallel_loop3A_366 {strides = array<i32>} : memref<64x144xf32, #tpu.memory_space<vmem>>, vector<16xf32>,
        %parallel_loop3A_370 = arith.constant 6 : i32
        %parallel_loop3A_371 = vector.broadcast %parallel_loop3A_370 : i32 to vector<16x1xi32>
        %parallel_loop3A_372 = vector.shape_cast %parallel_loop3A_371 : vector<16x1xi32> to vector<16xi32>
        %parallel_loop3A_373 = tpu.dynamic_gather %parallel_loop3A_300[%parallel_loop3A_372] in [0] : vector<16xf32>, vector<16xi32> -> vector<16xf32>
        %parallel_loop3A_374 = arith.index_cast %parallel_loop3A_288 : i32 to index
        %parallel_loop3A_375 = arith.constant 96 : index
        %parallel_loop3A_376 = tpu.vector_load %arg9[%parallel_loop3A_374, %parallel_loop3A_375] {strides = array<i32>} : memref<64x144xf32, #tpu.memory_space<vmem>>, vector<16xf32>,
        %parallel_loop3A_377 = arith.mulf %parallel_loop3A_376, %parallel_loop3A_373 : vector<16xf32>
        %parallel_loop3A_378 = arith.index_cast %parallel_loop3A_288 : i32 to index
        %parallel_loop3A_379 = arith.constant 96 : index
        %parallel_loop3A_380 = tpu.vector_load %arg9[%parallel_loop3A_378, %parallel_loop3A_379] {strides = array<i32>} : memref<64x144xf32, #tpu.memory_space<vmem>>, vector<16xf32>,
        tpu.vector_store %arg9[%parallel_loop3A_378, %parallel_loop3A_379], %parallel_loop3A_377 {strides = array<i32>} : memref<64x144xf32, #tpu.memory_space<vmem>>, vector<16xf32>,
        %parallel_loop3A_381 = arith.constant 7 : i32
        %parallel_loop3A_382 = vector.broadcast %parallel_loop3A_381 : i32 to vector<16x1xi32>
        %parallel_loop3A_383 = vector.shape_cast %parallel_loop3A_382 : vector<16x1xi32> to vector<16xi32>
        %parallel_loop3A_384 = tpu.dynamic_gather %parallel_loop3A_300[%parallel_loop3A_383] in [0] : vector<16xf32>, vector<16xi32> -> vector<16xf32>
        %parallel_loop3A_385 = arith.index_cast %parallel_loop3A_288 : i32 to index
        %parallel_loop3A_386 = arith.constant 112 : index
        %parallel_loop3A_387 = tpu.vector_load %arg9[%parallel_loop3A_385, %parallel_loop3A_386] {strides = array<i32>} : memref<64x144xf32, #tpu.memory_space<vmem>>, vector<16xf32>,
        %parallel_loop3A_388 = arith.mulf %parallel_loop3A_387, %parallel_loop3A_384 : vector<16xf32>
        %parallel_loop3A_389 = arith.index_cast %parallel_loop3A_288 : i32 to index
        %parallel_loop3A_390 = arith.constant 112 : index
        %parallel_loop3A_391 = tpu.vector_load %arg9[%parallel_loop3A_389, %parallel_loop3A_390] {strides = array<i32>} : memref<64x144xf32, #tpu.memory_space<vmem>>, vector<16xf32>,
        tpu.vector_store %arg9[%parallel_loop3A_389, %parallel_loop3A_390], %parallel_loop3A_388 {strides = array<i32>} : memref<64x144xf32, #tpu.memory_space<vmem>>, vector<16xf32>,
      } {sc.loop_unroll_factor = 4 : i64, sc.parallel_access}
      %dma_start3A_151 = arith.constant 0 : i32
      %dma_start3A_152 = arith.constant 0 : i32
      %dma_start3A_153 = tpu.memref_slice %arg24[%dma_start3A_151, %dma_start3A_152] : memref<10240x144xf32, #tpu.memory_space<vmem_shared>> -> memref<10240x144xf32, #tpu.memory_space<vmem_shared>>
      tpu.enqueue_indirect_dma source(%arg9 : memref<64x144xf32, #tpu.memory_space<vmem>>) target(%dma_start3A_153 : memref<10240x144xf32, #tpu.memory_space<vmem_shared>>) offsets(%arg21 : memref<64xi32, #tpu.memory_space<vmem>>) semaphore(%arg28 : memref<!tpu.dma_semaphore, #tpu.memory_space<semaphore_mem>>) {add = true}
      %gt3A = arith.constant 0 : i32
      %gt3A_154 = arith.cmpi sgt, %scan3A_118, %gt3A : i32
      %convert_element_type3A_155 = arith.extui %gt3A_154 : i1 to i32
      %cond3A_156 = arith.constant 0 : i32
      %cond3A_157 = arith.cmpi ne, %convert_element_type3A_155, %cond3A_156 : i32
      scf.if %cond3A_157 {
        %dma_wait3A_288 = arith.constant 0 : i32
        %dma_wait3A_289 = arith.constant 0 : i32
        %dma_wait3A_290 = tpu.memref_slice %arg3[%dma_wait3A_288, %dma_wait3A_289] : memref<10016x144xf32, #tpu.memory_space<hbm>> -> memref<64x144xf32, #tpu.memory_space<hbm>>
        %dma_wait3A_291 = arith.constant 0 : i32
        %dma_wait3A_292 = arith.constant 0 : i32
        %dma_wait3A_293 = tpu.memref_slice %arg3[%dma_wait3A_291, %dma_wait3A_292] : memref<10016x144xf32, #tpu.memory_space<hbm>> -> memref<64x144xf32, #tpu.memory_space<hbm>>
        tpu.wait_dma2 semaphore(%arg30 : memref<!tpu.dma_semaphore, #tpu.memory_space<semaphore_mem>>) src(%dma_wait3A_293 : memref<64x144xf32, #tpu.memory_space<hbm>>) dst(%arg11 : memref<64x144xf32, #tpu.memory_space<vmem>>)
      } else {
      }
      %add3A_158 = arith.constant 3 : i32
      %add3A_159 = arith.addi %add3A_122, %add3A_158 : i32
      %sub3A = arith.constant 1 : i32
      %sub3A_160 = arith.subi %add3A_159, %sub3A : i32
      %mul3A_161 = arith.constant 64 : i32
      %mul3A_162 = arith.muli %sub3A_160, %mul3A_161 : i32
      %add3A_163 = arith.addi %mul3A_29, %mul3A_162 : i32
      %lt3A_164 = arith.constant 320000 : i32
      %lt3A_165 = arith.cmpi slt, %add3A_163, %lt3A_164 : i32
      %convert_element_type3A_166 = arith.extui %lt3A_165 : i1 to i32
      %cond3A_167 = arith.constant 0 : i32
      %cond3A_168 = arith.cmpi ne, %convert_element_type3A_166, %cond3A_167 : i32
      scf.if %cond3A_168 {
        %dma_wait3A_288 = arith.constant 0 : i32
        %dma_wait3A_289 = tpu.memref_slice %arg2[%dma_wait3A_288] : memref<640000xi32, #tpu.memory_space<hbm>> -> memref<64xi32, #tpu.memory_space<hbm>>
        %dma_wait3A_290 = arith.constant 0 : i32
        %dma_wait3A_291 = tpu.memref_slice %arg2[%dma_wait3A_290] : memref<640000xi32, #tpu.memory_space<hbm>> -> memref<64xi32, #tpu.memory_space<hbm>>
        tpu.wait_dma2 semaphore(%arg33 : memref<!tpu.dma_semaphore, #tpu.memory_space<semaphore_mem>>) src(%dma_wait3A_291 : memref<64xi32, #tpu.memory_space<hbm>>) dst(%arg17 : memref<64xi32, #tpu.memory_space<vmem>>)
        %dma_wait3A_292 = arith.constant 0 : i32
        %dma_wait3A_293 = tpu.memref_slice %arg2[%dma_wait3A_292] : memref<640000xi32, #tpu.memory_space<hbm>> -> memref<64xi32, #tpu.memory_space<hbm>>
        %dma_wait3A_294 = arith.constant 0 : i32
        %dma_wait3A_295 = tpu.memref_slice %arg2[%dma_wait3A_294] : memref<640000xi32, #tpu.memory_space<hbm>> -> memref<64xi32, #tpu.memory_space<hbm>>
        tpu.wait_dma2 semaphore(%arg33 : memref<!tpu.dma_semaphore, #tpu.memory_space<semaphore_mem>>) src(%dma_wait3A_295 : memref<64xi32, #tpu.memory_space<hbm>>) dst(%arg20 : memref<64xi32, #tpu.memory_space<vmem>>)
      } else {
      }
      %dma_start3A_169 = arith.constant 0 : i32
      %dma_start3A_170 = arith.constant 0 : i32
      %dma_start3A_171 = tpu.memref_slice %arg3[%dma_start3A_169, %dma_start3A_170] : memref<10016x144xf32, #tpu.memory_space<hbm>> -> memref<10016x144xf32, #tpu.memory_space<hbm>>
      tpu.enqueue_indirect_dma source(%dma_start3A_171 : memref<10016x144xf32, #tpu.memory_space<hbm>>) target(%arg11 : memref<64x144xf32, #tpu.memory_space<vmem>>) offsets(%arg17 : memref<64xi32, #tpu.memory_space<vmem>>) semaphore(%arg27 : memref<!tpu.dma_semaphore, #tpu.memory_space<semaphore_mem>>)
      %dma_start3A_172 = arith.constant 0 : i32
      %dma_start3A_173 = arith.constant 0 : i32
      %dma_start3A_174 = tpu.memref_slice %arg4[%dma_start3A_172, %dma_start3A_173] : memref<10016x16xf32, #tpu.memory_space<hbm>> -> memref<10016x16xf32, #tpu.memory_space<hbm>>
      tpu.enqueue_indirect_dma source(%dma_start3A_174 : memref<10016x16xf32, #tpu.memory_space<hbm>>) target(%arg14 : memref<64x16xf32, #tpu.memory_space<vmem>>) offsets(%arg20 : memref<64xi32, #tpu.memory_space<vmem>>) semaphore(%arg27 : memref<!tpu.dma_semaphore, #tpu.memory_space<semaphore_mem>>)
      %lt3A_175 = arith.constant 53 : i32
      %lt3A_176 = arith.cmpi slt, %scan3A_118, %lt3A_175 : i32
      %convert_element_type3A_177 = arith.extui %lt3A_176 : i1 to i32
      %cond3A_178 = arith.constant 0 : i32
      %cond3A_179 = arith.cmpi ne, %convert_element_type3A_177, %cond3A_178 : i32
      scf.if %cond3A_179 {
        %add3A_288 = arith.constant 3 : i32
        %add3A_289 = arith.addi %add3A_122, %add3A_288 : i32
        %mul3A_290 = arith.constant 64 : i32
        %mul3A_291 = arith.muli %add3A_289, %mul3A_290 : i32
        %add3A_292 = arith.addi %mul3A_29, %mul3A_291 : i32
        %lt3A_293 = arith.constant 320000 : i32
        %lt3A_294 = arith.cmpi slt, %add3A_292, %lt3A_293 : i32
        %convert_element_type3A_295 = arith.extui %lt3A_294 : i1 to i32
        %cond3A_296 = arith.constant 0 : i32
        %cond3A_297 = arith.cmpi ne, %convert_element_type3A_295, %cond3A_296 : i32
        scf.if %cond3A_297 {
          %dma_start3A_303 = tpu.memref_slice %arg2[%add3A_292] : memref<640000xi32, #tpu.memory_space<hbm>> -> memref<64xi32, #tpu.memory_space<hbm>>
          %dma_start3A_304 = tpu.memref_slice %arg2[%add3A_292] : memref<640000xi32, #tpu.memory_space<hbm>> -> memref<64xi32, #tpu.memory_space<hbm>>
          tpu.enqueue_dma source(%dma_start3A_304 : memref<64xi32, #tpu.memory_space<hbm>>) target(%arg15 : memref<64xi32, #tpu.memory_space<vmem>>) target_semaphore(%arg31 : memref<!tpu.dma_semaphore, #tpu.memory_space<semaphore_mem>>)
          %add3A_305 = arith.constant 320000 : i32
          %add3A_306 = arith.addi %add3A_305, %add3A_292 : i32
          %dma_start3A_307 = tpu.memref_slice %arg2[%add3A_306] : memref<640000xi32, #tpu.memory_space<hbm>> -> memref<64xi32, #tpu.memory_space<hbm>>
          %dma_start3A_308 = tpu.memref_slice %arg2[%add3A_306] : memref<640000xi32, #tpu.memory_space<hbm>> -> memref<64xi32, #tpu.memory_space<hbm>>
          tpu.enqueue_dma source(%dma_start3A_308 : memref<64xi32, #tpu.memory_space<hbm>>) target(%arg18 : memref<64xi32, #tpu.memory_space<vmem>>) target_semaphore(%arg31 : memref<!tpu.dma_semaphore, #tpu.memory_space<semaphore_mem>>)
        } else {
        }
        %ge3A_298 = arith.constant 320000 : i32
        %ge3A_299 = arith.cmpi sge, %add3A_292, %ge3A_298 : i32
        %convert_element_type3A_300 = arith.extui %ge3A_299 : i1 to i32
        %cond3A_301 = arith.constant 0 : i32
        %cond3A_302 = arith.cmpi ne, %convert_element_type3A_300, %cond3A_301 : i32
        scf.if %cond3A_302 {
          %iota3A = tpu.iota {dimensions = array<i32: 0>} : vector<16xi32>
          %and3A = arith.constant 7 : i32
          %and3A_303 = vector.broadcast %and3A : i32 to vector<16xi32>
          %and3A_304 = arith.andi %iota3A, %and3A_303 : vector<16xi32>
          %add3A_305 = arith.constant 10000 : i32
          %add3A_306 = vector.broadcast %add3A_305 : i32 to vector<16xi32>
          %add3A_307 = arith.addi %add3A_306, %and3A_304 : vector<16xi32>
          %swap3A_308 = arith.constant 0 : index
          %swap3A_309 = tpu.vector_load %arg15[%swap3A_308] {strides = array<i32>} : memref<64xi32, #tpu.memory_space<vmem>>, vector<16xi32>,
          tpu.vector_store %arg15[%swap3A_308], %add3A_307 {strides = array<i32>} : memref<64xi32, #tpu.memory_space<vmem>>, vector<16xi32>,
          %swap3A_310 = arith.constant 0 : index
          %swap3A_311 = tpu.vector_load %arg18[%swap3A_310] {strides = array<i32>} : memref<64xi32, #tpu.memory_space<vmem>>, vector<16xi32>,
          tpu.vector_store %arg18[%swap3A_310], %add3A_307 {strides = array<i32>} : memref<64xi32, #tpu.memory_space<vmem>>, vector<16xi32>,
          %iota3A_312 = tpu.iota {dimensions = array<i32: 0>} : vector<16xi32>
          %and3A_313 = arith.constant 7 : i32
          %and3A_314 = vector.broadcast %and3A_313 : i32 to vector<16xi32>
          %and3A_315 = arith.andi %iota3A_312, %and3A_314 : vector<16xi32>
          %add3A_316 = arith.constant 10000 : i32
          %add3A_317 = vector.broadcast %add3A_316 : i32 to vector<16xi32>
          %add3A_318 = arith.addi %add3A_317, %and3A_315 : vector<16xi32>
          %swap3A_319 = arith.constant 16 : index
          %swap3A_320 = tpu.vector_load %arg15[%swap3A_319] {strides = array<i32>} : memref<64xi32, #tpu.memory_space<vmem>>, vector<16xi32>,
          tpu.vector_store %arg15[%swap3A_319], %add3A_318 {strides = array<i32>} : memref<64xi32, #tpu.memory_space<vmem>>, vector<16xi32>,
          %swap3A_321 = arith.constant 16 : index
          %swap3A_322 = tpu.vector_load %arg18[%swap3A_321] {strides = array<i32>} : memref<64xi32, #tpu.memory_space<vmem>>, vector<16xi32>,
          tpu.vector_store %arg18[%swap3A_321], %add3A_318 {strides = array<i32>} : memref<64xi32, #tpu.memory_space<vmem>>, vector<16xi32>,
          %iota3A_323 = tpu.iota {dimensions = array<i32: 0>} : vector<16xi32>
          %and3A_324 = arith.constant 7 : i32
          %and3A_325 = vector.broadcast %and3A_324 : i32 to vector<16xi32>
          %and3A_326 = arith.andi %iota3A_323, %and3A_325 : vector<16xi32>
          %add3A_327 = arith.constant 10000 : i32
          %add3A_328 = vector.broadcast %add3A_327 : i32 to vector<16xi32>
          %add3A_329 = arith.addi %add3A_328, %and3A_326 : vector<16xi32>
          %swap3A_330 = arith.constant 32 : index
          %swap3A_331 = tpu.vector_load %arg15[%swap3A_330] {strides = array<i32>} : memref<64xi32, #tpu.memory_space<vmem>>, vector<16xi32>,
          tpu.vector_store %arg15[%swap3A_330], %add3A_329 {strides = array<i32>} : memref<64xi32, #tpu.memory_space<vmem>>, vector<16xi32>,
          %swap3A_332 = arith.constant 32 : index
          %swap3A_333 = tpu.vector_load %arg18[%swap3A_332] {strides = array<i32>} : memref<64xi32, #tpu.memory_space<vmem>>, vector<16xi32>,
          tpu.vector_store %arg18[%swap3A_332], %add3A_329 {strides = array<i32>} : memref<64xi32, #tpu.memory_space<vmem>>, vector<16xi32>,
          %iota3A_334 = tpu.iota {dimensions = array<i32: 0>} : vector<16xi32>
          %and3A_335 = arith.constant 7 : i32
          %and3A_336 = vector.broadcast %and3A_335 : i32 to vector<16xi32>
          %and3A_337 = arith.andi %iota3A_334, %and3A_336 : vector<16xi32>
          %add3A_338 = arith.constant 10000 : i32
          %add3A_339 = vector.broadcast %add3A_338 : i32 to vector<16xi32>
          %add3A_340 = arith.addi %add3A_339, %and3A_337 : vector<16xi32>
          %swap3A_341 = arith.constant 48 : index
          %swap3A_342 = tpu.vector_load %arg15[%swap3A_341] {strides = array<i32>} : memref<64xi32, #tpu.memory_space<vmem>>, vector<16xi32>,
          tpu.vector_store %arg15[%swap3A_341], %add3A_340 {strides = array<i32>} : memref<64xi32, #tpu.memory_space<vmem>>, vector<16xi32>,
          %swap3A_343 = arith.constant 48 : index
          %swap3A_344 = tpu.vector_load %arg18[%swap3A_343] {strides = array<i32>} : memref<64xi32, #tpu.memory_space<vmem>>, vector<16xi32>,
          tpu.vector_store %arg18[%swap3A_343], %add3A_340 {strides = array<i32>} : memref<64xi32, #tpu.memory_space<vmem>>, vector<16xi32>,
        } else {
        }
      } else {
      }
      %mul3A_180 = arith.constant 3 : i32
      %mul3A_181 = arith.muli %mul3A_180, %scan3A_118 : i32
      %add3A_182 = arith.constant 1 : i32
      %add3A_183 = arith.addi %mul3A_181, %add3A_182 : i32
      %dma_wait3A_184 = arith.constant 0 : i32
      %dma_wait3A_185 = arith.constant 0 : i32
      %dma_wait3A_186 = tpu.memref_slice %arg3[%dma_wait3A_184, %dma_wait3A_185] : memref<10016x144xf32, #tpu.memory_space<hbm>> -> memref<64x144xf32, #tpu.memory_space<hbm>>
      %dma_wait3A_187 = arith.constant 0 : i32
      %dma_wait3A_188 = arith.constant 0 : i32
      %dma_wait3A_189 = tpu.memref_slice %arg3[%dma_wait3A_187, %dma_wait3A_188] : memref<10016x144xf32, #tpu.memory_space<hbm>> -> memref<64x144xf32, #tpu.memory_space<hbm>>
      tpu.wait_dma2 semaphore(%arg26 : memref<!tpu.dma_semaphore, #tpu.memory_space<semaphore_mem>>) src(%dma_wait3A_189 : memref<64x144xf32, #tpu.memory_space<hbm>>) dst(%arg10 : memref<64x144xf32, #tpu.memory_space<vmem>>)
      %dma_wait3A_190 = arith.constant 0 : i32
      %dma_wait3A_191 = arith.constant 0 : i32
      %dma_wait3A_192 = tpu.memref_slice %arg4[%dma_wait3A_190, %dma_wait3A_191] : memref<10016x16xf32, #tpu.memory_space<hbm>> -> memref<64x16xf32, #tpu.memory_space<hbm>>
      %dma_wait3A_193 = arith.constant 0 : i32
      %dma_wait3A_194 = arith.constant 0 : i32
      %dma_wait3A_195 = tpu.memref_slice %arg4[%dma_wait3A_193, %dma_wait3A_194] : memref<10016x16xf32, #tpu.memory_space<hbm>> -> memref<64x16xf32, #tpu.memory_space<hbm>>
      tpu.wait_dma2 semaphore(%arg26 : memref<!tpu.dma_semaphore, #tpu.memory_space<semaphore_mem>>) src(%dma_wait3A_195 : memref<64x16xf32, #tpu.memory_space<hbm>>) dst(%arg13 : memref<64x16xf32, #tpu.memory_space<vmem>>)
      %get3A_196 = arith.constant 0 : index
      %get3A_197 = tpu.vector_load %arg19[%get3A_196] {strides = array<i32>} : memref<64xi32, #tpu.memory_space<vmem>>, vector<16xi32>,
      %swap3A_198 = arith.constant 0 : index
      %swap3A_199 = tpu.vector_load %arg22[%swap3A_198] {strides = array<i32>} : memref<64xi32, #tpu.memory_space<vmem>>, vector<16xi32>,
      tpu.vector_store %arg22[%swap3A_198], %get3A_197 {strides = array<i32>} : memref<64xi32, #tpu.memory_space<vmem>>, vector<16xi32>,
      %get3A_200 = arith.constant 16 : index
      %get3A_201 = tpu.vector_load %arg19[%get3A_200] {strides = array<i32>} : memref<64xi32, #tpu.memory_space<vmem>>, vector<16xi32>,
      %swap3A_202 = arith.constant 16 : index
      %swap3A_203 = tpu.vector_load %arg22[%swap3A_202] {strides = array<i32>} : memref<64xi32, #tpu.memory_space<vmem>>, vector<16xi32>,
      tpu.vector_store %arg22[%swap3A_202], %get3A_201 {strides = array<i32>} : memref<64xi32, #tpu.memory_space<vmem>>, vector<16xi32>,
      %get3A_204 = arith.constant 32 : index
      %get3A_205 = tpu.vector_load %arg19[%get3A_204] {strides = array<i32>} : memref<64xi32, #tpu.memory_space<vmem>>, vector<16xi32>,
      %swap3A_206 = arith.constant 32 : index
      %swap3A_207 = tpu.vector_load %arg22[%swap3A_206] {strides = array<i32>} : memref<64xi32, #tpu.memory_space<vmem>>, vector<16xi32>,
      tpu.vector_store %arg22[%swap3A_206], %get3A_205 {strides = array<i32>} : memref<64xi32, #tpu.memory_space<vmem>>, vector<16xi32>,
      %get3A_208 = arith.constant 48 : index
      %get3A_209 = tpu.vector_load %arg19[%get3A_208] {strides = array<i32>} : memref<64xi32, #tpu.memory_space<vmem>>, vector<16xi32>,
      %swap3A_210 = arith.constant 48 : index
      %swap3A_211 = tpu.vector_load %arg22[%swap3A_210] {strides = array<i32>} : memref<64xi32, #tpu.memory_space<vmem>>, vector<16xi32>,
      tpu.vector_store %arg22[%swap3A_210], %get3A_209 {strides = array<i32>} : memref<64xi32, #tpu.memory_space<vmem>>, vector<16xi32>,
      %parallel_loop3A_212 = arith.constant 0 : i32
      %parallel_loop3A_213 = arith.constant 64 : i32
      %parallel_loop3A_214 = arith.constant 1 : i32
      scf.for %parallel_loop3A_288 = %parallel_loop3A_212 to %parallel_loop3A_213 step %parallel_loop3A_214  : i32 {
        %parallel_loop3A_289 = arith.index_cast %parallel_loop3A_288 : i32 to index
        %parallel_loop3A_290 = arith.constant 128 : index
        %parallel_loop3A_291 = tpu.vector_load %arg10[%parallel_loop3A_289, %parallel_loop3A_290] {strides = array<i32>} : memref<64x144xf32, #tpu.memory_space<vmem>>, vector<16xf32>,
        %parallel_loop3A_292 = arith.index_cast %parallel_loop3A_288 : i32 to index
        %parallel_loop3A_293 = arith.constant 0 : index
        %parallel_loop3A_294 = tpu.vector_load %arg13[%parallel_loop3A_292, %parallel_loop3A_293] {strides = array<i32>} : memref<64x16xf32, #tpu.memory_space<vmem>>, vector<16xf32>,
        %parallel_loop3A_295 = arith.addf %parallel_loop3A_291, %parallel_loop3A_294 : vector<16xf32>
        %parallel_loop3A_296 = arith.constant 2.000000e-01 : f32
        %parallel_loop3A_297 = vector.broadcast %parallel_loop3A_296 : f32 to vector<16xf32>
        %parallel_loop3A_298 = arith.mulf %parallel_loop3A_297, %parallel_loop3A_295 : vector<16xf32>
        %parallel_loop3A_299 = arith.maximumf %parallel_loop3A_295, %parallel_loop3A_298 : vector<16xf32>
        %parallel_loop3A_300 = math.exp %parallel_loop3A_299 : vector<16xf32>
        %parallel_loop3A_301 = arith.index_cast %parallel_loop3A_288 : i32 to index
        %parallel_loop3A_302 = arith.constant 128 : index
        %parallel_loop3A_303 = tpu.vector_load %arg10[%parallel_loop3A_301, %parallel_loop3A_302] {strides = array<i32>} : memref<64x144xf32, #tpu.memory_space<vmem>>, vector<16xf32>,
        tpu.vector_store %arg10[%parallel_loop3A_301, %parallel_loop3A_302], %parallel_loop3A_300 {strides = array<i32>} : memref<64x144xf32, #tpu.memory_space<vmem>>, vector<16xf32>,
        %parallel_loop3A_304 = arith.constant 0 : i32
        %parallel_loop3A_305 = vector.broadcast %parallel_loop3A_304 : i32 to vector<16x1xi32>
        %parallel_loop3A_306 = vector.shape_cast %parallel_loop3A_305 : vector<16x1xi32> to vector<16xi32>
        %parallel_loop3A_307 = tpu.dynamic_gather %parallel_loop3A_300[%parallel_loop3A_306] in [0] : vector<16xf32>, vector<16xi32> -> vector<16xf32>
        %parallel_loop3A_308 = arith.index_cast %parallel_loop3A_288 : i32 to index
        %parallel_loop3A_309 = arith.constant 0 : index
        %parallel_loop3A_310 = tpu.vector_load %arg10[%parallel_loop3A_308, %parallel_loop3A_309] {strides = array<i32>} : memref<64x144xf32, #tpu.memory_space<vmem>>, vector<16xf32>,
        %parallel_loop3A_311 = arith.mulf %parallel_loop3A_310, %parallel_loop3A_307 : vector<16xf32>
        %parallel_loop3A_312 = arith.index_cast %parallel_loop3A_288 : i32 to index
        %parallel_loop3A_313 = arith.constant 0 : index
        %parallel_loop3A_314 = tpu.vector_load %arg10[%parallel_loop3A_312, %parallel_loop3A_313] {strides = array<i32>} : memref<64x144xf32, #tpu.memory_space<vmem>>, vector<16xf32>,
        tpu.vector_store %arg10[%parallel_loop3A_312, %parallel_loop3A_313], %parallel_loop3A_311 {strides = array<i32>} : memref<64x144xf32, #tpu.memory_space<vmem>>, vector<16xf32>,
        %parallel_loop3A_315 = arith.constant 1 : i32
        %parallel_loop3A_316 = vector.broadcast %parallel_loop3A_315 : i32 to vector<16x1xi32>
        %parallel_loop3A_317 = vector.shape_cast %parallel_loop3A_316 : vector<16x1xi32> to vector<16xi32>
        %parallel_loop3A_318 = tpu.dynamic_gather %parallel_loop3A_300[%parallel_loop3A_317] in [0] : vector<16xf32>, vector<16xi32> -> vector<16xf32>
        %parallel_loop3A_319 = arith.index_cast %parallel_loop3A_288 : i32 to index
        %parallel_loop3A_320 = arith.constant 16 : index
        %parallel_loop3A_321 = tpu.vector_load %arg10[%parallel_loop3A_319, %parallel_loop3A_320] {strides = array<i32>} : memref<64x144xf32, #tpu.memory_space<vmem>>, vector<16xf32>,
        %parallel_loop3A_322 = arith.mulf %parallel_loop3A_321, %parallel_loop3A_318 : vector<16xf32>
        %parallel_loop3A_323 = arith.index_cast %parallel_loop3A_288 : i32 to index
        %parallel_loop3A_324 = arith.constant 16 : index
        %parallel_loop3A_325 = tpu.vector_load %arg10[%parallel_loop3A_323, %parallel_loop3A_324] {strides = array<i32>} : memref<64x144xf32, #tpu.memory_space<vmem>>, vector<16xf32>,
        tpu.vector_store %arg10[%parallel_loop3A_323, %parallel_loop3A_324], %parallel_loop3A_322 {strides = array<i32>} : memref<64x144xf32, #tpu.memory_space<vmem>>, vector<16xf32>,
        %parallel_loop3A_326 = arith.constant 2 : i32
        %parallel_loop3A_327 = vector.broadcast %parallel_loop3A_326 : i32 to vector<16x1xi32>
        %parallel_loop3A_328 = vector.shape_cast %parallel_loop3A_327 : vector<16x1xi32> to vector<16xi32>
        %parallel_loop3A_329 = tpu.dynamic_gather %parallel_loop3A_300[%parallel_loop3A_328] in [0] : vector<16xf32>, vector<16xi32> -> vector<16xf32>
        %parallel_loop3A_330 = arith.index_cast %parallel_loop3A_288 : i32 to index
        %parallel_loop3A_331 = arith.constant 32 : index
        %parallel_loop3A_332 = tpu.vector_load %arg10[%parallel_loop3A_330, %parallel_loop3A_331] {strides = array<i32>} : memref<64x144xf32, #tpu.memory_space<vmem>>, vector<16xf32>,
        %parallel_loop3A_333 = arith.mulf %parallel_loop3A_332, %parallel_loop3A_329 : vector<16xf32>
        %parallel_loop3A_334 = arith.index_cast %parallel_loop3A_288 : i32 to index
        %parallel_loop3A_335 = arith.constant 32 : index
        %parallel_loop3A_336 = tpu.vector_load %arg10[%parallel_loop3A_334, %parallel_loop3A_335] {strides = array<i32>} : memref<64x144xf32, #tpu.memory_space<vmem>>, vector<16xf32>,
        tpu.vector_store %arg10[%parallel_loop3A_334, %parallel_loop3A_335], %parallel_loop3A_333 {strides = array<i32>} : memref<64x144xf32, #tpu.memory_space<vmem>>, vector<16xf32>,
        %parallel_loop3A_337 = arith.constant 3 : i32
        %parallel_loop3A_338 = vector.broadcast %parallel_loop3A_337 : i32 to vector<16x1xi32>
        %parallel_loop3A_339 = vector.shape_cast %parallel_loop3A_338 : vector<16x1xi32> to vector<16xi32>
        %parallel_loop3A_340 = tpu.dynamic_gather %parallel_loop3A_300[%parallel_loop3A_339] in [0] : vector<16xf32>, vector<16xi32> -> vector<16xf32>
        %parallel_loop3A_341 = arith.index_cast %parallel_loop3A_288 : i32 to index
        %parallel_loop3A_342 = arith.constant 48 : index
        %parallel_loop3A_343 = tpu.vector_load %arg10[%parallel_loop3A_341, %parallel_loop3A_342] {strides = array<i32>} : memref<64x144xf32, #tpu.memory_space<vmem>>, vector<16xf32>,
        %parallel_loop3A_344 = arith.mulf %parallel_loop3A_343, %parallel_loop3A_340 : vector<16xf32>
        %parallel_loop3A_345 = arith.index_cast %parallel_loop3A_288 : i32 to index
        %parallel_loop3A_346 = arith.constant 48 : index
        %parallel_loop3A_347 = tpu.vector_load %arg10[%parallel_loop3A_345, %parallel_loop3A_346] {strides = array<i32>} : memref<64x144xf32, #tpu.memory_space<vmem>>, vector<16xf32>,
        tpu.vector_store %arg10[%parallel_loop3A_345, %parallel_loop3A_346], %parallel_loop3A_344 {strides = array<i32>} : memref<64x144xf32, #tpu.memory_space<vmem>>, vector<16xf32>,
        %parallel_loop3A_348 = arith.constant 4 : i32
        %parallel_loop3A_349 = vector.broadcast %parallel_loop3A_348 : i32 to vector<16x1xi32>
        %parallel_loop3A_350 = vector.shape_cast %parallel_loop3A_349 : vector<16x1xi32> to vector<16xi32>
        %parallel_loop3A_351 = tpu.dynamic_gather %parallel_loop3A_300[%parallel_loop3A_350] in [0] : vector<16xf32>, vector<16xi32> -> vector<16xf32>
        %parallel_loop3A_352 = arith.index_cast %parallel_loop3A_288 : i32 to index
        %parallel_loop3A_353 = arith.constant 64 : index
        %parallel_loop3A_354 = tpu.vector_load %arg10[%parallel_loop3A_352, %parallel_loop3A_353] {strides = array<i32>} : memref<64x144xf32, #tpu.memory_space<vmem>>, vector<16xf32>,
        %parallel_loop3A_355 = arith.mulf %parallel_loop3A_354, %parallel_loop3A_351 : vector<16xf32>
        %parallel_loop3A_356 = arith.index_cast %parallel_loop3A_288 : i32 to index
        %parallel_loop3A_357 = arith.constant 64 : index
        %parallel_loop3A_358 = tpu.vector_load %arg10[%parallel_loop3A_356, %parallel_loop3A_357] {strides = array<i32>} : memref<64x144xf32, #tpu.memory_space<vmem>>, vector<16xf32>,
        tpu.vector_store %arg10[%parallel_loop3A_356, %parallel_loop3A_357], %parallel_loop3A_355 {strides = array<i32>} : memref<64x144xf32, #tpu.memory_space<vmem>>, vector<16xf32>,
        %parallel_loop3A_359 = arith.constant 5 : i32
        %parallel_loop3A_360 = vector.broadcast %parallel_loop3A_359 : i32 to vector<16x1xi32>
        %parallel_loop3A_361 = vector.shape_cast %parallel_loop3A_360 : vector<16x1xi32> to vector<16xi32>
        %parallel_loop3A_362 = tpu.dynamic_gather %parallel_loop3A_300[%parallel_loop3A_361] in [0] : vector<16xf32>, vector<16xi32> -> vector<16xf32>
        %parallel_loop3A_363 = arith.index_cast %parallel_loop3A_288 : i32 to index
        %parallel_loop3A_364 = arith.constant 80 : index
        %parallel_loop3A_365 = tpu.vector_load %arg10[%parallel_loop3A_363, %parallel_loop3A_364] {strides = array<i32>} : memref<64x144xf32, #tpu.memory_space<vmem>>, vector<16xf32>,
        %parallel_loop3A_366 = arith.mulf %parallel_loop3A_365, %parallel_loop3A_362 : vector<16xf32>
        %parallel_loop3A_367 = arith.index_cast %parallel_loop3A_288 : i32 to index
        %parallel_loop3A_368 = arith.constant 80 : index
        %parallel_loop3A_369 = tpu.vector_load %arg10[%parallel_loop3A_367, %parallel_loop3A_368] {strides = array<i32>} : memref<64x144xf32, #tpu.memory_space<vmem>>, vector<16xf32>,
        tpu.vector_store %arg10[%parallel_loop3A_367, %parallel_loop3A_368], %parallel_loop3A_366 {strides = array<i32>} : memref<64x144xf32, #tpu.memory_space<vmem>>, vector<16xf32>,
        %parallel_loop3A_370 = arith.constant 6 : i32
        %parallel_loop3A_371 = vector.broadcast %parallel_loop3A_370 : i32 to vector<16x1xi32>
        %parallel_loop3A_372 = vector.shape_cast %parallel_loop3A_371 : vector<16x1xi32> to vector<16xi32>
        %parallel_loop3A_373 = tpu.dynamic_gather %parallel_loop3A_300[%parallel_loop3A_372] in [0] : vector<16xf32>, vector<16xi32> -> vector<16xf32>
        %parallel_loop3A_374 = arith.index_cast %parallel_loop3A_288 : i32 to index
        %parallel_loop3A_375 = arith.constant 96 : index
        %parallel_loop3A_376 = tpu.vector_load %arg10[%parallel_loop3A_374, %parallel_loop3A_375] {strides = array<i32>} : memref<64x144xf32, #tpu.memory_space<vmem>>, vector<16xf32>,
        %parallel_loop3A_377 = arith.mulf %parallel_loop3A_376, %parallel_loop3A_373 : vector<16xf32>
        %parallel_loop3A_378 = arith.index_cast %parallel_loop3A_288 : i32 to index
        %parallel_loop3A_379 = arith.constant 96 : index
        %parallel_loop3A_380 = tpu.vector_load %arg10[%parallel_loop3A_378, %parallel_loop3A_379] {strides = array<i32>} : memref<64x144xf32, #tpu.memory_space<vmem>>, vector<16xf32>,
        tpu.vector_store %arg10[%parallel_loop3A_378, %parallel_loop3A_379], %parallel_loop3A_377 {strides = array<i32>} : memref<64x144xf32, #tpu.memory_space<vmem>>, vector<16xf32>,
        %parallel_loop3A_381 = arith.constant 7 : i32
        %parallel_loop3A_382 = vector.broadcast %parallel_loop3A_381 : i32 to vector<16x1xi32>
        %parallel_loop3A_383 = vector.shape_cast %parallel_loop3A_382 : vector<16x1xi32> to vector<16xi32>
        %parallel_loop3A_384 = tpu.dynamic_gather %parallel_loop3A_300[%parallel_loop3A_383] in [0] : vector<16xf32>, vector<16xi32> -> vector<16xf32>
        %parallel_loop3A_385 = arith.index_cast %parallel_loop3A_288 : i32 to index
        %parallel_loop3A_386 = arith.constant 112 : index
        %parallel_loop3A_387 = tpu.vector_load %arg10[%parallel_loop3A_385, %parallel_loop3A_386] {strides = array<i32>} : memref<64x144xf32, #tpu.memory_space<vmem>>, vector<16xf32>,
        %parallel_loop3A_388 = arith.mulf %parallel_loop3A_387, %parallel_loop3A_384 : vector<16xf32>
        %parallel_loop3A_389 = arith.index_cast %parallel_loop3A_288 : i32 to index
        %parallel_loop3A_390 = arith.constant 112 : index
        %parallel_loop3A_391 = tpu.vector_load %arg10[%parallel_loop3A_389, %parallel_loop3A_390] {strides = array<i32>} : memref<64x144xf32, #tpu.memory_space<vmem>>, vector<16xf32>,
        tpu.vector_store %arg10[%parallel_loop3A_389, %parallel_loop3A_390], %parallel_loop3A_388 {strides = array<i32>} : memref<64x144xf32, #tpu.memory_space<vmem>>, vector<16xf32>,
      } {sc.loop_unroll_factor = 4 : i64, sc.parallel_access}
      %dma_start3A_215 = arith.constant 0 : i32
      %dma_start3A_216 = arith.constant 0 : i32
      %dma_start3A_217 = tpu.memref_slice %arg24[%dma_start3A_215, %dma_start3A_216] : memref<10240x144xf32, #tpu.memory_space<vmem_shared>> -> memref<10240x144xf32, #tpu.memory_space<vmem_shared>>
      tpu.enqueue_indirect_dma source(%arg10 : memref<64x144xf32, #tpu.memory_space<vmem>>) target(%dma_start3A_217 : memref<10240x144xf32, #tpu.memory_space<vmem_shared>>) offsets(%arg22 : memref<64xi32, #tpu.memory_space<vmem>>) semaphore(%arg29 : memref<!tpu.dma_semaphore, #tpu.memory_space<semaphore_mem>>) {add = true}
      %dma_wait3A_218 = arith.constant 0 : i32
      %dma_wait3A_219 = arith.constant 0 : i32
      %dma_wait3A_220 = tpu.memref_slice %arg3[%dma_wait3A_218, %dma_wait3A_219] : memref<10016x144xf32, #tpu.memory_space<hbm>> -> memref<64x144xf32, #tpu.memory_space<hbm>>
      %dma_wait3A_221 = arith.constant 0 : i32
      %dma_wait3A_222 = arith.constant 0 : i32
      %dma_wait3A_223 = tpu.memref_slice %arg3[%dma_wait3A_221, %dma_wait3A_222] : memref<10016x144xf32, #tpu.memory_space<hbm>> -> memref<64x144xf32, #tpu.memory_space<hbm>>
      tpu.wait_dma2 semaphore(%arg28 : memref<!tpu.dma_semaphore, #tpu.memory_space<semaphore_mem>>) src(%dma_wait3A_223 : memref<64x144xf32, #tpu.memory_space<hbm>>) dst(%arg9 : memref<64x144xf32, #tpu.memory_space<vmem>>)
      %lt3A_224 = arith.constant 53 : i32
      %lt3A_225 = arith.cmpi slt, %scan3A_118, %lt3A_224 : i32
      %convert_element_type3A_226 = arith.extui %lt3A_225 : i1 to i32
      %cond3A_227 = arith.constant 0 : i32
      %cond3A_228 = arith.cmpi ne, %convert_element_type3A_226, %cond3A_227 : i32
      scf.if %cond3A_228 {
        %add3A_288 = arith.constant 3 : i32
        %add3A_289 = arith.addi %add3A_183, %add3A_288 : i32
        %sub3A_290 = arith.constant 1 : i32
        %sub3A_291 = arith.subi %add3A_289, %sub3A_290 : i32
        %mul3A_292 = arith.constant 64 : i32
        %mul3A_293 = arith.muli %sub3A_291, %mul3A_292 : i32
        %add3A_294 = arith.addi %mul3A_29, %mul3A_293 : i32
        %lt3A_295 = arith.constant 320000 : i32
        %lt3A_296 = arith.cmpi slt, %add3A_294, %lt3A_295 : i32
        %convert_element_type3A_297 = arith.extui %lt3A_296 : i1 to i32
        %cond3A_298 = arith.constant 0 : i32
        %cond3A_299 = arith.cmpi ne, %convert_element_type3A_297, %cond3A_298 : i32
        scf.if %cond3A_299 {
          %dma_wait3A_306 = arith.constant 0 : i32
          %dma_wait3A_307 = tpu.memref_slice %arg2[%dma_wait3A_306] : memref<640000xi32, #tpu.memory_space<hbm>> -> memref<64xi32, #tpu.memory_space<hbm>>
          %dma_wait3A_308 = arith.constant 0 : i32
          %dma_wait3A_309 = tpu.memref_slice %arg2[%dma_wait3A_308] : memref<640000xi32, #tpu.memory_space<hbm>> -> memref<64xi32, #tpu.memory_space<hbm>>
          tpu.wait_dma2 semaphore(%arg31 : memref<!tpu.dma_semaphore, #tpu.memory_space<semaphore_mem>>) src(%dma_wait3A_309 : memref<64xi32, #tpu.memory_space<hbm>>) dst(%arg15 : memref<64xi32, #tpu.memory_space<vmem>>)
          %dma_wait3A_310 = arith.constant 0 : i32
          %dma_wait3A_311 = tpu.memref_slice %arg2[%dma_wait3A_310] : memref<640000xi32, #tpu.memory_space<hbm>> -> memref<64xi32, #tpu.memory_space<hbm>>
          %dma_wait3A_312 = arith.constant 0 : i32
          %dma_wait3A_313 = tpu.memref_slice %arg2[%dma_wait3A_312] : memref<640000xi32, #tpu.memory_space<hbm>> -> memref<64xi32, #tpu.memory_space<hbm>>
          tpu.wait_dma2 semaphore(%arg31 : memref<!tpu.dma_semaphore, #tpu.memory_space<semaphore_mem>>) src(%dma_wait3A_313 : memref<64xi32, #tpu.memory_space<hbm>>) dst(%arg18 : memref<64xi32, #tpu.memory_space<vmem>>)
        } else {
        }
        %dma_start3A_300 = arith.constant 0 : i32
        %dma_start3A_301 = arith.constant 0 : i32
        %dma_start3A_302 = tpu.memref_slice %arg3[%dma_start3A_300, %dma_start3A_301] : memref<10016x144xf32, #tpu.memory_space<hbm>> -> memref<10016x144xf32, #tpu.memory_space<hbm>>
        tpu.enqueue_indirect_dma source(%dma_start3A_302 : memref<10016x144xf32, #tpu.memory_space<hbm>>) target(%arg9 : memref<64x144xf32, #tpu.memory_space<vmem>>) offsets(%arg15 : memref<64xi32, #tpu.memory_space<vmem>>) semaphore(%arg25 : memref<!tpu.dma_semaphore, #tpu.memory_space<semaphore_mem>>)
        %dma_start3A_303 = arith.constant 0 : i32
        %dma_start3A_304 = arith.constant 0 : i32
        %dma_start3A_305 = tpu.memref_slice %arg4[%dma_start3A_303, %dma_start3A_304] : memref<10016x16xf32, #tpu.memory_space<hbm>> -> memref<10016x16xf32, #tpu.memory_space<hbm>>
        tpu.enqueue_indirect_dma source(%dma_start3A_305 : memref<10016x16xf32, #tpu.memory_space<hbm>>) target(%arg12 : memref<64x16xf32, #tpu.memory_space<vmem>>) offsets(%arg18 : memref<64xi32, #tpu.memory_space<vmem>>) semaphore(%arg25 : memref<!tpu.dma_semaphore, #tpu.memory_space<semaphore_mem>>)
      } else {
      }
      %lt3A_229 = arith.constant 53 : i32
      %lt3A_230 = arith.cmpi slt, %scan3A_118, %lt3A_229 : i32
      %convert_element_type3A_231 = arith.extui %lt3A_230 : i1 to i32
      %cond3A_232 = arith.constant 0 : i32
      %cond3A_233 = arith.cmpi ne, %convert_element_type3A_231, %cond3A_232 : i32
      scf.if %cond3A_233 {
        %add3A_288 = arith.constant 3 : i32
        %add3A_289 = arith.addi %add3A_183, %add3A_288 : i32
        %mul3A_290 = arith.constant 64 : i32
        %mul3A_291 = arith.muli %add3A_289, %mul3A_290 : i32
        %add3A_292 = arith.addi %mul3A_29, %mul3A_291 : i32
        %lt3A_293 = arith.constant 320000 : i32
        %lt3A_294 = arith.cmpi slt, %add3A_292, %lt3A_293 : i32
        %convert_element_type3A_295 = arith.extui %lt3A_294 : i1 to i32
        %cond3A_296 = arith.constant 0 : i32
        %cond3A_297 = arith.cmpi ne, %convert_element_type3A_295, %cond3A_296 : i32
        scf.if %cond3A_297 {
          %dma_start3A_303 = tpu.memref_slice %arg2[%add3A_292] : memref<640000xi32, #tpu.memory_space<hbm>> -> memref<64xi32, #tpu.memory_space<hbm>>
          %dma_start3A_304 = tpu.memref_slice %arg2[%add3A_292] : memref<640000xi32, #tpu.memory_space<hbm>> -> memref<64xi32, #tpu.memory_space<hbm>>
          tpu.enqueue_dma source(%dma_start3A_304 : memref<64xi32, #tpu.memory_space<hbm>>) target(%arg16 : memref<64xi32, #tpu.memory_space<vmem>>) target_semaphore(%arg32 : memref<!tpu.dma_semaphore, #tpu.memory_space<semaphore_mem>>)
          %add3A_305 = arith.constant 320000 : i32
          %add3A_306 = arith.addi %add3A_305, %add3A_292 : i32
          %dma_start3A_307 = tpu.memref_slice %arg2[%add3A_306] : memref<640000xi32, #tpu.memory_space<hbm>> -> memref<64xi32, #tpu.memory_space<hbm>>
          %dma_start3A_308 = tpu.memref_slice %arg2[%add3A_306] : memref<640000xi32, #tpu.memory_space<hbm>> -> memref<64xi32, #tpu.memory_space<hbm>>
          tpu.enqueue_dma source(%dma_start3A_308 : memref<64xi32, #tpu.memory_space<hbm>>) target(%arg19 : memref<64xi32, #tpu.memory_space<vmem>>) target_semaphore(%arg32 : memref<!tpu.dma_semaphore, #tpu.memory_space<semaphore_mem>>)
        } else {
        }
        %ge3A_298 = arith.constant 320000 : i32
        %ge3A_299 = arith.cmpi sge, %add3A_292, %ge3A_298 : i32
        %convert_element_type3A_300 = arith.extui %ge3A_299 : i1 to i32
        %cond3A_301 = arith.constant 0 : i32
        %cond3A_302 = arith.cmpi ne, %convert_element_type3A_300, %cond3A_301 : i32
        scf.if %cond3A_302 {
          %iota3A = tpu.iota {dimensions = array<i32: 0>} : vector<16xi32>
          %and3A = arith.constant 7 : i32
          %and3A_303 = vector.broadcast %and3A : i32 to vector<16xi32>
          %and3A_304 = arith.andi %iota3A, %and3A_303 : vector<16xi32>
          %add3A_305 = arith.constant 10000 : i32
          %add3A_306 = vector.broadcast %add3A_305 : i32 to vector<16xi32>
          %add3A_307 = arith.addi %add3A_306, %and3A_304 : vector<16xi32>
          %swap3A_308 = arith.constant 0 : index
          %swap3A_309 = tpu.vector_load %arg16[%swap3A_308] {strides = array<i32>} : memref<64xi32, #tpu.memory_space<vmem>>, vector<16xi32>,
          tpu.vector_store %arg16[%swap3A_308], %add3A_307 {strides = array<i32>} : memref<64xi32, #tpu.memory_space<vmem>>, vector<16xi32>,
          %swap3A_310 = arith.constant 0 : index
          %swap3A_311 = tpu.vector_load %arg19[%swap3A_310] {strides = array<i32>} : memref<64xi32, #tpu.memory_space<vmem>>, vector<16xi32>,
          tpu.vector_store %arg19[%swap3A_310], %add3A_307 {strides = array<i32>} : memref<64xi32, #tpu.memory_space<vmem>>, vector<16xi32>,
          %iota3A_312 = tpu.iota {dimensions = array<i32: 0>} : vector<16xi32>
          %and3A_313 = arith.constant 7 : i32
          %and3A_314 = vector.broadcast %and3A_313 : i32 to vector<16xi32>
          %and3A_315 = arith.andi %iota3A_312, %and3A_314 : vector<16xi32>
          %add3A_316 = arith.constant 10000 : i32
          %add3A_317 = vector.broadcast %add3A_316 : i32 to vector<16xi32>
          %add3A_318 = arith.addi %add3A_317, %and3A_315 : vector<16xi32>
          %swap3A_319 = arith.constant 16 : index
          %swap3A_320 = tpu.vector_load %arg16[%swap3A_319] {strides = array<i32>} : memref<64xi32, #tpu.memory_space<vmem>>, vector<16xi32>,
          tpu.vector_store %arg16[%swap3A_319], %add3A_318 {strides = array<i32>} : memref<64xi32, #tpu.memory_space<vmem>>, vector<16xi32>,
          %swap3A_321 = arith.constant 16 : index
          %swap3A_322 = tpu.vector_load %arg19[%swap3A_321] {strides = array<i32>} : memref<64xi32, #tpu.memory_space<vmem>>, vector<16xi32>,
          tpu.vector_store %arg19[%swap3A_321], %add3A_318 {strides = array<i32>} : memref<64xi32, #tpu.memory_space<vmem>>, vector<16xi32>,
          %iota3A_323 = tpu.iota {dimensions = array<i32: 0>} : vector<16xi32>
          %and3A_324 = arith.constant 7 : i32
          %and3A_325 = vector.broadcast %and3A_324 : i32 to vector<16xi32>
          %and3A_326 = arith.andi %iota3A_323, %and3A_325 : vector<16xi32>
          %add3A_327 = arith.constant 10000 : i32
          %add3A_328 = vector.broadcast %add3A_327 : i32 to vector<16xi32>
          %add3A_329 = arith.addi %add3A_328, %and3A_326 : vector<16xi32>
          %swap3A_330 = arith.constant 32 : index
          %swap3A_331 = tpu.vector_load %arg16[%swap3A_330] {strides = array<i32>} : memref<64xi32, #tpu.memory_space<vmem>>, vector<16xi32>,
          tpu.vector_store %arg16[%swap3A_330], %add3A_329 {strides = array<i32>} : memref<64xi32, #tpu.memory_space<vmem>>, vector<16xi32>,
          %swap3A_332 = arith.constant 32 : index
          %swap3A_333 = tpu.vector_load %arg19[%swap3A_332] {strides = array<i32>} : memref<64xi32, #tpu.memory_space<vmem>>, vector<16xi32>,
          tpu.vector_store %arg19[%swap3A_332], %add3A_329 {strides = array<i32>} : memref<64xi32, #tpu.memory_space<vmem>>, vector<16xi32>,
          %iota3A_334 = tpu.iota {dimensions = array<i32: 0>} : vector<16xi32>
          %and3A_335 = arith.constant 7 : i32
          %and3A_336 = vector.broadcast %and3A_335 : i32 to vector<16xi32>
          %and3A_337 = arith.andi %iota3A_334, %and3A_336 : vector<16xi32>
          %add3A_338 = arith.constant 10000 : i32
          %add3A_339 = vector.broadcast %add3A_338 : i32 to vector<16xi32>
          %add3A_340 = arith.addi %add3A_339, %and3A_337 : vector<16xi32>
          %swap3A_341 = arith.constant 48 : index
          %swap3A_342 = tpu.vector_load %arg16[%swap3A_341] {strides = array<i32>} : memref<64xi32, #tpu.memory_space<vmem>>, vector<16xi32>,
          tpu.vector_store %arg16[%swap3A_341], %add3A_340 {strides = array<i32>} : memref<64xi32, #tpu.memory_space<vmem>>, vector<16xi32>,
          %swap3A_343 = arith.constant 48 : index
          %swap3A_344 = tpu.vector_load %arg19[%swap3A_343] {strides = array<i32>} : memref<64xi32, #tpu.memory_space<vmem>>, vector<16xi32>,
          tpu.vector_store %arg19[%swap3A_343], %add3A_340 {strides = array<i32>} : memref<64xi32, #tpu.memory_space<vmem>>, vector<16xi32>,
        } else {
        }
      } else {
      }
      %mul3A_234 = arith.constant 3 : i32
      %mul3A_235 = arith.muli %mul3A_234, %scan3A_118 : i32
      %add3A_236 = arith.constant 2 : i32
      %add3A_237 = arith.addi %mul3A_235, %add3A_236 : i32
      %dma_wait3A_238 = arith.constant 0 : i32
      %dma_wait3A_239 = arith.constant 0 : i32
      %dma_wait3A_240 = tpu.memref_slice %arg3[%dma_wait3A_238, %dma_wait3A_239] : memref<10016x144xf32, #tpu.memory_space<hbm>> -> memref<64x144xf32, #tpu.memory_space<hbm>>
      %dma_wait3A_241 = arith.constant 0 : i32
      %dma_wait3A_242 = arith.constant 0 : i32
      %dma_wait3A_243 = tpu.memref_slice %arg3[%dma_wait3A_241, %dma_wait3A_242] : memref<10016x144xf32, #tpu.memory_space<hbm>> -> memref<64x144xf32, #tpu.memory_space<hbm>>
      tpu.wait_dma2 semaphore(%arg27 : memref<!tpu.dma_semaphore, #tpu.memory_space<semaphore_mem>>) src(%dma_wait3A_243 : memref<64x144xf32, #tpu.memory_space<hbm>>) dst(%arg11 : memref<64x144xf32, #tpu.memory_space<vmem>>)
      %dma_wait3A_244 = arith.constant 0 : i32
      %dma_wait3A_245 = arith.constant 0 : i32
      %dma_wait3A_246 = tpu.memref_slice %arg4[%dma_wait3A_244, %dma_wait3A_245] : memref<10016x16xf32, #tpu.memory_space<hbm>> -> memref<64x16xf32, #tpu.memory_space<hbm>>
      %dma_wait3A_247 = arith.constant 0 : i32
      %dma_wait3A_248 = arith.constant 0 : i32
      %dma_wait3A_249 = tpu.memref_slice %arg4[%dma_wait3A_247, %dma_wait3A_248] : memref<10016x16xf32, #tpu.memory_space<hbm>> -> memref<64x16xf32, #tpu.memory_space<hbm>>
      tpu.wait_dma2 semaphore(%arg27 : memref<!tpu.dma_semaphore, #tpu.memory_space<semaphore_mem>>) src(%dma_wait3A_249 : memref<64x16xf32, #tpu.memory_space<hbm>>) dst(%arg14 : memref<64x16xf32, #tpu.memory_space<vmem>>)
      %get3A_250 = arith.constant 0 : index
      %get3A_251 = tpu.vector_load %arg20[%get3A_250] {strides = array<i32>} : memref<64xi32, #tpu.memory_space<vmem>>, vector<16xi32>,
      %swap3A_252 = arith.constant 0 : index
      %swap3A_253 = tpu.vector_load %arg23[%swap3A_252] {strides = array<i32>} : memref<64xi32, #tpu.memory_space<vmem>>, vector<16xi32>,
      tpu.vector_store %arg23[%swap3A_252], %get3A_251 {strides = array<i32>} : memref<64xi32, #tpu.memory_space<vmem>>, vector<16xi32>,
      %get3A_254 = arith.constant 16 : index
      %get3A_255 = tpu.vector_load %arg20[%get3A_254] {strides = array<i32>} : memref<64xi32, #tpu.memory_space<vmem>>, vector<16xi32>,
      %swap3A_256 = arith.constant 16 : index
      %swap3A_257 = tpu.vector_load %arg23[%swap3A_256] {strides = array<i32>} : memref<64xi32, #tpu.memory_space<vmem>>, vector<16xi32>,
      tpu.vector_store %arg23[%swap3A_256], %get3A_255 {strides = array<i32>} : memref<64xi32, #tpu.memory_space<vmem>>, vector<16xi32>,
      %get3A_258 = arith.constant 32 : index
      %get3A_259 = tpu.vector_load %arg20[%get3A_258] {strides = array<i32>} : memref<64xi32, #tpu.memory_space<vmem>>, vector<16xi32>,
      %swap3A_260 = arith.constant 32 : index
      %swap3A_261 = tpu.vector_load %arg23[%swap3A_260] {strides = array<i32>} : memref<64xi32, #tpu.memory_space<vmem>>, vector<16xi32>,
      tpu.vector_store %arg23[%swap3A_260], %get3A_259 {strides = array<i32>} : memref<64xi32, #tpu.memory_space<vmem>>, vector<16xi32>,
      %get3A_262 = arith.constant 48 : index
      %get3A_263 = tpu.vector_load %arg20[%get3A_262] {strides = array<i32>} : memref<64xi32, #tpu.memory_space<vmem>>, vector<16xi32>,
      %swap3A_264 = arith.constant 48 : index
      %swap3A_265 = tpu.vector_load %arg23[%swap3A_264] {strides = array<i32>} : memref<64xi32, #tpu.memory_space<vmem>>, vector<16xi32>,
      tpu.vector_store %arg23[%swap3A_264], %get3A_263 {strides = array<i32>} : memref<64xi32, #tpu.memory_space<vmem>>, vector<16xi32>,
      %parallel_loop3A_266 = arith.constant 0 : i32
      %parallel_loop3A_267 = arith.constant 64 : i32
      %parallel_loop3A_268 = arith.constant 1 : i32
      scf.for %parallel_loop3A_288 = %parallel_loop3A_266 to %parallel_loop3A_267 step %parallel_loop3A_268  : i32 {
        %parallel_loop3A_289 = arith.index_cast %parallel_loop3A_288 : i32 to index
        %parallel_loop3A_290 = arith.constant 128 : index
        %parallel_loop3A_291 = tpu.vector_load %arg11[%parallel_loop3A_289, %parallel_loop3A_290] {strides = array<i32>} : memref<64x144xf32, #tpu.memory_space<vmem>>, vector<16xf32>,
        %parallel_loop3A_292 = arith.index_cast %parallel_loop3A_288 : i32 to index
        %parallel_loop3A_293 = arith.constant 0 : index
        %parallel_loop3A_294 = tpu.vector_load %arg14[%parallel_loop3A_292, %parallel_loop3A_293] {strides = array<i32>} : memref<64x16xf32, #tpu.memory_space<vmem>>, vector<16xf32>,
        %parallel_loop3A_295 = arith.addf %parallel_loop3A_291, %parallel_loop3A_294 : vector<16xf32>
        %parallel_loop3A_296 = arith.constant 2.000000e-01 : f32
        %parallel_loop3A_297 = vector.broadcast %parallel_loop3A_296 : f32 to vector<16xf32>
        %parallel_loop3A_298 = arith.mulf %parallel_loop3A_297, %parallel_loop3A_295 : vector<16xf32>
        %parallel_loop3A_299 = arith.maximumf %parallel_loop3A_295, %parallel_loop3A_298 : vector<16xf32>
        %parallel_loop3A_300 = math.exp %parallel_loop3A_299 : vector<16xf32>
        %parallel_loop3A_301 = arith.index_cast %parallel_loop3A_288 : i32 to index
        %parallel_loop3A_302 = arith.constant 128 : index
        %parallel_loop3A_303 = tpu.vector_load %arg11[%parallel_loop3A_301, %parallel_loop3A_302] {strides = array<i32>} : memref<64x144xf32, #tpu.memory_space<vmem>>, vector<16xf32>,
        tpu.vector_store %arg11[%parallel_loop3A_301, %parallel_loop3A_302], %parallel_loop3A_300 {strides = array<i32>} : memref<64x144xf32, #tpu.memory_space<vmem>>, vector<16xf32>,
        %parallel_loop3A_304 = arith.constant 0 : i32
        %parallel_loop3A_305 = vector.broadcast %parallel_loop3A_304 : i32 to vector<16x1xi32>
        %parallel_loop3A_306 = vector.shape_cast %parallel_loop3A_305 : vector<16x1xi32> to vector<16xi32>
        %parallel_loop3A_307 = tpu.dynamic_gather %parallel_loop3A_300[%parallel_loop3A_306] in [0] : vector<16xf32>, vector<16xi32> -> vector<16xf32>
        %parallel_loop3A_308 = arith.index_cast %parallel_loop3A_288 : i32 to index
        %parallel_loop3A_309 = arith.constant 0 : index
        %parallel_loop3A_310 = tpu.vector_load %arg11[%parallel_loop3A_308, %parallel_loop3A_309] {strides = array<i32>} : memref<64x144xf32, #tpu.memory_space<vmem>>, vector<16xf32>,
        %parallel_loop3A_311 = arith.mulf %parallel_loop3A_310, %parallel_loop3A_307 : vector<16xf32>
        %parallel_loop3A_312 = arith.index_cast %parallel_loop3A_288 : i32 to index
        %parallel_loop3A_313 = arith.constant 0 : index
        %parallel_loop3A_314 = tpu.vector_load %arg11[%parallel_loop3A_312, %parallel_loop3A_313] {strides = array<i32>} : memref<64x144xf32, #tpu.memory_space<vmem>>, vector<16xf32>,
        tpu.vector_store %arg11[%parallel_loop3A_312, %parallel_loop3A_313], %parallel_loop3A_311 {strides = array<i32>} : memref<64x144xf32, #tpu.memory_space<vmem>>, vector<16xf32>,
        %parallel_loop3A_315 = arith.constant 1 : i32
        %parallel_loop3A_316 = vector.broadcast %parallel_loop3A_315 : i32 to vector<16x1xi32>
        %parallel_loop3A_317 = vector.shape_cast %parallel_loop3A_316 : vector<16x1xi32> to vector<16xi32>
        %parallel_loop3A_318 = tpu.dynamic_gather %parallel_loop3A_300[%parallel_loop3A_317] in [0] : vector<16xf32>, vector<16xi32> -> vector<16xf32>
        %parallel_loop3A_319 = arith.index_cast %parallel_loop3A_288 : i32 to index
        %parallel_loop3A_320 = arith.constant 16 : index
        %parallel_loop3A_321 = tpu.vector_load %arg11[%parallel_loop3A_319, %parallel_loop3A_320] {strides = array<i32>} : memref<64x144xf32, #tpu.memory_space<vmem>>, vector<16xf32>,
        %parallel_loop3A_322 = arith.mulf %parallel_loop3A_321, %parallel_loop3A_318 : vector<16xf32>
        %parallel_loop3A_323 = arith.index_cast %parallel_loop3A_288 : i32 to index
        %parallel_loop3A_324 = arith.constant 16 : index
        %parallel_loop3A_325 = tpu.vector_load %arg11[%parallel_loop3A_323, %parallel_loop3A_324] {strides = array<i32>} : memref<64x144xf32, #tpu.memory_space<vmem>>, vector<16xf32>,
        tpu.vector_store %arg11[%parallel_loop3A_323, %parallel_loop3A_324], %parallel_loop3A_322 {strides = array<i32>} : memref<64x144xf32, #tpu.memory_space<vmem>>, vector<16xf32>,
        %parallel_loop3A_326 = arith.constant 2 : i32
        %parallel_loop3A_327 = vector.broadcast %parallel_loop3A_326 : i32 to vector<16x1xi32>
        %parallel_loop3A_328 = vector.shape_cast %parallel_loop3A_327 : vector<16x1xi32> to vector<16xi32>
        %parallel_loop3A_329 = tpu.dynamic_gather %parallel_loop3A_300[%parallel_loop3A_328] in [0] : vector<16xf32>, vector<16xi32> -> vector<16xf32>
        %parallel_loop3A_330 = arith.index_cast %parallel_loop3A_288 : i32 to index
        %parallel_loop3A_331 = arith.constant 32 : index
        %parallel_loop3A_332 = tpu.vector_load %arg11[%parallel_loop3A_330, %parallel_loop3A_331] {strides = array<i32>} : memref<64x144xf32, #tpu.memory_space<vmem>>, vector<16xf32>,
        %parallel_loop3A_333 = arith.mulf %parallel_loop3A_332, %parallel_loop3A_329 : vector<16xf32>
        %parallel_loop3A_334 = arith.index_cast %parallel_loop3A_288 : i32 to index
        %parallel_loop3A_335 = arith.constant 32 : index
        %parallel_loop3A_336 = tpu.vector_load %arg11[%parallel_loop3A_334, %parallel_loop3A_335] {strides = array<i32>} : memref<64x144xf32, #tpu.memory_space<vmem>>, vector<16xf32>,
        tpu.vector_store %arg11[%parallel_loop3A_334, %parallel_loop3A_335], %parallel_loop3A_333 {strides = array<i32>} : memref<64x144xf32, #tpu.memory_space<vmem>>, vector<16xf32>,
        %parallel_loop3A_337 = arith.constant 3 : i32
        %parallel_loop3A_338 = vector.broadcast %parallel_loop3A_337 : i32 to vector<16x1xi32>
        %parallel_loop3A_339 = vector.shape_cast %parallel_loop3A_338 : vector<16x1xi32> to vector<16xi32>
        %parallel_loop3A_340 = tpu.dynamic_gather %parallel_loop3A_300[%parallel_loop3A_339] in [0] : vector<16xf32>, vector<16xi32> -> vector<16xf32>
        %parallel_loop3A_341 = arith.index_cast %parallel_loop3A_288 : i32 to index
        %parallel_loop3A_342 = arith.constant 48 : index
        %parallel_loop3A_343 = tpu.vector_load %arg11[%parallel_loop3A_341, %parallel_loop3A_342] {strides = array<i32>} : memref<64x144xf32, #tpu.memory_space<vmem>>, vector<16xf32>,
        %parallel_loop3A_344 = arith.mulf %parallel_loop3A_343, %parallel_loop3A_340 : vector<16xf32>
        %parallel_loop3A_345 = arith.index_cast %parallel_loop3A_288 : i32 to index
        %parallel_loop3A_346 = arith.constant 48 : index
        %parallel_loop3A_347 = tpu.vector_load %arg11[%parallel_loop3A_345, %parallel_loop3A_346] {strides = array<i32>} : memref<64x144xf32, #tpu.memory_space<vmem>>, vector<16xf32>,
        tpu.vector_store %arg11[%parallel_loop3A_345, %parallel_loop3A_346], %parallel_loop3A_344 {strides = array<i32>} : memref<64x144xf32, #tpu.memory_space<vmem>>, vector<16xf32>,
        %parallel_loop3A_348 = arith.constant 4 : i32
        %parallel_loop3A_349 = vector.broadcast %parallel_loop3A_348 : i32 to vector<16x1xi32>
        %parallel_loop3A_350 = vector.shape_cast %parallel_loop3A_349 : vector<16x1xi32> to vector<16xi32>
        %parallel_loop3A_351 = tpu.dynamic_gather %parallel_loop3A_300[%parallel_loop3A_350] in [0] : vector<16xf32>, vector<16xi32> -> vector<16xf32>
        %parallel_loop3A_352 = arith.index_cast %parallel_loop3A_288 : i32 to index
        %parallel_loop3A_353 = arith.constant 64 : index
        %parallel_loop3A_354 = tpu.vector_load %arg11[%parallel_loop3A_352, %parallel_loop3A_353] {strides = array<i32>} : memref<64x144xf32, #tpu.memory_space<vmem>>, vector<16xf32>,
        %parallel_loop3A_355 = arith.mulf %parallel_loop3A_354, %parallel_loop3A_351 : vector<16xf32>
        %parallel_loop3A_356 = arith.index_cast %parallel_loop3A_288 : i32 to index
        %parallel_loop3A_357 = arith.constant 64 : index
        %parallel_loop3A_358 = tpu.vector_load %arg11[%parallel_loop3A_356, %parallel_loop3A_357] {strides = array<i32>} : memref<64x144xf32, #tpu.memory_space<vmem>>, vector<16xf32>,
        tpu.vector_store %arg11[%parallel_loop3A_356, %parallel_loop3A_357], %parallel_loop3A_355 {strides = array<i32>} : memref<64x144xf32, #tpu.memory_space<vmem>>, vector<16xf32>,
        %parallel_loop3A_359 = arith.constant 5 : i32
        %parallel_loop3A_360 = vector.broadcast %parallel_loop3A_359 : i32 to vector<16x1xi32>
        %parallel_loop3A_361 = vector.shape_cast %parallel_loop3A_360 : vector<16x1xi32> to vector<16xi32>
        %parallel_loop3A_362 = tpu.dynamic_gather %parallel_loop3A_300[%parallel_loop3A_361] in [0] : vector<16xf32>, vector<16xi32> -> vector<16xf32>
        %parallel_loop3A_363 = arith.index_cast %parallel_loop3A_288 : i32 to index
        %parallel_loop3A_364 = arith.constant 80 : index
        %parallel_loop3A_365 = tpu.vector_load %arg11[%parallel_loop3A_363, %parallel_loop3A_364] {strides = array<i32>} : memref<64x144xf32, #tpu.memory_space<vmem>>, vector<16xf32>,
        %parallel_loop3A_366 = arith.mulf %parallel_loop3A_365, %parallel_loop3A_362 : vector<16xf32>
        %parallel_loop3A_367 = arith.index_cast %parallel_loop3A_288 : i32 to index
        %parallel_loop3A_368 = arith.constant 80 : index
        %parallel_loop3A_369 = tpu.vector_load %arg11[%parallel_loop3A_367, %parallel_loop3A_368] {strides = array<i32>} : memref<64x144xf32, #tpu.memory_space<vmem>>, vector<16xf32>,
        tpu.vector_store %arg11[%parallel_loop3A_367, %parallel_loop3A_368], %parallel_loop3A_366 {strides = array<i32>} : memref<64x144xf32, #tpu.memory_space<vmem>>, vector<16xf32>,
        %parallel_loop3A_370 = arith.constant 6 : i32
        %parallel_loop3A_371 = vector.broadcast %parallel_loop3A_370 : i32 to vector<16x1xi32>
        %parallel_loop3A_372 = vector.shape_cast %parallel_loop3A_371 : vector<16x1xi32> to vector<16xi32>
        %parallel_loop3A_373 = tpu.dynamic_gather %parallel_loop3A_300[%parallel_loop3A_372] in [0] : vector<16xf32>, vector<16xi32> -> vector<16xf32>
        %parallel_loop3A_374 = arith.index_cast %parallel_loop3A_288 : i32 to index
        %parallel_loop3A_375 = arith.constant 96 : index
        %parallel_loop3A_376 = tpu.vector_load %arg11[%parallel_loop3A_374, %parallel_loop3A_375] {strides = array<i32>} : memref<64x144xf32, #tpu.memory_space<vmem>>, vector<16xf32>,
        %parallel_loop3A_377 = arith.mulf %parallel_loop3A_376, %parallel_loop3A_373 : vector<16xf32>
        %parallel_loop3A_378 = arith.index_cast %parallel_loop3A_288 : i32 to index
        %parallel_loop3A_379 = arith.constant 96 : index
        %parallel_loop3A_380 = tpu.vector_load %arg11[%parallel_loop3A_378, %parallel_loop3A_379] {strides = array<i32>} : memref<64x144xf32, #tpu.memory_space<vmem>>, vector<16xf32>,
        tpu.vector_store %arg11[%parallel_loop3A_378, %parallel_loop3A_379], %parallel_loop3A_377 {strides = array<i32>} : memref<64x144xf32, #tpu.memory_space<vmem>>, vector<16xf32>,
        %parallel_loop3A_381 = arith.constant 7 : i32
        %parallel_loop3A_382 = vector.broadcast %parallel_loop3A_381 : i32 to vector<16x1xi32>
        %parallel_loop3A_383 = vector.shape_cast %parallel_loop3A_382 : vector<16x1xi32> to vector<16xi32>
        %parallel_loop3A_384 = tpu.dynamic_gather %parallel_loop3A_300[%parallel_loop3A_383] in [0] : vector<16xf32>, vector<16xi32> -> vector<16xf32>
        %parallel_loop3A_385 = arith.index_cast %parallel_loop3A_288 : i32 to index
        %parallel_loop3A_386 = arith.constant 112 : index
        %parallel_loop3A_387 = tpu.vector_load %arg11[%parallel_loop3A_385, %parallel_loop3A_386] {strides = array<i32>} : memref<64x144xf32, #tpu.memory_space<vmem>>, vector<16xf32>,
        %parallel_loop3A_388 = arith.mulf %parallel_loop3A_387, %parallel_loop3A_384 : vector<16xf32>
        %parallel_loop3A_389 = arith.index_cast %parallel_loop3A_288 : i32 to index
        %parallel_loop3A_390 = arith.constant 112 : index
        %parallel_loop3A_391 = tpu.vector_load %arg11[%parallel_loop3A_389, %parallel_loop3A_390] {strides = array<i32>} : memref<64x144xf32, #tpu.memory_space<vmem>>, vector<16xf32>,
        tpu.vector_store %arg11[%parallel_loop3A_389, %parallel_loop3A_390], %parallel_loop3A_388 {strides = array<i32>} : memref<64x144xf32, #tpu.memory_space<vmem>>, vector<16xf32>,
      } {sc.loop_unroll_factor = 4 : i64, sc.parallel_access}
      %dma_start3A_269 = arith.constant 0 : i32
      %dma_start3A_270 = arith.constant 0 : i32
      %dma_start3A_271 = tpu.memref_slice %arg24[%dma_start3A_269, %dma_start3A_270] : memref<10240x144xf32, #tpu.memory_space<vmem_shared>> -> memref<10240x144xf32, #tpu.memory_space<vmem_shared>>
      tpu.enqueue_indirect_dma source(%arg11 : memref<64x144xf32, #tpu.memory_space<vmem>>) target(%dma_start3A_271 : memref<10240x144xf32, #tpu.memory_space<vmem_shared>>) offsets(%arg23 : memref<64xi32, #tpu.memory_space<vmem>>) semaphore(%arg30 : memref<!tpu.dma_semaphore, #tpu.memory_space<semaphore_mem>>) {add = true}
      %dma_wait3A_272 = arith.constant 0 : i32
      %dma_wait3A_273 = arith.constant 0 : i32
      %dma_wait3A_274 = tpu.memref_slice %arg3[%dma_wait3A_272, %dma_wait3A_273] : memref<10016x144xf32, #tpu.memory_space<hbm>> -> memref<64x144xf32, #tpu.memory_space<hbm>>
      %dma_wait3A_275 = arith.constant 0 : i32
      %dma_wait3A_276 = arith.constant 0 : i32
      %dma_wait3A_277 = tpu.memref_slice %arg3[%dma_wait3A_275, %dma_wait3A_276] : memref<10016x144xf32, #tpu.memory_space<hbm>> -> memref<64x144xf32, #tpu.memory_space<hbm>>
      tpu.wait_dma2 semaphore(%arg29 : memref<!tpu.dma_semaphore, #tpu.memory_space<semaphore_mem>>) src(%dma_wait3A_277 : memref<64x144xf32, #tpu.memory_space<hbm>>) dst(%arg10 : memref<64x144xf32, #tpu.memory_space<vmem>>)
      %lt3A_278 = arith.constant 53 : i32
      %lt3A_279 = arith.cmpi slt, %scan3A_118, %lt3A_278 : i32
      %convert_element_type3A_280 = arith.extui %lt3A_279 : i1 to i32
      %cond3A_281 = arith.constant 0 : i32
      %cond3A_282 = arith.cmpi ne, %convert_element_type3A_280, %cond3A_281 : i32
      scf.if %cond3A_282 {
        %add3A_288 = arith.constant 3 : i32
        %add3A_289 = arith.addi %add3A_237, %add3A_288 : i32
        %sub3A_290 = arith.constant 1 : i32
        %sub3A_291 = arith.subi %add3A_289, %sub3A_290 : i32
        %mul3A_292 = arith.constant 64 : i32
        %mul3A_293 = arith.muli %sub3A_291, %mul3A_292 : i32
        %add3A_294 = arith.addi %mul3A_29, %mul3A_293 : i32
        %lt3A_295 = arith.constant 320000 : i32
        %lt3A_296 = arith.cmpi slt, %add3A_294, %lt3A_295 : i32
        %convert_element_type3A_297 = arith.extui %lt3A_296 : i1 to i32
        %cond3A_298 = arith.constant 0 : i32
        %cond3A_299 = arith.cmpi ne, %convert_element_type3A_297, %cond3A_298 : i32
        scf.if %cond3A_299 {
          %dma_wait3A_306 = arith.constant 0 : i32
          %dma_wait3A_307 = tpu.memref_slice %arg2[%dma_wait3A_306] : memref<640000xi32, #tpu.memory_space<hbm>> -> memref<64xi32, #tpu.memory_space<hbm>>
          %dma_wait3A_308 = arith.constant 0 : i32
          %dma_wait3A_309 = tpu.memref_slice %arg2[%dma_wait3A_308] : memref<640000xi32, #tpu.memory_space<hbm>> -> memref<64xi32, #tpu.memory_space<hbm>>
          tpu.wait_dma2 semaphore(%arg32 : memref<!tpu.dma_semaphore, #tpu.memory_space<semaphore_mem>>) src(%dma_wait3A_309 : memref<64xi32, #tpu.memory_space<hbm>>) dst(%arg16 : memref<64xi32, #tpu.memory_space<vmem>>)
          %dma_wait3A_310 = arith.constant 0 : i32
          %dma_wait3A_311 = tpu.memref_slice %arg2[%dma_wait3A_310] : memref<640000xi32, #tpu.memory_space<hbm>> -> memref<64xi32, #tpu.memory_space<hbm>>
          %dma_wait3A_312 = arith.constant 0 : i32
          %dma_wait3A_313 = tpu.memref_slice %arg2[%dma_wait3A_312] : memref<640000xi32, #tpu.memory_space<hbm>> -> memref<64xi32, #tpu.memory_space<hbm>>
          tpu.wait_dma2 semaphore(%arg32 : memref<!tpu.dma_semaphore, #tpu.memory_space<semaphore_mem>>) src(%dma_wait3A_313 : memref<64xi32, #tpu.memory_space<hbm>>) dst(%arg19 : memref<64xi32, #tpu.memory_space<vmem>>)
        } else {
        }
        %dma_start3A_300 = arith.constant 0 : i32
        %dma_start3A_301 = arith.constant 0 : i32
        %dma_start3A_302 = tpu.memref_slice %arg3[%dma_start3A_300, %dma_start3A_301] : memref<10016x144xf32, #tpu.memory_space<hbm>> -> memref<10016x144xf32, #tpu.memory_space<hbm>>
        tpu.enqueue_indirect_dma source(%dma_start3A_302 : memref<10016x144xf32, #tpu.memory_space<hbm>>) target(%arg10 : memref<64x144xf32, #tpu.memory_space<vmem>>) offsets(%arg16 : memref<64xi32, #tpu.memory_space<vmem>>) semaphore(%arg26 : memref<!tpu.dma_semaphore, #tpu.memory_space<semaphore_mem>>)
        %dma_start3A_303 = arith.constant 0 : i32
        %dma_start3A_304 = arith.constant 0 : i32
        %dma_start3A_305 = tpu.memref_slice %arg4[%dma_start3A_303, %dma_start3A_304] : memref<10016x16xf32, #tpu.memory_space<hbm>> -> memref<10016x16xf32, #tpu.memory_space<hbm>>
        tpu.enqueue_indirect_dma source(%dma_start3A_305 : memref<10016x16xf32, #tpu.memory_space<hbm>>) target(%arg13 : memref<64x16xf32, #tpu.memory_space<vmem>>) offsets(%arg19 : memref<64xi32, #tpu.memory_space<vmem>>) semaphore(%arg26 : memref<!tpu.dma_semaphore, #tpu.memory_space<semaphore_mem>>)
      } else {
      }
      %lt3A_283 = arith.constant 53 : i32
      %lt3A_284 = arith.cmpi slt, %scan3A_118, %lt3A_283 : i32
      %convert_element_type3A_285 = arith.extui %lt3A_284 : i1 to i32
      %cond3A_286 = arith.constant 0 : i32
      %cond3A_287 = arith.cmpi ne, %convert_element_type3A_285, %cond3A_286 : i32
      scf.if %cond3A_287 {
        %add3A_288 = arith.constant 3 : i32
        %add3A_289 = arith.addi %add3A_237, %add3A_288 : i32
        %mul3A_290 = arith.constant 64 : i32
        %mul3A_291 = arith.muli %add3A_289, %mul3A_290 : i32
        %add3A_292 = arith.addi %mul3A_29, %mul3A_291 : i32
        %lt3A_293 = arith.constant 320000 : i32
        %lt3A_294 = arith.cmpi slt, %add3A_292, %lt3A_293 : i32
        %convert_element_type3A_295 = arith.extui %lt3A_294 : i1 to i32
        %cond3A_296 = arith.constant 0 : i32
        %cond3A_297 = arith.cmpi ne, %convert_element_type3A_295, %cond3A_296 : i32
        scf.if %cond3A_297 {
          %dma_start3A_303 = tpu.memref_slice %arg2[%add3A_292] : memref<640000xi32, #tpu.memory_space<hbm>> -> memref<64xi32, #tpu.memory_space<hbm>>
          %dma_start3A_304 = tpu.memref_slice %arg2[%add3A_292] : memref<640000xi32, #tpu.memory_space<hbm>> -> memref<64xi32, #tpu.memory_space<hbm>>
          tpu.enqueue_dma source(%dma_start3A_304 : memref<64xi32, #tpu.memory_space<hbm>>) target(%arg17 : memref<64xi32, #tpu.memory_space<vmem>>) target_semaphore(%arg33 : memref<!tpu.dma_semaphore, #tpu.memory_space<semaphore_mem>>)
          %add3A_305 = arith.constant 320000 : i32
          %add3A_306 = arith.addi %add3A_305, %add3A_292 : i32
          %dma_start3A_307 = tpu.memref_slice %arg2[%add3A_306] : memref<640000xi32, #tpu.memory_space<hbm>> -> memref<64xi32, #tpu.memory_space<hbm>>
          %dma_start3A_308 = tpu.memref_slice %arg2[%add3A_306] : memref<640000xi32, #tpu.memory_space<hbm>> -> memref<64xi32, #tpu.memory_space<hbm>>
          tpu.enqueue_dma source(%dma_start3A_308 : memref<64xi32, #tpu.memory_space<hbm>>) target(%arg20 : memref<64xi32, #tpu.memory_space<vmem>>) target_semaphore(%arg33 : memref<!tpu.dma_semaphore, #tpu.memory_space<semaphore_mem>>)
        } else {
        }
        %ge3A_298 = arith.constant 320000 : i32
        %ge3A_299 = arith.cmpi sge, %add3A_292, %ge3A_298 : i32
        %convert_element_type3A_300 = arith.extui %ge3A_299 : i1 to i32
        %cond3A_301 = arith.constant 0 : i32
        %cond3A_302 = arith.cmpi ne, %convert_element_type3A_300, %cond3A_301 : i32
        scf.if %cond3A_302 {
          %iota3A = tpu.iota {dimensions = array<i32: 0>} : vector<16xi32>
          %and3A = arith.constant 7 : i32
          %and3A_303 = vector.broadcast %and3A : i32 to vector<16xi32>
          %and3A_304 = arith.andi %iota3A, %and3A_303 : vector<16xi32>
          %add3A_305 = arith.constant 10000 : i32
          %add3A_306 = vector.broadcast %add3A_305 : i32 to vector<16xi32>
          %add3A_307 = arith.addi %add3A_306, %and3A_304 : vector<16xi32>
          %swap3A_308 = arith.constant 0 : index
          %swap3A_309 = tpu.vector_load %arg17[%swap3A_308] {strides = array<i32>} : memref<64xi32, #tpu.memory_space<vmem>>, vector<16xi32>,
          tpu.vector_store %arg17[%swap3A_308], %add3A_307 {strides = array<i32>} : memref<64xi32, #tpu.memory_space<vmem>>, vector<16xi32>,
          %swap3A_310 = arith.constant 0 : index
          %swap3A_311 = tpu.vector_load %arg20[%swap3A_310] {strides = array<i32>} : memref<64xi32, #tpu.memory_space<vmem>>, vector<16xi32>,
          tpu.vector_store %arg20[%swap3A_310], %add3A_307 {strides = array<i32>} : memref<64xi32, #tpu.memory_space<vmem>>, vector<16xi32>,
          %iota3A_312 = tpu.iota {dimensions = array<i32: 0>} : vector<16xi32>
          %and3A_313 = arith.constant 7 : i32
          %and3A_314 = vector.broadcast %and3A_313 : i32 to vector<16xi32>
          %and3A_315 = arith.andi %iota3A_312, %and3A_314 : vector<16xi32>
          %add3A_316 = arith.constant 10000 : i32
          %add3A_317 = vector.broadcast %add3A_316 : i32 to vector<16xi32>
          %add3A_318 = arith.addi %add3A_317, %and3A_315 : vector<16xi32>
          %swap3A_319 = arith.constant 16 : index
          %swap3A_320 = tpu.vector_load %arg17[%swap3A_319] {strides = array<i32>} : memref<64xi32, #tpu.memory_space<vmem>>, vector<16xi32>,
          tpu.vector_store %arg17[%swap3A_319], %add3A_318 {strides = array<i32>} : memref<64xi32, #tpu.memory_space<vmem>>, vector<16xi32>,
          %swap3A_321 = arith.constant 16 : index
          %swap3A_322 = tpu.vector_load %arg20[%swap3A_321] {strides = array<i32>} : memref<64xi32, #tpu.memory_space<vmem>>, vector<16xi32>,
          tpu.vector_store %arg20[%swap3A_321], %add3A_318 {strides = array<i32>} : memref<64xi32, #tpu.memory_space<vmem>>, vector<16xi32>,
          %iota3A_323 = tpu.iota {dimensions = array<i32: 0>} : vector<16xi32>
          %and3A_324 = arith.constant 7 : i32
          %and3A_325 = vector.broadcast %and3A_324 : i32 to vector<16xi32>
          %and3A_326 = arith.andi %iota3A_323, %and3A_325 : vector<16xi32>
          %add3A_327 = arith.constant 10000 : i32
          %add3A_328 = vector.broadcast %add3A_327 : i32 to vector<16xi32>
          %add3A_329 = arith.addi %add3A_328, %and3A_326 : vector<16xi32>
          %swap3A_330 = arith.constant 32 : index
          %swap3A_331 = tpu.vector_load %arg17[%swap3A_330] {strides = array<i32>} : memref<64xi32, #tpu.memory_space<vmem>>, vector<16xi32>,
          tpu.vector_store %arg17[%swap3A_330], %add3A_329 {strides = array<i32>} : memref<64xi32, #tpu.memory_space<vmem>>, vector<16xi32>,
          %swap3A_332 = arith.constant 32 : index
          %swap3A_333 = tpu.vector_load %arg20[%swap3A_332] {strides = array<i32>} : memref<64xi32, #tpu.memory_space<vmem>>, vector<16xi32>,
          tpu.vector_store %arg20[%swap3A_332], %add3A_329 {strides = array<i32>} : memref<64xi32, #tpu.memory_space<vmem>>, vector<16xi32>,
          %iota3A_334 = tpu.iota {dimensions = array<i32: 0>} : vector<16xi32>
          %and3A_335 = arith.constant 7 : i32
          %and3A_336 = vector.broadcast %and3A_335 : i32 to vector<16xi32>
          %and3A_337 = arith.andi %iota3A_334, %and3A_336 : vector<16xi32>
          %add3A_338 = arith.constant 10000 : i32
          %add3A_339 = vector.broadcast %add3A_338 : i32 to vector<16xi32>
          %add3A_340 = arith.addi %add3A_339, %and3A_337 : vector<16xi32>
          %swap3A_341 = arith.constant 48 : index
          %swap3A_342 = tpu.vector_load %arg17[%swap3A_341] {strides = array<i32>} : memref<64xi32, #tpu.memory_space<vmem>>, vector<16xi32>,
          tpu.vector_store %arg17[%swap3A_341], %add3A_340 {strides = array<i32>} : memref<64xi32, #tpu.memory_space<vmem>>, vector<16xi32>,
          %swap3A_343 = arith.constant 48 : index
          %swap3A_344 = tpu.vector_load %arg20[%swap3A_343] {strides = array<i32>} : memref<64xi32, #tpu.memory_space<vmem>>, vector<16xi32>,
          tpu.vector_store %arg20[%swap3A_343], %add3A_340 {strides = array<i32>} : memref<64xi32, #tpu.memory_space<vmem>>, vector<16xi32>,
        } else {
        }
      } else {
      }
    }
    %scan3A_102 = arith.constant 54 : i32
    %dma_wait3A = arith.constant 0 : i32
    %dma_wait3A_103 = arith.constant 0 : i32
    %dma_wait3A_104 = tpu.memref_slice %arg3[%dma_wait3A, %dma_wait3A_103] : memref<10016x144xf32, #tpu.memory_space<hbm>> -> memref<64x144xf32, #tpu.memory_space<hbm>>
    %dma_wait3A_105 = arith.constant 0 : i32
    %dma_wait3A_106 = arith.constant 0 : i32
    %dma_wait3A_107 = tpu.memref_slice %arg3[%dma_wait3A_105, %dma_wait3A_106] : memref<10016x144xf32, #tpu.memory_space<hbm>> -> memref<64x144xf32, #tpu.memory_space<hbm>>
    tpu.wait_dma2 semaphore(%arg30 : memref<!tpu.dma_semaphore, #tpu.memory_space<semaphore_mem>>) src(%dma_wait3A_107 : memref<64x144xf32, #tpu.memory_space<hbm>>) dst(%arg11 : memref<64x144xf32, #tpu.memory_space<vmem>>)
    %barrier3A_108 = arith.constant 0 : index
    tpu.barrier barrier_id(%barrier3A_108)
    %eq3A = arith.constant 0 : i32
    %eq3A_109 = arith.cmpi eq, %arg0, %eq3A : i32
    %convert_element_type3A_110 = arith.extui %eq3A_109 : i1 to i32
    %cond3A_111 = arith.constant 0 : i32
    %cond3A_112 = arith.cmpi ne, %convert_element_type3A_110, %cond3A_111 : i32
    scf.if %cond3A_112 {
      %add3A_118 = arith.constant 0 : i32
      %add3A_119 = arith.addi %mul3A_7, %add3A_118 : i32
      "tpu.region"() ({
        %run_scoped3A = tpu.sem_alloc : memref<!tpu.dma_semaphore, #tpu.memory_space<semaphore_mem>>
        %dma_start3A_138 = arith.constant 0 : i32
        %dma_start3A_139 = tpu.memref_slice %arg5[%add3A_119, %dma_start3A_138] : memref<10240x128xf32, #tpu.memory_space<hbm>> -> memref<64x128xf32, #tpu.memory_space<hbm>>
        %dma_start3A_140 = arith.constant 0 : i32
        %dma_start3A_141 = tpu.memref_slice %arg24[%add3A_119, %dma_start3A_140] : memref<10240x144xf32, #tpu.memory_space<vmem_shared>> -> memref<64x128xf32, #tpu.memory_space<vmem_shared>>
        tpu.enqueue_dma source(%dma_start3A_141 : memref<64x128xf32, #tpu.memory_space<vmem_shared>>) target(%dma_start3A_139 : memref<64x128xf32, #tpu.memory_space<hbm>>) target_semaphore(%run_scoped3A : memref<!tpu.dma_semaphore, #tpu.memory_space<semaphore_mem>>)
        %dma_wait3A_142 = arith.constant 0 : i32
        %dma_wait3A_143 = tpu.memref_slice %arg5[%add3A_119, %dma_wait3A_142] : memref<10240x128xf32, #tpu.memory_space<hbm>> -> memref<64x128xf32, #tpu.memory_space<hbm>>
        %dma_wait3A_144 = arith.constant 0 : i32
        %dma_wait3A_145 = tpu.memref_slice %arg24[%add3A_119, %dma_wait3A_144] : memref<10240x144xf32, #tpu.memory_space<vmem_shared>> -> memref<64x128xf32, #tpu.memory_space<vmem_shared>>
        tpu.wait_dma2 semaphore(%run_scoped3A : memref<!tpu.dma_semaphore, #tpu.memory_space<semaphore_mem>>) src(%dma_wait3A_145 : memref<64x128xf32, #tpu.memory_space<vmem_shared>>) dst(%dma_wait3A_143 : memref<64x128xf32, #tpu.memory_space<hbm>>)
        tpu.yield
      }) : () -> ()
      "tpu.region"() ({
        %run_scoped3A = tpu.sem_alloc : memref<!tpu.dma_semaphore, #tpu.memory_space<semaphore_mem>>
        %dma_start3A_138 = arith.constant 0 : i32
        %dma_start3A_139 = tpu.memref_slice %arg6[%add3A_119, %dma_start3A_138] : memref<10240x16xf32, #tpu.memory_space<hbm>> -> memref<64x16xf32, #tpu.memory_space<hbm>>
        %dma_start3A_140 = arith.constant 128 : i32
        %dma_start3A_141 = tpu.memref_slice %arg24[%add3A_119, %dma_start3A_140] : memref<10240x144xf32, #tpu.memory_space<vmem_shared>> -> memref<64x16xf32, #tpu.memory_space<vmem_shared>>
        tpu.enqueue_dma source(%dma_start3A_141 : memref<64x16xf32, #tpu.memory_space<vmem_shared>>) target(%dma_start3A_139 : memref<64x16xf32, #tpu.memory_space<hbm>>) target_semaphore(%run_scoped3A : memref<!tpu.dma_semaphore, #tpu.memory_space<semaphore_mem>>)
        %dma_wait3A_142 = arith.constant 0 : i32
        %dma_wait3A_143 = tpu.memref_slice %arg6[%add3A_119, %dma_wait3A_142] : memref<10240x16xf32, #tpu.memory_space<hbm>> -> memref<64x16xf32, #tpu.memory_space<hbm>>
        %dma_wait3A_144 = arith.constant 128 : i32
        %dma_wait3A_145 = tpu.memref_slice %arg24[%add3A_119, %dma_wait3A_144] : memref<10240x144xf32, #tpu.memory_space<vmem_shared>> -> memref<64x16xf32, #tpu.memory_space<vmem_shared>>
        tpu.wait_dma2 semaphore(%run_scoped3A : memref<!tpu.dma_semaphore, #tpu.memory_space<semaphore_mem>>) src(%dma_wait3A_145 : memref<64x16xf32, #tpu.memory_space<vmem_shared>>) dst(%dma_wait3A_143 : memref<64x16xf32, #tpu.memory_space<hbm>>)
        tpu.yield
      }) : () -> ()
      %add3A_120 = arith.constant 64 : i32
      %add3A_121 = arith.addi %mul3A_7, %add3A_120 : i32
      "tpu.region"() ({
        %run_scoped3A = tpu.sem_alloc : memref<!tpu.dma_semaphore, #tpu.memory_space<semaphore_mem>>
        %dma_start3A_138 = arith.constant 0 : i32
        %dma_start3A_139 = tpu.memref_slice %arg5[%add3A_121, %dma_start3A_138] : memref<10240x128xf32, #tpu.memory_space<hbm>> -> memref<64x128xf32, #tpu.memory_space<hbm>>
        %dma_start3A_140 = arith.constant 0 : i32
        %dma_start3A_141 = tpu.memref_slice %arg24[%add3A_121, %dma_start3A_140] : memref<10240x144xf32, #tpu.memory_space<vmem_shared>> -> memref<64x128xf32, #tpu.memory_space<vmem_shared>>
        tpu.enqueue_dma source(%dma_start3A_141 : memref<64x128xf32, #tpu.memory_space<vmem_shared>>) target(%dma_start3A_139 : memref<64x128xf32, #tpu.memory_space<hbm>>) target_semaphore(%run_scoped3A : memref<!tpu.dma_semaphore, #tpu.memory_space<semaphore_mem>>)
        %dma_wait3A_142 = arith.constant 0 : i32
        %dma_wait3A_143 = tpu.memref_slice %arg5[%add3A_121, %dma_wait3A_142] : memref<10240x128xf32, #tpu.memory_space<hbm>> -> memref<64x128xf32, #tpu.memory_space<hbm>>
        %dma_wait3A_144 = arith.constant 0 : i32
        %dma_wait3A_145 = tpu.memref_slice %arg24[%add3A_121, %dma_wait3A_144] : memref<10240x144xf32, #tpu.memory_space<vmem_shared>> -> memref<64x128xf32, #tpu.memory_space<vmem_shared>>
        tpu.wait_dma2 semaphore(%run_scoped3A : memref<!tpu.dma_semaphore, #tpu.memory_space<semaphore_mem>>) src(%dma_wait3A_145 : memref<64x128xf32, #tpu.memory_space<vmem_shared>>) dst(%dma_wait3A_143 : memref<64x128xf32, #tpu.memory_space<hbm>>)
        tpu.yield
      }) : () -> ()
      "tpu.region"() ({
        %run_scoped3A = tpu.sem_alloc : memref<!tpu.dma_semaphore, #tpu.memory_space<semaphore_mem>>
        %dma_start3A_138 = arith.constant 0 : i32
        %dma_start3A_139 = tpu.memref_slice %arg6[%add3A_121, %dma_start3A_138] : memref<10240x16xf32, #tpu.memory_space<hbm>> -> memref<64x16xf32, #tpu.memory_space<hbm>>
        %dma_start3A_140 = arith.constant 128 : i32
        %dma_start3A_141 = tpu.memref_slice %arg24[%add3A_121, %dma_start3A_140] : memref<10240x144xf32, #tpu.memory_space<vmem_shared>> -> memref<64x16xf32, #tpu.memory_space<vmem_shared>>
        tpu.enqueue_dma source(%dma_start3A_141 : memref<64x16xf32, #tpu.memory_space<vmem_shared>>) target(%dma_start3A_139 : memref<64x16xf32, #tpu.memory_space<hbm>>) target_semaphore(%run_scoped3A : memref<!tpu.dma_semaphore, #tpu.memory_space<semaphore_mem>>)
        %dma_wait3A_142 = arith.constant 0 : i32
        %dma_wait3A_143 = tpu.memref_slice %arg6[%add3A_121, %dma_wait3A_142] : memref<10240x16xf32, #tpu.memory_space<hbm>> -> memref<64x16xf32, #tpu.memory_space<hbm>>
        %dma_wait3A_144 = arith.constant 128 : i32
        %dma_wait3A_145 = tpu.memref_slice %arg24[%add3A_121, %dma_wait3A_144] : memref<10240x144xf32, #tpu.memory_space<vmem_shared>> -> memref<64x16xf32, #tpu.memory_space<vmem_shared>>
        tpu.wait_dma2 semaphore(%run_scoped3A : memref<!tpu.dma_semaphore, #tpu.memory_space<semaphore_mem>>) src(%dma_wait3A_145 : memref<64x16xf32, #tpu.memory_space<vmem_shared>>) dst(%dma_wait3A_143 : memref<64x16xf32, #tpu.memory_space<hbm>>)
        tpu.yield
      }) : () -> ()
      %add3A_122 = arith.constant 128 : i32
      %add3A_123 = arith.addi %mul3A_7, %add3A_122 : i32
      "tpu.region"() ({
        %run_scoped3A = tpu.sem_alloc : memref<!tpu.dma_semaphore, #tpu.memory_space<semaphore_mem>>
        %dma_start3A_138 = arith.constant 0 : i32
        %dma_start3A_139 = tpu.memref_slice %arg5[%add3A_123, %dma_start3A_138] : memref<10240x128xf32, #tpu.memory_space<hbm>> -> memref<64x128xf32, #tpu.memory_space<hbm>>
        %dma_start3A_140 = arith.constant 0 : i32
        %dma_start3A_141 = tpu.memref_slice %arg24[%add3A_123, %dma_start3A_140] : memref<10240x144xf32, #tpu.memory_space<vmem_shared>> -> memref<64x128xf32, #tpu.memory_space<vmem_shared>>
        tpu.enqueue_dma source(%dma_start3A_141 : memref<64x128xf32, #tpu.memory_space<vmem_shared>>) target(%dma_start3A_139 : memref<64x128xf32, #tpu.memory_space<hbm>>) target_semaphore(%run_scoped3A : memref<!tpu.dma_semaphore, #tpu.memory_space<semaphore_mem>>)
        %dma_wait3A_142 = arith.constant 0 : i32
        %dma_wait3A_143 = tpu.memref_slice %arg5[%add3A_123, %dma_wait3A_142] : memref<10240x128xf32, #tpu.memory_space<hbm>> -> memref<64x128xf32, #tpu.memory_space<hbm>>
        %dma_wait3A_144 = arith.constant 0 : i32
        %dma_wait3A_145 = tpu.memref_slice %arg24[%add3A_123, %dma_wait3A_144] : memref<10240x144xf32, #tpu.memory_space<vmem_shared>> -> memref<64x128xf32, #tpu.memory_space<vmem_shared>>
        tpu.wait_dma2 semaphore(%run_scoped3A : memref<!tpu.dma_semaphore, #tpu.memory_space<semaphore_mem>>) src(%dma_wait3A_145 : memref<64x128xf32, #tpu.memory_space<vmem_shared>>) dst(%dma_wait3A_143 : memref<64x128xf32, #tpu.memory_space<hbm>>)
        tpu.yield
      }) : () -> ()
      "tpu.region"() ({
        %run_scoped3A = tpu.sem_alloc : memref<!tpu.dma_semaphore, #tpu.memory_space<semaphore_mem>>
        %dma_start3A_138 = arith.constant 0 : i32
        %dma_start3A_139 = tpu.memref_slice %arg6[%add3A_123, %dma_start3A_138] : memref<10240x16xf32, #tpu.memory_space<hbm>> -> memref<64x16xf32, #tpu.memory_space<hbm>>
        %dma_start3A_140 = arith.constant 128 : i32
        %dma_start3A_141 = tpu.memref_slice %arg24[%add3A_123, %dma_start3A_140] : memref<10240x144xf32, #tpu.memory_space<vmem_shared>> -> memref<64x16xf32, #tpu.memory_space<vmem_shared>>
        tpu.enqueue_dma source(%dma_start3A_141 : memref<64x16xf32, #tpu.memory_space<vmem_shared>>) target(%dma_start3A_139 : memref<64x16xf32, #tpu.memory_space<hbm>>) target_semaphore(%run_scoped3A : memref<!tpu.dma_semaphore, #tpu.memory_space<semaphore_mem>>)
        %dma_wait3A_142 = arith.constant 0 : i32
        %dma_wait3A_143 = tpu.memref_slice %arg6[%add3A_123, %dma_wait3A_142] : memref<10240x16xf32, #tpu.memory_space<hbm>> -> memref<64x16xf32, #tpu.memory_space<hbm>>
        %dma_wait3A_144 = arith.constant 128 : i32
        %dma_wait3A_145 = tpu.memref_slice %arg24[%add3A_123, %dma_wait3A_144] : memref<10240x144xf32, #tpu.memory_space<vmem_shared>> -> memref<64x16xf32, #tpu.memory_space<vmem_shared>>
        tpu.wait_dma2 semaphore(%run_scoped3A : memref<!tpu.dma_semaphore, #tpu.memory_space<semaphore_mem>>) src(%dma_wait3A_145 : memref<64x16xf32, #tpu.memory_space<vmem_shared>>) dst(%dma_wait3A_143 : memref<64x16xf32, #tpu.memory_space<hbm>>)
        tpu.yield
      }) : () -> ()
      %add3A_124 = arith.constant 192 : i32
      %add3A_125 = arith.addi %mul3A_7, %add3A_124 : i32
      "tpu.region"() ({
        %run_scoped3A = tpu.sem_alloc : memref<!tpu.dma_semaphore, #tpu.memory_space<semaphore_mem>>
        %dma_start3A_138 = arith.constant 0 : i32
        %dma_start3A_139 = tpu.memref_slice %arg5[%add3A_125, %dma_start3A_138] : memref<10240x128xf32, #tpu.memory_space<hbm>> -> memref<64x128xf32, #tpu.memory_space<hbm>>
        %dma_start3A_140 = arith.constant 0 : i32
        %dma_start3A_141 = tpu.memref_slice %arg24[%add3A_125, %dma_start3A_140] : memref<10240x144xf32, #tpu.memory_space<vmem_shared>> -> memref<64x128xf32, #tpu.memory_space<vmem_shared>>
        tpu.enqueue_dma source(%dma_start3A_141 : memref<64x128xf32, #tpu.memory_space<vmem_shared>>) target(%dma_start3A_139 : memref<64x128xf32, #tpu.memory_space<hbm>>) target_semaphore(%run_scoped3A : memref<!tpu.dma_semaphore, #tpu.memory_space<semaphore_mem>>)
        %dma_wait3A_142 = arith.constant 0 : i32
        %dma_wait3A_143 = tpu.memref_slice %arg5[%add3A_125, %dma_wait3A_142] : memref<10240x128xf32, #tpu.memory_space<hbm>> -> memref<64x128xf32, #tpu.memory_space<hbm>>
        %dma_wait3A_144 = arith.constant 0 : i32
        %dma_wait3A_145 = tpu.memref_slice %arg24[%add3A_125, %dma_wait3A_144] : memref<10240x144xf32, #tpu.memory_space<vmem_shared>> -> memref<64x128xf32, #tpu.memory_space<vmem_shared>>
        tpu.wait_dma2 semaphore(%run_scoped3A : memref<!tpu.dma_semaphore, #tpu.memory_space<semaphore_mem>>) src(%dma_wait3A_145 : memref<64x128xf32, #tpu.memory_space<vmem_shared>>) dst(%dma_wait3A_143 : memref<64x128xf32, #tpu.memory_space<hbm>>)
        tpu.yield
      }) : () -> ()
      "tpu.region"() ({
        %run_scoped3A = tpu.sem_alloc : memref<!tpu.dma_semaphore, #tpu.memory_space<semaphore_mem>>
        %dma_start3A_138 = arith.constant 0 : i32
        %dma_start3A_139 = tpu.memref_slice %arg6[%add3A_125, %dma_start3A_138] : memref<10240x16xf32, #tpu.memory_space<hbm>> -> memref<64x16xf32, #tpu.memory_space<hbm>>
        %dma_start3A_140 = arith.constant 128 : i32
        %dma_start3A_141 = tpu.memref_slice %arg24[%add3A_125, %dma_start3A_140] : memref<10240x144xf32, #tpu.memory_space<vmem_shared>> -> memref<64x16xf32, #tpu.memory_space<vmem_shared>>
        tpu.enqueue_dma source(%dma_start3A_141 : memref<64x16xf32, #tpu.memory_space<vmem_shared>>) target(%dma_start3A_139 : memref<64x16xf32, #tpu.memory_space<hbm>>) target_semaphore(%run_scoped3A : memref<!tpu.dma_semaphore, #tpu.memory_space<semaphore_mem>>)
        %dma_wait3A_142 = arith.constant 0 : i32
        %dma_wait3A_143 = tpu.memref_slice %arg6[%add3A_125, %dma_wait3A_142] : memref<10240x16xf32, #tpu.memory_space<hbm>> -> memref<64x16xf32, #tpu.memory_space<hbm>>
        %dma_wait3A_144 = arith.constant 128 : i32
        %dma_wait3A_145 = tpu.memref_slice %arg24[%add3A_125, %dma_wait3A_144] : memref<10240x144xf32, #tpu.memory_space<vmem_shared>> -> memref<64x16xf32, #tpu.memory_space<vmem_shared>>
        tpu.wait_dma2 semaphore(%run_scoped3A : memref<!tpu.dma_semaphore, #tpu.memory_space<semaphore_mem>>) src(%dma_wait3A_145 : memref<64x16xf32, #tpu.memory_space<vmem_shared>>) dst(%dma_wait3A_143 : memref<64x16xf32, #tpu.memory_space<hbm>>)
        tpu.yield
      }) : () -> ()
      %add3A_126 = arith.constant 256 : i32
      %add3A_127 = arith.addi %mul3A_7, %add3A_126 : i32
      "tpu.region"() ({
        %run_scoped3A = tpu.sem_alloc : memref<!tpu.dma_semaphore, #tpu.memory_space<semaphore_mem>>
        %dma_start3A_138 = arith.constant 0 : i32
        %dma_start3A_139 = tpu.memref_slice %arg5[%add3A_127, %dma_start3A_138] : memref<10240x128xf32, #tpu.memory_space<hbm>> -> memref<64x128xf32, #tpu.memory_space<hbm>>
        %dma_start3A_140 = arith.constant 0 : i32
        %dma_start3A_141 = tpu.memref_slice %arg24[%add3A_127, %dma_start3A_140] : memref<10240x144xf32, #tpu.memory_space<vmem_shared>> -> memref<64x128xf32, #tpu.memory_space<vmem_shared>>
        tpu.enqueue_dma source(%dma_start3A_141 : memref<64x128xf32, #tpu.memory_space<vmem_shared>>) target(%dma_start3A_139 : memref<64x128xf32, #tpu.memory_space<hbm>>) target_semaphore(%run_scoped3A : memref<!tpu.dma_semaphore, #tpu.memory_space<semaphore_mem>>)
        %dma_wait3A_142 = arith.constant 0 : i32
        %dma_wait3A_143 = tpu.memref_slice %arg5[%add3A_127, %dma_wait3A_142] : memref<10240x128xf32, #tpu.memory_space<hbm>> -> memref<64x128xf32, #tpu.memory_space<hbm>>
        %dma_wait3A_144 = arith.constant 0 : i32
        %dma_wait3A_145 = tpu.memref_slice %arg24[%add3A_127, %dma_wait3A_144] : memref<10240x144xf32, #tpu.memory_space<vmem_shared>> -> memref<64x128xf32, #tpu.memory_space<vmem_shared>>
        tpu.wait_dma2 semaphore(%run_scoped3A : memref<!tpu.dma_semaphore, #tpu.memory_space<semaphore_mem>>) src(%dma_wait3A_145 : memref<64x128xf32, #tpu.memory_space<vmem_shared>>) dst(%dma_wait3A_143 : memref<64x128xf32, #tpu.memory_space<hbm>>)
        tpu.yield
      }) : () -> ()
      "tpu.region"() ({
        %run_scoped3A = tpu.sem_alloc : memref<!tpu.dma_semaphore, #tpu.memory_space<semaphore_mem>>
        %dma_start3A_138 = arith.constant 0 : i32
        %dma_start3A_139 = tpu.memref_slice %arg6[%add3A_127, %dma_start3A_138] : memref<10240x16xf32, #tpu.memory_space<hbm>> -> memref<64x16xf32, #tpu.memory_space<hbm>>
        %dma_start3A_140 = arith.constant 128 : i32
        %dma_start3A_141 = tpu.memref_slice %arg24[%add3A_127, %dma_start3A_140] : memref<10240x144xf32, #tpu.memory_space<vmem_shared>> -> memref<64x16xf32, #tpu.memory_space<vmem_shared>>
        tpu.enqueue_dma source(%dma_start3A_141 : memref<64x16xf32, #tpu.memory_space<vmem_shared>>) target(%dma_start3A_139 : memref<64x16xf32, #tpu.memory_space<hbm>>) target_semaphore(%run_scoped3A : memref<!tpu.dma_semaphore, #tpu.memory_space<semaphore_mem>>)
        %dma_wait3A_142 = arith.constant 0 : i32
        %dma_wait3A_143 = tpu.memref_slice %arg6[%add3A_127, %dma_wait3A_142] : memref<10240x16xf32, #tpu.memory_space<hbm>> -> memref<64x16xf32, #tpu.memory_space<hbm>>
        %dma_wait3A_144 = arith.constant 128 : i32
        %dma_wait3A_145 = tpu.memref_slice %arg24[%add3A_127, %dma_wait3A_144] : memref<10240x144xf32, #tpu.memory_space<vmem_shared>> -> memref<64x16xf32, #tpu.memory_space<vmem_shared>>
        tpu.wait_dma2 semaphore(%run_scoped3A : memref<!tpu.dma_semaphore, #tpu.memory_space<semaphore_mem>>) src(%dma_wait3A_145 : memref<64x16xf32, #tpu.memory_space<vmem_shared>>) dst(%dma_wait3A_143 : memref<64x16xf32, #tpu.memory_space<hbm>>)
        tpu.yield
      }) : () -> ()
      %add3A_128 = arith.constant 320 : i32
      %add3A_129 = arith.addi %mul3A_7, %add3A_128 : i32
      "tpu.region"() ({
        %run_scoped3A = tpu.sem_alloc : memref<!tpu.dma_semaphore, #tpu.memory_space<semaphore_mem>>
        %dma_start3A_138 = arith.constant 0 : i32
        %dma_start3A_139 = tpu.memref_slice %arg5[%add3A_129, %dma_start3A_138] : memref<10240x128xf32, #tpu.memory_space<hbm>> -> memref<64x128xf32, #tpu.memory_space<hbm>>
        %dma_start3A_140 = arith.constant 0 : i32
        %dma_start3A_141 = tpu.memref_slice %arg24[%add3A_129, %dma_start3A_140] : memref<10240x144xf32, #tpu.memory_space<vmem_shared>> -> memref<64x128xf32, #tpu.memory_space<vmem_shared>>
        tpu.enqueue_dma source(%dma_start3A_141 : memref<64x128xf32, #tpu.memory_space<vmem_shared>>) target(%dma_start3A_139 : memref<64x128xf32, #tpu.memory_space<hbm>>) target_semaphore(%run_scoped3A : memref<!tpu.dma_semaphore, #tpu.memory_space<semaphore_mem>>)
        %dma_wait3A_142 = arith.constant 0 : i32
        %dma_wait3A_143 = tpu.memref_slice %arg5[%add3A_129, %dma_wait3A_142] : memref<10240x128xf32, #tpu.memory_space<hbm>> -> memref<64x128xf32, #tpu.memory_space<hbm>>
        %dma_wait3A_144 = arith.constant 0 : i32
        %dma_wait3A_145 = tpu.memref_slice %arg24[%add3A_129, %dma_wait3A_144] : memref<10240x144xf32, #tpu.memory_space<vmem_shared>> -> memref<64x128xf32, #tpu.memory_space<vmem_shared>>
        tpu.wait_dma2 semaphore(%run_scoped3A : memref<!tpu.dma_semaphore, #tpu.memory_space<semaphore_mem>>) src(%dma_wait3A_145 : memref<64x128xf32, #tpu.memory_space<vmem_shared>>) dst(%dma_wait3A_143 : memref<64x128xf32, #tpu.memory_space<hbm>>)
        tpu.yield
      }) : () -> ()
      "tpu.region"() ({
        %run_scoped3A = tpu.sem_alloc : memref<!tpu.dma_semaphore, #tpu.memory_space<semaphore_mem>>
        %dma_start3A_138 = arith.constant 0 : i32
        %dma_start3A_139 = tpu.memref_slice %arg6[%add3A_129, %dma_start3A_138] : memref<10240x16xf32, #tpu.memory_space<hbm>> -> memref<64x16xf32, #tpu.memory_space<hbm>>
        %dma_start3A_140 = arith.constant 128 : i32
        %dma_start3A_141 = tpu.memref_slice %arg24[%add3A_129, %dma_start3A_140] : memref<10240x144xf32, #tpu.memory_space<vmem_shared>> -> memref<64x16xf32, #tpu.memory_space<vmem_shared>>
        tpu.enqueue_dma source(%dma_start3A_141 : memref<64x16xf32, #tpu.memory_space<vmem_shared>>) target(%dma_start3A_139 : memref<64x16xf32, #tpu.memory_space<hbm>>) target_semaphore(%run_scoped3A : memref<!tpu.dma_semaphore, #tpu.memory_space<semaphore_mem>>)
        %dma_wait3A_142 = arith.constant 0 : i32
        %dma_wait3A_143 = tpu.memref_slice %arg6[%add3A_129, %dma_wait3A_142] : memref<10240x16xf32, #tpu.memory_space<hbm>> -> memref<64x16xf32, #tpu.memory_space<hbm>>
        %dma_wait3A_144 = arith.constant 128 : i32
        %dma_wait3A_145 = tpu.memref_slice %arg24[%add3A_129, %dma_wait3A_144] : memref<10240x144xf32, #tpu.memory_space<vmem_shared>> -> memref<64x16xf32, #tpu.memory_space<vmem_shared>>
        tpu.wait_dma2 semaphore(%run_scoped3A : memref<!tpu.dma_semaphore, #tpu.memory_space<semaphore_mem>>) src(%dma_wait3A_145 : memref<64x16xf32, #tpu.memory_space<vmem_shared>>) dst(%dma_wait3A_143 : memref<64x16xf32, #tpu.memory_space<hbm>>)
        tpu.yield
      }) : () -> ()
      %add3A_130 = arith.constant 384 : i32
      %add3A_131 = arith.addi %mul3A_7, %add3A_130 : i32
      "tpu.region"() ({
        %run_scoped3A = tpu.sem_alloc : memref<!tpu.dma_semaphore, #tpu.memory_space<semaphore_mem>>
        %dma_start3A_138 = arith.constant 0 : i32
        %dma_start3A_139 = tpu.memref_slice %arg5[%add3A_131, %dma_start3A_138] : memref<10240x128xf32, #tpu.memory_space<hbm>> -> memref<64x128xf32, #tpu.memory_space<hbm>>
        %dma_start3A_140 = arith.constant 0 : i32
        %dma_start3A_141 = tpu.memref_slice %arg24[%add3A_131, %dma_start3A_140] : memref<10240x144xf32, #tpu.memory_space<vmem_shared>> -> memref<64x128xf32, #tpu.memory_space<vmem_shared>>
        tpu.enqueue_dma source(%dma_start3A_141 : memref<64x128xf32, #tpu.memory_space<vmem_shared>>) target(%dma_start3A_139 : memref<64x128xf32, #tpu.memory_space<hbm>>) target_semaphore(%run_scoped3A : memref<!tpu.dma_semaphore, #tpu.memory_space<semaphore_mem>>)
        %dma_wait3A_142 = arith.constant 0 : i32
        %dma_wait3A_143 = tpu.memref_slice %arg5[%add3A_131, %dma_wait3A_142] : memref<10240x128xf32, #tpu.memory_space<hbm>> -> memref<64x128xf32, #tpu.memory_space<hbm>>
        %dma_wait3A_144 = arith.constant 0 : i32
        %dma_wait3A_145 = tpu.memref_slice %arg24[%add3A_131, %dma_wait3A_144] : memref<10240x144xf32, #tpu.memory_space<vmem_shared>> -> memref<64x128xf32, #tpu.memory_space<vmem_shared>>
        tpu.wait_dma2 semaphore(%run_scoped3A : memref<!tpu.dma_semaphore, #tpu.memory_space<semaphore_mem>>) src(%dma_wait3A_145 : memref<64x128xf32, #tpu.memory_space<vmem_shared>>) dst(%dma_wait3A_143 : memref<64x128xf32, #tpu.memory_space<hbm>>)
        tpu.yield
      }) : () -> ()
      "tpu.region"() ({
        %run_scoped3A = tpu.sem_alloc : memref<!tpu.dma_semaphore, #tpu.memory_space<semaphore_mem>>
        %dma_start3A_138 = arith.constant 0 : i32
        %dma_start3A_139 = tpu.memref_slice %arg6[%add3A_131, %dma_start3A_138] : memref<10240x16xf32, #tpu.memory_space<hbm>> -> memref<64x16xf32, #tpu.memory_space<hbm>>
        %dma_start3A_140 = arith.constant 128 : i32
        %dma_start3A_141 = tpu.memref_slice %arg24[%add3A_131, %dma_start3A_140] : memref<10240x144xf32, #tpu.memory_space<vmem_shared>> -> memref<64x16xf32, #tpu.memory_space<vmem_shared>>
        tpu.enqueue_dma source(%dma_start3A_141 : memref<64x16xf32, #tpu.memory_space<vmem_shared>>) target(%dma_start3A_139 : memref<64x16xf32, #tpu.memory_space<hbm>>) target_semaphore(%run_scoped3A : memref<!tpu.dma_semaphore, #tpu.memory_space<semaphore_mem>>)
        %dma_wait3A_142 = arith.constant 0 : i32
        %dma_wait3A_143 = tpu.memref_slice %arg6[%add3A_131, %dma_wait3A_142] : memref<10240x16xf32, #tpu.memory_space<hbm>> -> memref<64x16xf32, #tpu.memory_space<hbm>>
        %dma_wait3A_144 = arith.constant 128 : i32
        %dma_wait3A_145 = tpu.memref_slice %arg24[%add3A_131, %dma_wait3A_144] : memref<10240x144xf32, #tpu.memory_space<vmem_shared>> -> memref<64x16xf32, #tpu.memory_space<vmem_shared>>
        tpu.wait_dma2 semaphore(%run_scoped3A : memref<!tpu.dma_semaphore, #tpu.memory_space<semaphore_mem>>) src(%dma_wait3A_145 : memref<64x16xf32, #tpu.memory_space<vmem_shared>>) dst(%dma_wait3A_143 : memref<64x16xf32, #tpu.memory_space<hbm>>)
        tpu.yield
      }) : () -> ()
      %add3A_132 = arith.constant 448 : i32
      %add3A_133 = arith.addi %mul3A_7, %add3A_132 : i32
      "tpu.region"() ({
        %run_scoped3A = tpu.sem_alloc : memref<!tpu.dma_semaphore, #tpu.memory_space<semaphore_mem>>
        %dma_start3A_138 = arith.constant 0 : i32
        %dma_start3A_139 = tpu.memref_slice %arg5[%add3A_133, %dma_start3A_138] : memref<10240x128xf32, #tpu.memory_space<hbm>> -> memref<64x128xf32, #tpu.memory_space<hbm>>
        %dma_start3A_140 = arith.constant 0 : i32
        %dma_start3A_141 = tpu.memref_slice %arg24[%add3A_133, %dma_start3A_140] : memref<10240x144xf32, #tpu.memory_space<vmem_shared>> -> memref<64x128xf32, #tpu.memory_space<vmem_shared>>
        tpu.enqueue_dma source(%dma_start3A_141 : memref<64x128xf32, #tpu.memory_space<vmem_shared>>) target(%dma_start3A_139 : memref<64x128xf32, #tpu.memory_space<hbm>>) target_semaphore(%run_scoped3A : memref<!tpu.dma_semaphore, #tpu.memory_space<semaphore_mem>>)
        %dma_wait3A_142 = arith.constant 0 : i32
        %dma_wait3A_143 = tpu.memref_slice %arg5[%add3A_133, %dma_wait3A_142] : memref<10240x128xf32, #tpu.memory_space<hbm>> -> memref<64x128xf32, #tpu.memory_space<hbm>>
        %dma_wait3A_144 = arith.constant 0 : i32
        %dma_wait3A_145 = tpu.memref_slice %arg24[%add3A_133, %dma_wait3A_144] : memref<10240x144xf32, #tpu.memory_space<vmem_shared>> -> memref<64x128xf32, #tpu.memory_space<vmem_shared>>
        tpu.wait_dma2 semaphore(%run_scoped3A : memref<!tpu.dma_semaphore, #tpu.memory_space<semaphore_mem>>) src(%dma_wait3A_145 : memref<64x128xf32, #tpu.memory_space<vmem_shared>>) dst(%dma_wait3A_143 : memref<64x128xf32, #tpu.memory_space<hbm>>)
        tpu.yield
      }) : () -> ()
      "tpu.region"() ({
        %run_scoped3A = tpu.sem_alloc : memref<!tpu.dma_semaphore, #tpu.memory_space<semaphore_mem>>
        %dma_start3A_138 = arith.constant 0 : i32
        %dma_start3A_139 = tpu.memref_slice %arg6[%add3A_133, %dma_start3A_138] : memref<10240x16xf32, #tpu.memory_space<hbm>> -> memref<64x16xf32, #tpu.memory_space<hbm>>
        %dma_start3A_140 = arith.constant 128 : i32
        %dma_start3A_141 = tpu.memref_slice %arg24[%add3A_133, %dma_start3A_140] : memref<10240x144xf32, #tpu.memory_space<vmem_shared>> -> memref<64x16xf32, #tpu.memory_space<vmem_shared>>
        tpu.enqueue_dma source(%dma_start3A_141 : memref<64x16xf32, #tpu.memory_space<vmem_shared>>) target(%dma_start3A_139 : memref<64x16xf32, #tpu.memory_space<hbm>>) target_semaphore(%run_scoped3A : memref<!tpu.dma_semaphore, #tpu.memory_space<semaphore_mem>>)
        %dma_wait3A_142 = arith.constant 0 : i32
        %dma_wait3A_143 = tpu.memref_slice %arg6[%add3A_133, %dma_wait3A_142] : memref<10240x16xf32, #tpu.memory_space<hbm>> -> memref<64x16xf32, #tpu.memory_space<hbm>>
        %dma_wait3A_144 = arith.constant 128 : i32
        %dma_wait3A_145 = tpu.memref_slice %arg24[%add3A_133, %dma_wait3A_144] : memref<10240x144xf32, #tpu.memory_space<vmem_shared>> -> memref<64x16xf32, #tpu.memory_space<vmem_shared>>
        tpu.wait_dma2 semaphore(%run_scoped3A : memref<!tpu.dma_semaphore, #tpu.memory_space<semaphore_mem>>) src(%dma_wait3A_145 : memref<64x16xf32, #tpu.memory_space<vmem_shared>>) dst(%dma_wait3A_143 : memref<64x16xf32, #tpu.memory_space<hbm>>)
        tpu.yield
      }) : () -> ()
      %add3A_134 = arith.constant 512 : i32
      %add3A_135 = arith.addi %mul3A_7, %add3A_134 : i32
      "tpu.region"() ({
        %run_scoped3A = tpu.sem_alloc : memref<!tpu.dma_semaphore, #tpu.memory_space<semaphore_mem>>
        %dma_start3A_138 = arith.constant 0 : i32
        %dma_start3A_139 = tpu.memref_slice %arg5[%add3A_135, %dma_start3A_138] : memref<10240x128xf32, #tpu.memory_space<hbm>> -> memref<64x128xf32, #tpu.memory_space<hbm>>
        %dma_start3A_140 = arith.constant 0 : i32
        %dma_start3A_141 = tpu.memref_slice %arg24[%add3A_135, %dma_start3A_140] : memref<10240x144xf32, #tpu.memory_space<vmem_shared>> -> memref<64x128xf32, #tpu.memory_space<vmem_shared>>
        tpu.enqueue_dma source(%dma_start3A_141 : memref<64x128xf32, #tpu.memory_space<vmem_shared>>) target(%dma_start3A_139 : memref<64x128xf32, #tpu.memory_space<hbm>>) target_semaphore(%run_scoped3A : memref<!tpu.dma_semaphore, #tpu.memory_space<semaphore_mem>>)
        %dma_wait3A_142 = arith.constant 0 : i32
        %dma_wait3A_143 = tpu.memref_slice %arg5[%add3A_135, %dma_wait3A_142] : memref<10240x128xf32, #tpu.memory_space<hbm>> -> memref<64x128xf32, #tpu.memory_space<hbm>>
        %dma_wait3A_144 = arith.constant 0 : i32
        %dma_wait3A_145 = tpu.memref_slice %arg24[%add3A_135, %dma_wait3A_144] : memref<10240x144xf32, #tpu.memory_space<vmem_shared>> -> memref<64x128xf32, #tpu.memory_space<vmem_shared>>
        tpu.wait_dma2 semaphore(%run_scoped3A : memref<!tpu.dma_semaphore, #tpu.memory_space<semaphore_mem>>) src(%dma_wait3A_145 : memref<64x128xf32, #tpu.memory_space<vmem_shared>>) dst(%dma_wait3A_143 : memref<64x128xf32, #tpu.memory_space<hbm>>)
        tpu.yield
      }) : () -> ()
      "tpu.region"() ({
        %run_scoped3A = tpu.sem_alloc : memref<!tpu.dma_semaphore, #tpu.memory_space<semaphore_mem>>
        %dma_start3A_138 = arith.constant 0 : i32
        %dma_start3A_139 = tpu.memref_slice %arg6[%add3A_135, %dma_start3A_138] : memref<10240x16xf32, #tpu.memory_space<hbm>> -> memref<64x16xf32, #tpu.memory_space<hbm>>
        %dma_start3A_140 = arith.constant 128 : i32
        %dma_start3A_141 = tpu.memref_slice %arg24[%add3A_135, %dma_start3A_140] : memref<10240x144xf32, #tpu.memory_space<vmem_shared>> -> memref<64x16xf32, #tpu.memory_space<vmem_shared>>
        tpu.enqueue_dma source(%dma_start3A_141 : memref<64x16xf32, #tpu.memory_space<vmem_shared>>) target(%dma_start3A_139 : memref<64x16xf32, #tpu.memory_space<hbm>>) target_semaphore(%run_scoped3A : memref<!tpu.dma_semaphore, #tpu.memory_space<semaphore_mem>>)
        %dma_wait3A_142 = arith.constant 0 : i32
        %dma_wait3A_143 = tpu.memref_slice %arg6[%add3A_135, %dma_wait3A_142] : memref<10240x16xf32, #tpu.memory_space<hbm>> -> memref<64x16xf32, #tpu.memory_space<hbm>>
        %dma_wait3A_144 = arith.constant 128 : i32
        %dma_wait3A_145 = tpu.memref_slice %arg24[%add3A_135, %dma_wait3A_144] : memref<10240x144xf32, #tpu.memory_space<vmem_shared>> -> memref<64x16xf32, #tpu.memory_space<vmem_shared>>
        tpu.wait_dma2 semaphore(%run_scoped3A : memref<!tpu.dma_semaphore, #tpu.memory_space<semaphore_mem>>) src(%dma_wait3A_145 : memref<64x16xf32, #tpu.memory_space<vmem_shared>>) dst(%dma_wait3A_143 : memref<64x16xf32, #tpu.memory_space<hbm>>)
        tpu.yield
      }) : () -> ()
      %add3A_136 = arith.constant 576 : i32
      %add3A_137 = arith.addi %mul3A_7, %add3A_136 : i32
      "tpu.region"() ({
        %run_scoped3A = tpu.sem_alloc : memref<!tpu.dma_semaphore, #tpu.memory_space<semaphore_mem>>
        %dma_start3A_138 = arith.constant 0 : i32
        %dma_start3A_139 = tpu.memref_slice %arg5[%add3A_137, %dma_start3A_138] : memref<10240x128xf32, #tpu.memory_space<hbm>> -> memref<64x128xf32, #tpu.memory_space<hbm>>
        %dma_start3A_140 = arith.constant 0 : i32
        %dma_start3A_141 = tpu.memref_slice %arg24[%add3A_137, %dma_start3A_140] : memref<10240x144xf32, #tpu.memory_space<vmem_shared>> -> memref<64x128xf32, #tpu.memory_space<vmem_shared>>
        tpu.enqueue_dma source(%dma_start3A_141 : memref<64x128xf32, #tpu.memory_space<vmem_shared>>) target(%dma_start3A_139 : memref<64x128xf32, #tpu.memory_space<hbm>>) target_semaphore(%run_scoped3A : memref<!tpu.dma_semaphore, #tpu.memory_space<semaphore_mem>>)
        %dma_wait3A_142 = arith.constant 0 : i32
        %dma_wait3A_143 = tpu.memref_slice %arg5[%add3A_137, %dma_wait3A_142] : memref<10240x128xf32, #tpu.memory_space<hbm>> -> memref<64x128xf32, #tpu.memory_space<hbm>>
        %dma_wait3A_144 = arith.constant 0 : i32
        %dma_wait3A_145 = tpu.memref_slice %arg24[%add3A_137, %dma_wait3A_144] : memref<10240x144xf32, #tpu.memory_space<vmem_shared>> -> memref<64x128xf32, #tpu.memory_space<vmem_shared>>
        tpu.wait_dma2 semaphore(%run_scoped3A : memref<!tpu.dma_semaphore, #tpu.memory_space<semaphore_mem>>) src(%dma_wait3A_145 : memref<64x128xf32, #tpu.memory_space<vmem_shared>>) dst(%dma_wait3A_143 : memref<64x128xf32, #tpu.memory_space<hbm>>)
        tpu.yield
      }) : () -> ()
      "tpu.region"() ({
        %run_scoped3A = tpu.sem_alloc : memref<!tpu.dma_semaphore, #tpu.memory_space<semaphore_mem>>
        %dma_start3A_138 = arith.constant 0 : i32
        %dma_start3A_139 = tpu.memref_slice %arg6[%add3A_137, %dma_start3A_138] : memref<10240x16xf32, #tpu.memory_space<hbm>> -> memref<64x16xf32, #tpu.memory_space<hbm>>
        %dma_start3A_140 = arith.constant 128 : i32
        %dma_start3A_141 = tpu.memref_slice %arg24[%add3A_137, %dma_start3A_140] : memref<10240x144xf32, #tpu.memory_space<vmem_shared>> -> memref<64x16xf32, #tpu.memory_space<vmem_shared>>
        tpu.enqueue_dma source(%dma_start3A_141 : memref<64x16xf32, #tpu.memory_space<vmem_shared>>) target(%dma_start3A_139 : memref<64x16xf32, #tpu.memory_space<hbm>>) target_semaphore(%run_scoped3A : memref<!tpu.dma_semaphore, #tpu.memory_space<semaphore_mem>>)
        %dma_wait3A_142 = arith.constant 0 : i32
        %dma_wait3A_143 = tpu.memref_slice %arg6[%add3A_137, %dma_wait3A_142] : memref<10240x16xf32, #tpu.memory_space<hbm>> -> memref<64x16xf32, #tpu.memory_space<hbm>>
        %dma_wait3A_144 = arith.constant 128 : i32
        %dma_wait3A_145 = tpu.memref_slice %arg24[%add3A_137, %dma_wait3A_144] : memref<10240x144xf32, #tpu.memory_space<vmem_shared>> -> memref<64x16xf32, #tpu.memory_space<vmem_shared>>
        tpu.wait_dma2 semaphore(%run_scoped3A : memref<!tpu.dma_semaphore, #tpu.memory_space<semaphore_mem>>) src(%dma_wait3A_145 : memref<64x16xf32, #tpu.memory_space<vmem_shared>>) dst(%dma_wait3A_143 : memref<64x16xf32, #tpu.memory_space<hbm>>)
        tpu.yield
      }) : () -> ()
    } else {
    }
    %eq3A_113 = arith.constant 1 : i32
    %eq3A_114 = arith.cmpi eq, %arg0, %eq3A_113 : i32
    %convert_element_type3A_115 = arith.extui %eq3A_114 : i1 to i32
    %cond3A_116 = arith.constant 0 : i32
    %cond3A_117 = arith.cmpi ne, %convert_element_type3A_115, %cond3A_116 : i32
    scf.if %cond3A_117 {
      %add3A_118 = arith.constant 0 : i32
      %add3A_119 = arith.addi %mul3A_7, %add3A_118 : i32
      "tpu.region"() ({
        %run_scoped3A = tpu.sem_alloc : memref<!tpu.dma_semaphore, #tpu.memory_space<semaphore_mem>>
        %dma_start3A_138 = arith.constant 0 : i32
        %dma_start3A_139 = tpu.memref_slice %arg7[%add3A_119, %dma_start3A_138] : memref<10240x128xf32, #tpu.memory_space<hbm>> -> memref<64x128xf32, #tpu.memory_space<hbm>>
        %dma_start3A_140 = arith.constant 0 : i32
        %dma_start3A_141 = tpu.memref_slice %arg24[%add3A_119, %dma_start3A_140] : memref<10240x144xf32, #tpu.memory_space<vmem_shared>> -> memref<64x128xf32, #tpu.memory_space<vmem_shared>>
        tpu.enqueue_dma source(%dma_start3A_141 : memref<64x128xf32, #tpu.memory_space<vmem_shared>>) target(%dma_start3A_139 : memref<64x128xf32, #tpu.memory_space<hbm>>) target_semaphore(%run_scoped3A : memref<!tpu.dma_semaphore, #tpu.memory_space<semaphore_mem>>)
        %dma_wait3A_142 = arith.constant 0 : i32
        %dma_wait3A_143 = tpu.memref_slice %arg7[%add3A_119, %dma_wait3A_142] : memref<10240x128xf32, #tpu.memory_space<hbm>> -> memref<64x128xf32, #tpu.memory_space<hbm>>
        %dma_wait3A_144 = arith.constant 0 : i32
        %dma_wait3A_145 = tpu.memref_slice %arg24[%add3A_119, %dma_wait3A_144] : memref<10240x144xf32, #tpu.memory_space<vmem_shared>> -> memref<64x128xf32, #tpu.memory_space<vmem_shared>>
        tpu.wait_dma2 semaphore(%run_scoped3A : memref<!tpu.dma_semaphore, #tpu.memory_space<semaphore_mem>>) src(%dma_wait3A_145 : memref<64x128xf32, #tpu.memory_space<vmem_shared>>) dst(%dma_wait3A_143 : memref<64x128xf32, #tpu.memory_space<hbm>>)
        tpu.yield
      }) : () -> ()
      "tpu.region"() ({
        %run_scoped3A = tpu.sem_alloc : memref<!tpu.dma_semaphore, #tpu.memory_space<semaphore_mem>>
        %dma_start3A_138 = arith.constant 0 : i32
        %dma_start3A_139 = tpu.memref_slice %arg8[%add3A_119, %dma_start3A_138] : memref<10240x16xf32, #tpu.memory_space<hbm>> -> memref<64x16xf32, #tpu.memory_space<hbm>>
        %dma_start3A_140 = arith.constant 128 : i32
        %dma_start3A_141 = tpu.memref_slice %arg24[%add3A_119, %dma_start3A_140] : memref<10240x144xf32, #tpu.memory_space<vmem_shared>> -> memref<64x16xf32, #tpu.memory_space<vmem_shared>>
        tpu.enqueue_dma source(%dma_start3A_141 : memref<64x16xf32, #tpu.memory_space<vmem_shared>>) target(%dma_start3A_139 : memref<64x16xf32, #tpu.memory_space<hbm>>) target_semaphore(%run_scoped3A : memref<!tpu.dma_semaphore, #tpu.memory_space<semaphore_mem>>)
        %dma_wait3A_142 = arith.constant 0 : i32
        %dma_wait3A_143 = tpu.memref_slice %arg8[%add3A_119, %dma_wait3A_142] : memref<10240x16xf32, #tpu.memory_space<hbm>> -> memref<64x16xf32, #tpu.memory_space<hbm>>
        %dma_wait3A_144 = arith.constant 128 : i32
        %dma_wait3A_145 = tpu.memref_slice %arg24[%add3A_119, %dma_wait3A_144] : memref<10240x144xf32, #tpu.memory_space<vmem_shared>> -> memref<64x16xf32, #tpu.memory_space<vmem_shared>>
        tpu.wait_dma2 semaphore(%run_scoped3A : memref<!tpu.dma_semaphore, #tpu.memory_space<semaphore_mem>>) src(%dma_wait3A_145 : memref<64x16xf32, #tpu.memory_space<vmem_shared>>) dst(%dma_wait3A_143 : memref<64x16xf32, #tpu.memory_space<hbm>>)
        tpu.yield
      }) : () -> ()
      %add3A_120 = arith.constant 64 : i32
      %add3A_121 = arith.addi %mul3A_7, %add3A_120 : i32
      "tpu.region"() ({
        %run_scoped3A = tpu.sem_alloc : memref<!tpu.dma_semaphore, #tpu.memory_space<semaphore_mem>>
        %dma_start3A_138 = arith.constant 0 : i32
        %dma_start3A_139 = tpu.memref_slice %arg7[%add3A_121, %dma_start3A_138] : memref<10240x128xf32, #tpu.memory_space<hbm>> -> memref<64x128xf32, #tpu.memory_space<hbm>>
        %dma_start3A_140 = arith.constant 0 : i32
        %dma_start3A_141 = tpu.memref_slice %arg24[%add3A_121, %dma_start3A_140] : memref<10240x144xf32, #tpu.memory_space<vmem_shared>> -> memref<64x128xf32, #tpu.memory_space<vmem_shared>>
        tpu.enqueue_dma source(%dma_start3A_141 : memref<64x128xf32, #tpu.memory_space<vmem_shared>>) target(%dma_start3A_139 : memref<64x128xf32, #tpu.memory_space<hbm>>) target_semaphore(%run_scoped3A : memref<!tpu.dma_semaphore, #tpu.memory_space<semaphore_mem>>)
        %dma_wait3A_142 = arith.constant 0 : i32
        %dma_wait3A_143 = tpu.memref_slice %arg7[%add3A_121, %dma_wait3A_142] : memref<10240x128xf32, #tpu.memory_space<hbm>> -> memref<64x128xf32, #tpu.memory_space<hbm>>
        %dma_wait3A_144 = arith.constant 0 : i32
        %dma_wait3A_145 = tpu.memref_slice %arg24[%add3A_121, %dma_wait3A_144] : memref<10240x144xf32, #tpu.memory_space<vmem_shared>> -> memref<64x128xf32, #tpu.memory_space<vmem_shared>>
        tpu.wait_dma2 semaphore(%run_scoped3A : memref<!tpu.dma_semaphore, #tpu.memory_space<semaphore_mem>>) src(%dma_wait3A_145 : memref<64x128xf32, #tpu.memory_space<vmem_shared>>) dst(%dma_wait3A_143 : memref<64x128xf32, #tpu.memory_space<hbm>>)
        tpu.yield
      }) : () -> ()
      "tpu.region"() ({
        %run_scoped3A = tpu.sem_alloc : memref<!tpu.dma_semaphore, #tpu.memory_space<semaphore_mem>>
        %dma_start3A_138 = arith.constant 0 : i32
        %dma_start3A_139 = tpu.memref_slice %arg8[%add3A_121, %dma_start3A_138] : memref<10240x16xf32, #tpu.memory_space<hbm>> -> memref<64x16xf32, #tpu.memory_space<hbm>>
        %dma_start3A_140 = arith.constant 128 : i32
        %dma_start3A_141 = tpu.memref_slice %arg24[%add3A_121, %dma_start3A_140] : memref<10240x144xf32, #tpu.memory_space<vmem_shared>> -> memref<64x16xf32, #tpu.memory_space<vmem_shared>>
        tpu.enqueue_dma source(%dma_start3A_141 : memref<64x16xf32, #tpu.memory_space<vmem_shared>>) target(%dma_start3A_139 : memref<64x16xf32, #tpu.memory_space<hbm>>) target_semaphore(%run_scoped3A : memref<!tpu.dma_semaphore, #tpu.memory_space<semaphore_mem>>)
        %dma_wait3A_142 = arith.constant 0 : i32
        %dma_wait3A_143 = tpu.memref_slice %arg8[%add3A_121, %dma_wait3A_142] : memref<10240x16xf32, #tpu.memory_space<hbm>> -> memref<64x16xf32, #tpu.memory_space<hbm>>
        %dma_wait3A_144 = arith.constant 128 : i32
        %dma_wait3A_145 = tpu.memref_slice %arg24[%add3A_121, %dma_wait3A_144] : memref<10240x144xf32, #tpu.memory_space<vmem_shared>> -> memref<64x16xf32, #tpu.memory_space<vmem_shared>>
        tpu.wait_dma2 semaphore(%run_scoped3A : memref<!tpu.dma_semaphore, #tpu.memory_space<semaphore_mem>>) src(%dma_wait3A_145 : memref<64x16xf32, #tpu.memory_space<vmem_shared>>) dst(%dma_wait3A_143 : memref<64x16xf32, #tpu.memory_space<hbm>>)
        tpu.yield
      }) : () -> ()
      %add3A_122 = arith.constant 128 : i32
      %add3A_123 = arith.addi %mul3A_7, %add3A_122 : i32
      "tpu.region"() ({
        %run_scoped3A = tpu.sem_alloc : memref<!tpu.dma_semaphore, #tpu.memory_space<semaphore_mem>>
        %dma_start3A_138 = arith.constant 0 : i32
        %dma_start3A_139 = tpu.memref_slice %arg7[%add3A_123, %dma_start3A_138] : memref<10240x128xf32, #tpu.memory_space<hbm>> -> memref<64x128xf32, #tpu.memory_space<hbm>>
        %dma_start3A_140 = arith.constant 0 : i32
        %dma_start3A_141 = tpu.memref_slice %arg24[%add3A_123, %dma_start3A_140] : memref<10240x144xf32, #tpu.memory_space<vmem_shared>> -> memref<64x128xf32, #tpu.memory_space<vmem_shared>>
        tpu.enqueue_dma source(%dma_start3A_141 : memref<64x128xf32, #tpu.memory_space<vmem_shared>>) target(%dma_start3A_139 : memref<64x128xf32, #tpu.memory_space<hbm>>) target_semaphore(%run_scoped3A : memref<!tpu.dma_semaphore, #tpu.memory_space<semaphore_mem>>)
        %dma_wait3A_142 = arith.constant 0 : i32
        %dma_wait3A_143 = tpu.memref_slice %arg7[%add3A_123, %dma_wait3A_142] : memref<10240x128xf32, #tpu.memory_space<hbm>> -> memref<64x128xf32, #tpu.memory_space<hbm>>
        %dma_wait3A_144 = arith.constant 0 : i32
        %dma_wait3A_145 = tpu.memref_slice %arg24[%add3A_123, %dma_wait3A_144] : memref<10240x144xf32, #tpu.memory_space<vmem_shared>> -> memref<64x128xf32, #tpu.memory_space<vmem_shared>>
        tpu.wait_dma2 semaphore(%run_scoped3A : memref<!tpu.dma_semaphore, #tpu.memory_space<semaphore_mem>>) src(%dma_wait3A_145 : memref<64x128xf32, #tpu.memory_space<vmem_shared>>) dst(%dma_wait3A_143 : memref<64x128xf32, #tpu.memory_space<hbm>>)
        tpu.yield
      }) : () -> ()
      "tpu.region"() ({
        %run_scoped3A = tpu.sem_alloc : memref<!tpu.dma_semaphore, #tpu.memory_space<semaphore_mem>>
        %dma_start3A_138 = arith.constant 0 : i32
        %dma_start3A_139 = tpu.memref_slice %arg8[%add3A_123, %dma_start3A_138] : memref<10240x16xf32, #tpu.memory_space<hbm>> -> memref<64x16xf32, #tpu.memory_space<hbm>>
        %dma_start3A_140 = arith.constant 128 : i32
        %dma_start3A_141 = tpu.memref_slice %arg24[%add3A_123, %dma_start3A_140] : memref<10240x144xf32, #tpu.memory_space<vmem_shared>> -> memref<64x16xf32, #tpu.memory_space<vmem_shared>>
        tpu.enqueue_dma source(%dma_start3A_141 : memref<64x16xf32, #tpu.memory_space<vmem_shared>>) target(%dma_start3A_139 : memref<64x16xf32, #tpu.memory_space<hbm>>) target_semaphore(%run_scoped3A : memref<!tpu.dma_semaphore, #tpu.memory_space<semaphore_mem>>)
        %dma_wait3A_142 = arith.constant 0 : i32
        %dma_wait3A_143 = tpu.memref_slice %arg8[%add3A_123, %dma_wait3A_142] : memref<10240x16xf32, #tpu.memory_space<hbm>> -> memref<64x16xf32, #tpu.memory_space<hbm>>
        %dma_wait3A_144 = arith.constant 128 : i32
        %dma_wait3A_145 = tpu.memref_slice %arg24[%add3A_123, %dma_wait3A_144] : memref<10240x144xf32, #tpu.memory_space<vmem_shared>> -> memref<64x16xf32, #tpu.memory_space<vmem_shared>>
        tpu.wait_dma2 semaphore(%run_scoped3A : memref<!tpu.dma_semaphore, #tpu.memory_space<semaphore_mem>>) src(%dma_wait3A_145 : memref<64x16xf32, #tpu.memory_space<vmem_shared>>) dst(%dma_wait3A_143 : memref<64x16xf32, #tpu.memory_space<hbm>>)
        tpu.yield
      }) : () -> ()
      %add3A_124 = arith.constant 192 : i32
      %add3A_125 = arith.addi %mul3A_7, %add3A_124 : i32
      "tpu.region"() ({
        %run_scoped3A = tpu.sem_alloc : memref<!tpu.dma_semaphore, #tpu.memory_space<semaphore_mem>>
        %dma_start3A_138 = arith.constant 0 : i32
        %dma_start3A_139 = tpu.memref_slice %arg7[%add3A_125, %dma_start3A_138] : memref<10240x128xf32, #tpu.memory_space<hbm>> -> memref<64x128xf32, #tpu.memory_space<hbm>>
        %dma_start3A_140 = arith.constant 0 : i32
        %dma_start3A_141 = tpu.memref_slice %arg24[%add3A_125, %dma_start3A_140] : memref<10240x144xf32, #tpu.memory_space<vmem_shared>> -> memref<64x128xf32, #tpu.memory_space<vmem_shared>>
        tpu.enqueue_dma source(%dma_start3A_141 : memref<64x128xf32, #tpu.memory_space<vmem_shared>>) target(%dma_start3A_139 : memref<64x128xf32, #tpu.memory_space<hbm>>) target_semaphore(%run_scoped3A : memref<!tpu.dma_semaphore, #tpu.memory_space<semaphore_mem>>)
        %dma_wait3A_142 = arith.constant 0 : i32
        %dma_wait3A_143 = tpu.memref_slice %arg7[%add3A_125, %dma_wait3A_142] : memref<10240x128xf32, #tpu.memory_space<hbm>> -> memref<64x128xf32, #tpu.memory_space<hbm>>
        %dma_wait3A_144 = arith.constant 0 : i32
        %dma_wait3A_145 = tpu.memref_slice %arg24[%add3A_125, %dma_wait3A_144] : memref<10240x144xf32, #tpu.memory_space<vmem_shared>> -> memref<64x128xf32, #tpu.memory_space<vmem_shared>>
        tpu.wait_dma2 semaphore(%run_scoped3A : memref<!tpu.dma_semaphore, #tpu.memory_space<semaphore_mem>>) src(%dma_wait3A_145 : memref<64x128xf32, #tpu.memory_space<vmem_shared>>) dst(%dma_wait3A_143 : memref<64x128xf32, #tpu.memory_space<hbm>>)
        tpu.yield
      }) : () -> ()
      "tpu.region"() ({
        %run_scoped3A = tpu.sem_alloc : memref<!tpu.dma_semaphore, #tpu.memory_space<semaphore_mem>>
        %dma_start3A_138 = arith.constant 0 : i32
        %dma_start3A_139 = tpu.memref_slice %arg8[%add3A_125, %dma_start3A_138] : memref<10240x16xf32, #tpu.memory_space<hbm>> -> memref<64x16xf32, #tpu.memory_space<hbm>>
        %dma_start3A_140 = arith.constant 128 : i32
        %dma_start3A_141 = tpu.memref_slice %arg24[%add3A_125, %dma_start3A_140] : memref<10240x144xf32, #tpu.memory_space<vmem_shared>> -> memref<64x16xf32, #tpu.memory_space<vmem_shared>>
        tpu.enqueue_dma source(%dma_start3A_141 : memref<64x16xf32, #tpu.memory_space<vmem_shared>>) target(%dma_start3A_139 : memref<64x16xf32, #tpu.memory_space<hbm>>) target_semaphore(%run_scoped3A : memref<!tpu.dma_semaphore, #tpu.memory_space<semaphore_mem>>)
        %dma_wait3A_142 = arith.constant 0 : i32
        %dma_wait3A_143 = tpu.memref_slice %arg8[%add3A_125, %dma_wait3A_142] : memref<10240x16xf32, #tpu.memory_space<hbm>> -> memref<64x16xf32, #tpu.memory_space<hbm>>
        %dma_wait3A_144 = arith.constant 128 : i32
        %dma_wait3A_145 = tpu.memref_slice %arg24[%add3A_125, %dma_wait3A_144] : memref<10240x144xf32, #tpu.memory_space<vmem_shared>> -> memref<64x16xf32, #tpu.memory_space<vmem_shared>>
        tpu.wait_dma2 semaphore(%run_scoped3A : memref<!tpu.dma_semaphore, #tpu.memory_space<semaphore_mem>>) src(%dma_wait3A_145 : memref<64x16xf32, #tpu.memory_space<vmem_shared>>) dst(%dma_wait3A_143 : memref<64x16xf32, #tpu.memory_space<hbm>>)
        tpu.yield
      }) : () -> ()
      %add3A_126 = arith.constant 256 : i32
      %add3A_127 = arith.addi %mul3A_7, %add3A_126 : i32
      "tpu.region"() ({
        %run_scoped3A = tpu.sem_alloc : memref<!tpu.dma_semaphore, #tpu.memory_space<semaphore_mem>>
        %dma_start3A_138 = arith.constant 0 : i32
        %dma_start3A_139 = tpu.memref_slice %arg7[%add3A_127, %dma_start3A_138] : memref<10240x128xf32, #tpu.memory_space<hbm>> -> memref<64x128xf32, #tpu.memory_space<hbm>>
        %dma_start3A_140 = arith.constant 0 : i32
        %dma_start3A_141 = tpu.memref_slice %arg24[%add3A_127, %dma_start3A_140] : memref<10240x144xf32, #tpu.memory_space<vmem_shared>> -> memref<64x128xf32, #tpu.memory_space<vmem_shared>>
        tpu.enqueue_dma source(%dma_start3A_141 : memref<64x128xf32, #tpu.memory_space<vmem_shared>>) target(%dma_start3A_139 : memref<64x128xf32, #tpu.memory_space<hbm>>) target_semaphore(%run_scoped3A : memref<!tpu.dma_semaphore, #tpu.memory_space<semaphore_mem>>)
        %dma_wait3A_142 = arith.constant 0 : i32
        %dma_wait3A_143 = tpu.memref_slice %arg7[%add3A_127, %dma_wait3A_142] : memref<10240x128xf32, #tpu.memory_space<hbm>> -> memref<64x128xf32, #tpu.memory_space<hbm>>
        %dma_wait3A_144 = arith.constant 0 : i32
        %dma_wait3A_145 = tpu.memref_slice %arg24[%add3A_127, %dma_wait3A_144] : memref<10240x144xf32, #tpu.memory_space<vmem_shared>> -> memref<64x128xf32, #tpu.memory_space<vmem_shared>>
        tpu.wait_dma2 semaphore(%run_scoped3A : memref<!tpu.dma_semaphore, #tpu.memory_space<semaphore_mem>>) src(%dma_wait3A_145 : memref<64x128xf32, #tpu.memory_space<vmem_shared>>) dst(%dma_wait3A_143 : memref<64x128xf32, #tpu.memory_space<hbm>>)
        tpu.yield
      }) : () -> ()
      "tpu.region"() ({
        %run_scoped3A = tpu.sem_alloc : memref<!tpu.dma_semaphore, #tpu.memory_space<semaphore_mem>>
        %dma_start3A_138 = arith.constant 0 : i32
        %dma_start3A_139 = tpu.memref_slice %arg8[%add3A_127, %dma_start3A_138] : memref<10240x16xf32, #tpu.memory_space<hbm>> -> memref<64x16xf32, #tpu.memory_space<hbm>>
        %dma_start3A_140 = arith.constant 128 : i32
        %dma_start3A_141 = tpu.memref_slice %arg24[%add3A_127, %dma_start3A_140] : memref<10240x144xf32, #tpu.memory_space<vmem_shared>> -> memref<64x16xf32, #tpu.memory_space<vmem_shared>>
        tpu.enqueue_dma source(%dma_start3A_141 : memref<64x16xf32, #tpu.memory_space<vmem_shared>>) target(%dma_start3A_139 : memref<64x16xf32, #tpu.memory_space<hbm>>) target_semaphore(%run_scoped3A : memref<!tpu.dma_semaphore, #tpu.memory_space<semaphore_mem>>)
        %dma_wait3A_142 = arith.constant 0 : i32
        %dma_wait3A_143 = tpu.memref_slice %arg8[%add3A_127, %dma_wait3A_142] : memref<10240x16xf32, #tpu.memory_space<hbm>> -> memref<64x16xf32, #tpu.memory_space<hbm>>
        %dma_wait3A_144 = arith.constant 128 : i32
        %dma_wait3A_145 = tpu.memref_slice %arg24[%add3A_127, %dma_wait3A_144] : memref<10240x144xf32, #tpu.memory_space<vmem_shared>> -> memref<64x16xf32, #tpu.memory_space<vmem_shared>>
        tpu.wait_dma2 semaphore(%run_scoped3A : memref<!tpu.dma_semaphore, #tpu.memory_space<semaphore_mem>>) src(%dma_wait3A_145 : memref<64x16xf32, #tpu.memory_space<vmem_shared>>) dst(%dma_wait3A_143 : memref<64x16xf32, #tpu.memory_space<hbm>>)
        tpu.yield
      }) : () -> ()
      %add3A_128 = arith.constant 320 : i32
      %add3A_129 = arith.addi %mul3A_7, %add3A_128 : i32
      "tpu.region"() ({
        %run_scoped3A = tpu.sem_alloc : memref<!tpu.dma_semaphore, #tpu.memory_space<semaphore_mem>>
        %dma_start3A_138 = arith.constant 0 : i32
        %dma_start3A_139 = tpu.memref_slice %arg7[%add3A_129, %dma_start3A_138] : memref<10240x128xf32, #tpu.memory_space<hbm>> -> memref<64x128xf32, #tpu.memory_space<hbm>>
        %dma_start3A_140 = arith.constant 0 : i32
        %dma_start3A_141 = tpu.memref_slice %arg24[%add3A_129, %dma_start3A_140] : memref<10240x144xf32, #tpu.memory_space<vmem_shared>> -> memref<64x128xf32, #tpu.memory_space<vmem_shared>>
        tpu.enqueue_dma source(%dma_start3A_141 : memref<64x128xf32, #tpu.memory_space<vmem_shared>>) target(%dma_start3A_139 : memref<64x128xf32, #tpu.memory_space<hbm>>) target_semaphore(%run_scoped3A : memref<!tpu.dma_semaphore, #tpu.memory_space<semaphore_mem>>)
        %dma_wait3A_142 = arith.constant 0 : i32
        %dma_wait3A_143 = tpu.memref_slice %arg7[%add3A_129, %dma_wait3A_142] : memref<10240x128xf32, #tpu.memory_space<hbm>> -> memref<64x128xf32, #tpu.memory_space<hbm>>
        %dma_wait3A_144 = arith.constant 0 : i32
        %dma_wait3A_145 = tpu.memref_slice %arg24[%add3A_129, %dma_wait3A_144] : memref<10240x144xf32, #tpu.memory_space<vmem_shared>> -> memref<64x128xf32, #tpu.memory_space<vmem_shared>>
        tpu.wait_dma2 semaphore(%run_scoped3A : memref<!tpu.dma_semaphore, #tpu.memory_space<semaphore_mem>>) src(%dma_wait3A_145 : memref<64x128xf32, #tpu.memory_space<vmem_shared>>) dst(%dma_wait3A_143 : memref<64x128xf32, #tpu.memory_space<hbm>>)
        tpu.yield
      }) : () -> ()
      "tpu.region"() ({
        %run_scoped3A = tpu.sem_alloc : memref<!tpu.dma_semaphore, #tpu.memory_space<semaphore_mem>>
        %dma_start3A_138 = arith.constant 0 : i32
        %dma_start3A_139 = tpu.memref_slice %arg8[%add3A_129, %dma_start3A_138] : memref<10240x16xf32, #tpu.memory_space<hbm>> -> memref<64x16xf32, #tpu.memory_space<hbm>>
        %dma_start3A_140 = arith.constant 128 : i32
        %dma_start3A_141 = tpu.memref_slice %arg24[%add3A_129, %dma_start3A_140] : memref<10240x144xf32, #tpu.memory_space<vmem_shared>> -> memref<64x16xf32, #tpu.memory_space<vmem_shared>>
        tpu.enqueue_dma source(%dma_start3A_141 : memref<64x16xf32, #tpu.memory_space<vmem_shared>>) target(%dma_start3A_139 : memref<64x16xf32, #tpu.memory_space<hbm>>) target_semaphore(%run_scoped3A : memref<!tpu.dma_semaphore, #tpu.memory_space<semaphore_mem>>)
        %dma_wait3A_142 = arith.constant 0 : i32
        %dma_wait3A_143 = tpu.memref_slice %arg8[%add3A_129, %dma_wait3A_142] : memref<10240x16xf32, #tpu.memory_space<hbm>> -> memref<64x16xf32, #tpu.memory_space<hbm>>
        %dma_wait3A_144 = arith.constant 128 : i32
        %dma_wait3A_145 = tpu.memref_slice %arg24[%add3A_129, %dma_wait3A_144] : memref<10240x144xf32, #tpu.memory_space<vmem_shared>> -> memref<64x16xf32, #tpu.memory_space<vmem_shared>>
        tpu.wait_dma2 semaphore(%run_scoped3A : memref<!tpu.dma_semaphore, #tpu.memory_space<semaphore_mem>>) src(%dma_wait3A_145 : memref<64x16xf32, #tpu.memory_space<vmem_shared>>) dst(%dma_wait3A_143 : memref<64x16xf32, #tpu.memory_space<hbm>>)
        tpu.yield
      }) : () -> ()
      %add3A_130 = arith.constant 384 : i32
      %add3A_131 = arith.addi %mul3A_7, %add3A_130 : i32
      "tpu.region"() ({
        %run_scoped3A = tpu.sem_alloc : memref<!tpu.dma_semaphore, #tpu.memory_space<semaphore_mem>>
        %dma_start3A_138 = arith.constant 0 : i32
        %dma_start3A_139 = tpu.memref_slice %arg7[%add3A_131, %dma_start3A_138] : memref<10240x128xf32, #tpu.memory_space<hbm>> -> memref<64x128xf32, #tpu.memory_space<hbm>>
        %dma_start3A_140 = arith.constant 0 : i32
        %dma_start3A_141 = tpu.memref_slice %arg24[%add3A_131, %dma_start3A_140] : memref<10240x144xf32, #tpu.memory_space<vmem_shared>> -> memref<64x128xf32, #tpu.memory_space<vmem_shared>>
        tpu.enqueue_dma source(%dma_start3A_141 : memref<64x128xf32, #tpu.memory_space<vmem_shared>>) target(%dma_start3A_139 : memref<64x128xf32, #tpu.memory_space<hbm>>) target_semaphore(%run_scoped3A : memref<!tpu.dma_semaphore, #tpu.memory_space<semaphore_mem>>)
        %dma_wait3A_142 = arith.constant 0 : i32
        %dma_wait3A_143 = tpu.memref_slice %arg7[%add3A_131, %dma_wait3A_142] : memref<10240x128xf32, #tpu.memory_space<hbm>> -> memref<64x128xf32, #tpu.memory_space<hbm>>
        %dma_wait3A_144 = arith.constant 0 : i32
        %dma_wait3A_145 = tpu.memref_slice %arg24[%add3A_131, %dma_wait3A_144] : memref<10240x144xf32, #tpu.memory_space<vmem_shared>> -> memref<64x128xf32, #tpu.memory_space<vmem_shared>>
        tpu.wait_dma2 semaphore(%run_scoped3A : memref<!tpu.dma_semaphore, #tpu.memory_space<semaphore_mem>>) src(%dma_wait3A_145 : memref<64x128xf32, #tpu.memory_space<vmem_shared>>) dst(%dma_wait3A_143 : memref<64x128xf32, #tpu.memory_space<hbm>>)
        tpu.yield
      }) : () -> ()
      "tpu.region"() ({
        %run_scoped3A = tpu.sem_alloc : memref<!tpu.dma_semaphore, #tpu.memory_space<semaphore_mem>>
        %dma_start3A_138 = arith.constant 0 : i32
        %dma_start3A_139 = tpu.memref_slice %arg8[%add3A_131, %dma_start3A_138] : memref<10240x16xf32, #tpu.memory_space<hbm>> -> memref<64x16xf32, #tpu.memory_space<hbm>>
        %dma_start3A_140 = arith.constant 128 : i32
        %dma_start3A_141 = tpu.memref_slice %arg24[%add3A_131, %dma_start3A_140] : memref<10240x144xf32, #tpu.memory_space<vmem_shared>> -> memref<64x16xf32, #tpu.memory_space<vmem_shared>>
        tpu.enqueue_dma source(%dma_start3A_141 : memref<64x16xf32, #tpu.memory_space<vmem_shared>>) target(%dma_start3A_139 : memref<64x16xf32, #tpu.memory_space<hbm>>) target_semaphore(%run_scoped3A : memref<!tpu.dma_semaphore, #tpu.memory_space<semaphore_mem>>)
        %dma_wait3A_142 = arith.constant 0 : i32
        %dma_wait3A_143 = tpu.memref_slice %arg8[%add3A_131, %dma_wait3A_142] : memref<10240x16xf32, #tpu.memory_space<hbm>> -> memref<64x16xf32, #tpu.memory_space<hbm>>
        %dma_wait3A_144 = arith.constant 128 : i32
        %dma_wait3A_145 = tpu.memref_slice %arg24[%add3A_131, %dma_wait3A_144] : memref<10240x144xf32, #tpu.memory_space<vmem_shared>> -> memref<64x16xf32, #tpu.memory_space<vmem_shared>>
        tpu.wait_dma2 semaphore(%run_scoped3A : memref<!tpu.dma_semaphore, #tpu.memory_space<semaphore_mem>>) src(%dma_wait3A_145 : memref<64x16xf32, #tpu.memory_space<vmem_shared>>) dst(%dma_wait3A_143 : memref<64x16xf32, #tpu.memory_space<hbm>>)
        tpu.yield
      }) : () -> ()
      %add3A_132 = arith.constant 448 : i32
      %add3A_133 = arith.addi %mul3A_7, %add3A_132 : i32
      "tpu.region"() ({
        %run_scoped3A = tpu.sem_alloc : memref<!tpu.dma_semaphore, #tpu.memory_space<semaphore_mem>>
        %dma_start3A_138 = arith.constant 0 : i32
        %dma_start3A_139 = tpu.memref_slice %arg7[%add3A_133, %dma_start3A_138] : memref<10240x128xf32, #tpu.memory_space<hbm>> -> memref<64x128xf32, #tpu.memory_space<hbm>>
        %dma_start3A_140 = arith.constant 0 : i32
        %dma_start3A_141 = tpu.memref_slice %arg24[%add3A_133, %dma_start3A_140] : memref<10240x144xf32, #tpu.memory_space<vmem_shared>> -> memref<64x128xf32, #tpu.memory_space<vmem_shared>>
        tpu.enqueue_dma source(%dma_start3A_141 : memref<64x128xf32, #tpu.memory_space<vmem_shared>>) target(%dma_start3A_139 : memref<64x128xf32, #tpu.memory_space<hbm>>) target_semaphore(%run_scoped3A : memref<!tpu.dma_semaphore, #tpu.memory_space<semaphore_mem>>)
        %dma_wait3A_142 = arith.constant 0 : i32
        %dma_wait3A_143 = tpu.memref_slice %arg7[%add3A_133, %dma_wait3A_142] : memref<10240x128xf32, #tpu.memory_space<hbm>> -> memref<64x128xf32, #tpu.memory_space<hbm>>
        %dma_wait3A_144 = arith.constant 0 : i32
        %dma_wait3A_145 = tpu.memref_slice %arg24[%add3A_133, %dma_wait3A_144] : memref<10240x144xf32, #tpu.memory_space<vmem_shared>> -> memref<64x128xf32, #tpu.memory_space<vmem_shared>>
        tpu.wait_dma2 semaphore(%run_scoped3A : memref<!tpu.dma_semaphore, #tpu.memory_space<semaphore_mem>>) src(%dma_wait3A_145 : memref<64x128xf32, #tpu.memory_space<vmem_shared>>) dst(%dma_wait3A_143 : memref<64x128xf32, #tpu.memory_space<hbm>>)
        tpu.yield
      }) : () -> ()
      "tpu.region"() ({
        %run_scoped3A = tpu.sem_alloc : memref<!tpu.dma_semaphore, #tpu.memory_space<semaphore_mem>>
        %dma_start3A_138 = arith.constant 0 : i32
        %dma_start3A_139 = tpu.memref_slice %arg8[%add3A_133, %dma_start3A_138] : memref<10240x16xf32, #tpu.memory_space<hbm>> -> memref<64x16xf32, #tpu.memory_space<hbm>>
        %dma_start3A_140 = arith.constant 128 : i32
        %dma_start3A_141 = tpu.memref_slice %arg24[%add3A_133, %dma_start3A_140] : memref<10240x144xf32, #tpu.memory_space<vmem_shared>> -> memref<64x16xf32, #tpu.memory_space<vmem_shared>>
        tpu.enqueue_dma source(%dma_start3A_141 : memref<64x16xf32, #tpu.memory_space<vmem_shared>>) target(%dma_start3A_139 : memref<64x16xf32, #tpu.memory_space<hbm>>) target_semaphore(%run_scoped3A : memref<!tpu.dma_semaphore, #tpu.memory_space<semaphore_mem>>)
        %dma_wait3A_142 = arith.constant 0 : i32
        %dma_wait3A_143 = tpu.memref_slice %arg8[%add3A_133, %dma_wait3A_142] : memref<10240x16xf32, #tpu.memory_space<hbm>> -> memref<64x16xf32, #tpu.memory_space<hbm>>
        %dma_wait3A_144 = arith.constant 128 : i32
        %dma_wait3A_145 = tpu.memref_slice %arg24[%add3A_133, %dma_wait3A_144] : memref<10240x144xf32, #tpu.memory_space<vmem_shared>> -> memref<64x16xf32, #tpu.memory_space<vmem_shared>>
        tpu.wait_dma2 semaphore(%run_scoped3A : memref<!tpu.dma_semaphore, #tpu.memory_space<semaphore_mem>>) src(%dma_wait3A_145 : memref<64x16xf32, #tpu.memory_space<vmem_shared>>) dst(%dma_wait3A_143 : memref<64x16xf32, #tpu.memory_space<hbm>>)
        tpu.yield
      }) : () -> ()
      %add3A_134 = arith.constant 512 : i32
      %add3A_135 = arith.addi %mul3A_7, %add3A_134 : i32
      "tpu.region"() ({
        %run_scoped3A = tpu.sem_alloc : memref<!tpu.dma_semaphore, #tpu.memory_space<semaphore_mem>>
        %dma_start3A_138 = arith.constant 0 : i32
        %dma_start3A_139 = tpu.memref_slice %arg7[%add3A_135, %dma_start3A_138] : memref<10240x128xf32, #tpu.memory_space<hbm>> -> memref<64x128xf32, #tpu.memory_space<hbm>>
        %dma_start3A_140 = arith.constant 0 : i32
        %dma_start3A_141 = tpu.memref_slice %arg24[%add3A_135, %dma_start3A_140] : memref<10240x144xf32, #tpu.memory_space<vmem_shared>> -> memref<64x128xf32, #tpu.memory_space<vmem_shared>>
        tpu.enqueue_dma source(%dma_start3A_141 : memref<64x128xf32, #tpu.memory_space<vmem_shared>>) target(%dma_start3A_139 : memref<64x128xf32, #tpu.memory_space<hbm>>) target_semaphore(%run_scoped3A : memref<!tpu.dma_semaphore, #tpu.memory_space<semaphore_mem>>)
        %dma_wait3A_142 = arith.constant 0 : i32
        %dma_wait3A_143 = tpu.memref_slice %arg7[%add3A_135, %dma_wait3A_142] : memref<10240x128xf32, #tpu.memory_space<hbm>> -> memref<64x128xf32, #tpu.memory_space<hbm>>
        %dma_wait3A_144 = arith.constant 0 : i32
        %dma_wait3A_145 = tpu.memref_slice %arg24[%add3A_135, %dma_wait3A_144] : memref<10240x144xf32, #tpu.memory_space<vmem_shared>> -> memref<64x128xf32, #tpu.memory_space<vmem_shared>>
        tpu.wait_dma2 semaphore(%run_scoped3A : memref<!tpu.dma_semaphore, #tpu.memory_space<semaphore_mem>>) src(%dma_wait3A_145 : memref<64x128xf32, #tpu.memory_space<vmem_shared>>) dst(%dma_wait3A_143 : memref<64x128xf32, #tpu.memory_space<hbm>>)
        tpu.yield
      }) : () -> ()
      "tpu.region"() ({
        %run_scoped3A = tpu.sem_alloc : memref<!tpu.dma_semaphore, #tpu.memory_space<semaphore_mem>>
        %dma_start3A_138 = arith.constant 0 : i32
        %dma_start3A_139 = tpu.memref_slice %arg8[%add3A_135, %dma_start3A_138] : memref<10240x16xf32, #tpu.memory_space<hbm>> -> memref<64x16xf32, #tpu.memory_space<hbm>>
        %dma_start3A_140 = arith.constant 128 : i32
        %dma_start3A_141 = tpu.memref_slice %arg24[%add3A_135, %dma_start3A_140] : memref<10240x144xf32, #tpu.memory_space<vmem_shared>> -> memref<64x16xf32, #tpu.memory_space<vmem_shared>>
        tpu.enqueue_dma source(%dma_start3A_141 : memref<64x16xf32, #tpu.memory_space<vmem_shared>>) target(%dma_start3A_139 : memref<64x16xf32, #tpu.memory_space<hbm>>) target_semaphore(%run_scoped3A : memref<!tpu.dma_semaphore, #tpu.memory_space<semaphore_mem>>)
        %dma_wait3A_142 = arith.constant 0 : i32
        %dma_wait3A_143 = tpu.memref_slice %arg8[%add3A_135, %dma_wait3A_142] : memref<10240x16xf32, #tpu.memory_space<hbm>> -> memref<64x16xf32, #tpu.memory_space<hbm>>
        %dma_wait3A_144 = arith.constant 128 : i32
        %dma_wait3A_145 = tpu.memref_slice %arg24[%add3A_135, %dma_wait3A_144] : memref<10240x144xf32, #tpu.memory_space<vmem_shared>> -> memref<64x16xf32, #tpu.memory_space<vmem_shared>>
        tpu.wait_dma2 semaphore(%run_scoped3A : memref<!tpu.dma_semaphore, #tpu.memory_space<semaphore_mem>>) src(%dma_wait3A_145 : memref<64x16xf32, #tpu.memory_space<vmem_shared>>) dst(%dma_wait3A_143 : memref<64x16xf32, #tpu.memory_space<hbm>>)
        tpu.yield
      }) : () -> ()
      %add3A_136 = arith.constant 576 : i32
      %add3A_137 = arith.addi %mul3A_7, %add3A_136 : i32
      "tpu.region"() ({
        %run_scoped3A = tpu.sem_alloc : memref<!tpu.dma_semaphore, #tpu.memory_space<semaphore_mem>>
        %dma_start3A_138 = arith.constant 0 : i32
        %dma_start3A_139 = tpu.memref_slice %arg7[%add3A_137, %dma_start3A_138] : memref<10240x128xf32, #tpu.memory_space<hbm>> -> memref<64x128xf32, #tpu.memory_space<hbm>>
        %dma_start3A_140 = arith.constant 0 : i32
        %dma_start3A_141 = tpu.memref_slice %arg24[%add3A_137, %dma_start3A_140] : memref<10240x144xf32, #tpu.memory_space<vmem_shared>> -> memref<64x128xf32, #tpu.memory_space<vmem_shared>>
        tpu.enqueue_dma source(%dma_start3A_141 : memref<64x128xf32, #tpu.memory_space<vmem_shared>>) target(%dma_start3A_139 : memref<64x128xf32, #tpu.memory_space<hbm>>) target_semaphore(%run_scoped3A : memref<!tpu.dma_semaphore, #tpu.memory_space<semaphore_mem>>)
        %dma_wait3A_142 = arith.constant 0 : i32
        %dma_wait3A_143 = tpu.memref_slice %arg7[%add3A_137, %dma_wait3A_142] : memref<10240x128xf32, #tpu.memory_space<hbm>> -> memref<64x128xf32, #tpu.memory_space<hbm>>
        %dma_wait3A_144 = arith.constant 0 : i32
        %dma_wait3A_145 = tpu.memref_slice %arg24[%add3A_137, %dma_wait3A_144] : memref<10240x144xf32, #tpu.memory_space<vmem_shared>> -> memref<64x128xf32, #tpu.memory_space<vmem_shared>>
        tpu.wait_dma2 semaphore(%run_scoped3A : memref<!tpu.dma_semaphore, #tpu.memory_space<semaphore_mem>>) src(%dma_wait3A_145 : memref<64x128xf32, #tpu.memory_space<vmem_shared>>) dst(%dma_wait3A_143 : memref<64x128xf32, #tpu.memory_space<hbm>>)
        tpu.yield
      }) : () -> ()
      "tpu.region"() ({
        %run_scoped3A = tpu.sem_alloc : memref<!tpu.dma_semaphore, #tpu.memory_space<semaphore_mem>>
        %dma_start3A_138 = arith.constant 0 : i32
        %dma_start3A_139 = tpu.memref_slice %arg8[%add3A_137, %dma_start3A_138] : memref<10240x16xf32, #tpu.memory_space<hbm>> -> memref<64x16xf32, #tpu.memory_space<hbm>>
        %dma_start3A_140 = arith.constant 128 : i32
        %dma_start3A_141 = tpu.memref_slice %arg24[%add3A_137, %dma_start3A_140] : memref<10240x144xf32, #tpu.memory_space<vmem_shared>> -> memref<64x16xf32, #tpu.memory_space<vmem_shared>>
        tpu.enqueue_dma source(%dma_start3A_141 : memref<64x16xf32, #tpu.memory_space<vmem_shared>>) target(%dma_start3A_139 : memref<64x16xf32, #tpu.memory_space<hbm>>) target_semaphore(%run_scoped3A : memref<!tpu.dma_semaphore, #tpu.memory_space<semaphore_mem>>)
        %dma_wait3A_142 = arith.constant 0 : i32
        %dma_wait3A_143 = tpu.memref_slice %arg8[%add3A_137, %dma_wait3A_142] : memref<10240x16xf32, #tpu.memory_space<hbm>> -> memref<64x16xf32, #tpu.memory_space<hbm>>
        %dma_wait3A_144 = arith.constant 128 : i32
        %dma_wait3A_145 = tpu.memref_slice %arg24[%add3A_137, %dma_wait3A_144] : memref<10240x144xf32, #tpu.memory_space<vmem_shared>> -> memref<64x16xf32, #tpu.memory_space<vmem_shared>>
        tpu.wait_dma2 semaphore(%run_scoped3A : memref<!tpu.dma_semaphore, #tpu.memory_space<semaphore_mem>>) src(%dma_wait3A_145 : memref<64x16xf32, #tpu.memory_space<vmem_shared>>) dst(%dma_wait3A_143 : memref<64x16xf32, #tpu.memory_space<hbm>>)
        tpu.yield
      }) : () -> ()
    } else {
    }
    return
  }
}

module attributes {stable_mosaic.version = 14 : i64} {
  func.func @_prep_body(%arg0: i32, %arg1: memref<2504x128xf32, #tpu.memory_space<vmem>>, %arg2: memref<128x128xf32, #tpu.memory_space<vmem>>, %arg3: memref<128x32xf32, #tpu.memory_space<vmem>>, %arg4: memref<16x128xf32, #tpu.memory_space<vmem>>, %arg5: memref<2504x144xf32, #tpu.memory_space<vmem>>, %arg6: memref<2504x16xf32, #tpu.memory_space<vmem>>, %arg7: memref<2504x144xf32, #tpu.memory_space<vmem>>) attributes {dimension_semantics = [#tpu.dimension_semantics<arbitrary>], iteration_bounds = array<i64: 4>, scalar_prefetch = 0 : i64, scratch_operands = 0 : i64, tpu.core_type = #tpu.core_type<tc>, window_params = [{transform_indices = @transform_0, window_bounds = array<i64: 2504, 128>}, {pipeline_mode = #tpu.pipeline_mode<synchronous>, transform_indices = @transform_1, window_bounds = array<i64: 128, 128>}, {pipeline_mode = #tpu.pipeline_mode<synchronous>, transform_indices = @transform_2, window_bounds = array<i64: 128, 32>}, {pipeline_mode = #tpu.pipeline_mode<synchronous>, transform_indices = @transform_3, window_bounds = array<i64: 16, 128>}, {transform_indices = @transform_4, window_bounds = array<i64: 2504, 144>}, {transform_indices = @transform_5, window_bounds = array<i64: 2504, 16>}, {transform_indices = @transform_6, window_bounds = array<i64: 2504, 144>}]} {
    %get3A = arith.constant 0 : index
    %get3A_0 = arith.constant 0 : index
    %get3A_1 = vector.load %arg1[%get3A, %get3A_0] : memref<2504x128xf32, #tpu.memory_space<vmem>>, vector<2504x128xf32>
    %get3A_2 = arith.constant 0 : index
    %get3A_3 = arith.constant 0 : index
    %get3A_4 = vector.load %arg2[%get3A_2, %get3A_3] : memref<128x128xf32, #tpu.memory_space<vmem>>, vector<128x128xf32>
    %dot_general3A = arith.constant dense<0.000000e+00> : vector<2504x128xf32>
    %dot_general3A_5 = tpu.matmul %get3A_1, %get3A_4, %dot_general3A {dimension_numbers = #tpu.dot_dimension_numbers<[1], [0], [0], [1], [0, 0, 1, 1], [], []>, transpose_lhs_hint = false} : vector<2504x128xf32>, vector<128x128xf32>, vector<2504x128xf32> -> vector<2504x128xf32>
    %get3A_6 = arith.constant 0 : index
    %get3A_7 = arith.constant 0 : index
    %get3A_8 = vector.load %arg3[%get3A_6, %get3A_7] : memref<128x32xf32, #tpu.memory_space<vmem>>, vector<128x32xf32>
    %dot_general3A_9 = arith.constant dense<0.000000e+00> : vector<2504x32xf32>
    %dot_general3A_10 = tpu.matmul %dot_general3A_5, %get3A_8, %dot_general3A_9 {dimension_numbers = #tpu.dot_dimension_numbers<[1], [0], [0], [1], [0, 0, 1, 1], [], []>, transpose_lhs_hint = false} : vector<2504x128xf32>, vector<128x32xf32>, vector<2504x32xf32> -> vector<2504x32xf32>
    %slice3A = vector.extract_strided_slice %dot_general3A_10 {offsets = [0, 0], sizes = [2504, 16], strides = [1, 1]} : vector<2504x32xf32> to vector<2504x16xf32>
    %slice3A_11 = vector.extract_strided_slice %dot_general3A_10 {offsets = [0, 16], sizes = [2504, 16], strides = [1, 1]} : vector<2504x32xf32> to vector<2504x16xf32>
    %swap3A = arith.constant 0 : index
    %swap3A_12 = arith.constant 0 : index
    %swap3A_13 = vector.load %arg5[%swap3A, %swap3A_12] : memref<2504x144xf32, #tpu.memory_space<vmem>>, vector<2504x128xf32>
    tpu.vector_store %arg5[%swap3A, %swap3A_12], %dot_general3A_5 {strides = array<i32>} : memref<2504x144xf32, #tpu.memory_space<vmem>>, vector<2504x128xf32>,
    %swap3A_14 = arith.constant 0 : index
    %swap3A_15 = arith.constant 128 : index
    %swap3A_16 = vector.load %arg5[%swap3A_14, %swap3A_15] : memref<2504x144xf32, #tpu.memory_space<vmem>>, vector<2504x16xf32>
    tpu.vector_store %arg5[%swap3A_14, %swap3A_15], %slice3A {strides = array<i32>} : memref<2504x144xf32, #tpu.memory_space<vmem>>, vector<2504x16xf32>,
    %swap3A_17 = arith.constant 0 : index
    %swap3A_18 = arith.constant 0 : index
    %swap3A_19 = vector.load %arg6[%swap3A_17, %swap3A_18] : memref<2504x16xf32, #tpu.memory_space<vmem>>, vector<2504x16xf32>
    tpu.vector_store %arg6[%swap3A_17, %swap3A_18], %slice3A_11 {strides = array<i32>} : memref<2504x16xf32, #tpu.memory_space<vmem>>, vector<2504x16xf32>,
    %add3A = arith.addf %slice3A, %slice3A_11 : vector<2504x16xf32>
    %mul3A = arith.constant 2.000000e-01 : f32
    %mul3A_20 = vector.broadcast %mul3A : f32 to vector<2504x16xf32>
    %mul3A_21 = arith.mulf %mul3A_20, %add3A : vector<2504x16xf32>
    %max3A = arith.maximumf %add3A, %mul3A_21 : vector<2504x16xf32>
    %iota3A = tpu.iota {dimensions = array<i32: 1>} : vector<1x16xi32>
    %exp3A = math.exp %max3A : vector<2504x16xf32>
    %lt3A = arith.constant 8 : i32
    %lt3A_22 = vector.broadcast %lt3A : i32 to vector<1x16xi32>
    %lt3A_23 = arith.cmpi slt, %iota3A, %lt3A_22 : vector<1x16xi32>
    %convert_element_type3A = arith.extui %lt3A_23 : vector<1x16xi1> to vector<1x16xi32>
    %convert_element_type3A_24 = arith.sitofp %convert_element_type3A : vector<1x16xi32> to vector<1x16xf32>
    %mul3A_25 = vector.broadcast %convert_element_type3A_24 : vector<1x16xf32> to vector<2504x16xf32>
    %mul3A_26 = arith.mulf %exp3A, %mul3A_25 : vector<2504x16xf32>
    %get3A_27 = arith.constant 0 : index
    %get3A_28 = arith.constant 0 : index
    %get3A_29 = vector.load %arg4[%get3A_27, %get3A_28] : memref<16x128xf32, #tpu.memory_space<vmem>>, vector<16x128xf32>
    %dot_general3A_30 = arith.constant dense<0.000000e+00> : vector<2504x128xf32>
    %dot_general3A_31 = tpu.matmul %mul3A_26, %get3A_29, %dot_general3A_30 {dimension_numbers = #tpu.dot_dimension_numbers<[1], [0], [0], [1], [0, 0, 1, 1], [], []>, transpose_lhs_hint = false} : vector<2504x16xf32>, vector<16x128xf32>, vector<2504x128xf32> -> vector<2504x128xf32>
    %mul3A_32 = arith.mulf %dot_general3A_5, %dot_general3A_31 : vector<2504x128xf32>
    %swap3A_33 = arith.constant 0 : index
    %swap3A_34 = arith.constant 0 : index
    %swap3A_35 = vector.load %arg7[%swap3A_33, %swap3A_34] : memref<2504x144xf32, #tpu.memory_space<vmem>>, vector<2504x128xf32>
    tpu.vector_store %arg7[%swap3A_33, %swap3A_34], %mul3A_32 {strides = array<i32>} : memref<2504x144xf32, #tpu.memory_space<vmem>>, vector<2504x128xf32>,
    %swap3A_36 = arith.constant 0 : index
    %swap3A_37 = arith.constant 128 : index
    %swap3A_38 = vector.load %arg7[%swap3A_36, %swap3A_37] : memref<2504x144xf32, #tpu.memory_space<vmem>>, vector<2504x16xf32>
    tpu.vector_store %arg7[%swap3A_36, %swap3A_37], %mul3A_26 {strides = array<i32>} : memref<2504x144xf32, #tpu.memory_space<vmem>>, vector<2504x16xf32>,
    return
  }
  func.func @transform_0(%arg0: i32) -> (i32, i32) {
    %c0_i32 = arith.constant 0 : i32
    %c0_i32_0 = arith.constant 0 : i32
    return %arg0, %c0_i32 : i32, i32
  }
  func.func @transform_1(%arg0: i32) -> (i32, i32) {
    %c0_i32 = arith.constant 0 : i32
    %c0_i32_0 = arith.constant 0 : i32
    %c0_i32_1 = arith.constant 0 : i32
    return %c0_i32, %c0_i32_0 : i32, i32
  }
  func.func @transform_2(%arg0: i32) -> (i32, i32) {
    %c0_i32 = arith.constant 0 : i32
    %c0_i32_0 = arith.constant 0 : i32
    %c0_i32_1 = arith.constant 0 : i32
    return %c0_i32, %c0_i32_0 : i32, i32
  }
  func.func @transform_3(%arg0: i32) -> (i32, i32) {
    %c0_i32 = arith.constant 0 : i32
    %c0_i32_0 = arith.constant 0 : i32
    %c0_i32_1 = arith.constant 0 : i32
    return %c0_i32, %c0_i32_0 : i32, i32
  }
  func.func @transform_4(%arg0: i32) -> (i32, i32) {
    %c0_i32 = arith.constant 0 : i32
    %c0_i32_0 = arith.constant 0 : i32
    return %arg0, %c0_i32 : i32, i32
  }
  func.func @transform_5(%arg0: i32) -> (i32, i32) {
    %c0_i32 = arith.constant 0 : i32
    %c0_i32_0 = arith.constant 0 : i32
    return %arg0, %c0_i32 : i32, i32
  }
  func.func @transform_6(%arg0: i32) -> (i32, i32) {
    %c0_i32 = arith.constant 0 : i32
    %c0_i32_0 = arith.constant 0 : i32
    return %arg0, %c0_i32 : i32, i32
  }
}

module attributes {stable_mosaic.version = 14 : i64} {
  func.func @_norm1_body(%arg0: i32, %arg1: memref<2000x128xf32, #tpu.memory_space<vmem>>, %arg2: memref<2000x128xf32, #tpu.memory_space<vmem>>, %arg3: memref<2000x16xf32, #tpu.memory_space<vmem>>, %arg4: memref<2000x16xf32, #tpu.memory_space<vmem>>, %arg5: memref<2000x144xf32, #tpu.memory_space<vmem>>, %arg6: memref<1x128xf32, #tpu.memory_space<vmem>>, %arg7: memref<16x128xf32, #tpu.memory_space<vmem>>, %arg8: memref<2000x128xf32, #tpu.memory_space<vmem>>, %arg9: memref<1x2x128xf32, #tpu.memory_space<vmem>>) attributes {dimension_semantics = [#tpu.dimension_semantics<arbitrary>], iteration_bounds = array<i64: 5>, scalar_prefetch = 0 : i64, scratch_operands = 0 : i64, tpu.core_type = #tpu.core_type<tc>, window_params = [{transform_indices = @transform_0, window_bounds = array<i64: 2000, 128>}, {transform_indices = @transform_1, window_bounds = array<i64: 2000, 128>}, {transform_indices = @transform_2, window_bounds = array<i64: 2000, 16>}, {transform_indices = @transform_3, window_bounds = array<i64: 2000, 16>}, {transform_indices = @transform_4, window_bounds = array<i64: 2000, 144>}, {pipeline_mode = #tpu.pipeline_mode<synchronous>, transform_indices = @transform_5, window_bounds = array<i64: 1, 128>}, {pipeline_mode = #tpu.pipeline_mode<synchronous>, transform_indices = @transform_6, window_bounds = array<i64: 16, 128>}, {transform_indices = @transform_7, window_bounds = array<i64: 2000, 128>}, {transform_indices = @transform_8, window_bounds = array<i64: 1, 2, 128>}]} {
    %get3A = arith.constant 0 : index
    %get3A_0 = arith.constant 0 : index
    %get3A_1 = vector.load %arg1[%get3A, %get3A_0] : memref<2000x128xf32, #tpu.memory_space<vmem>>, vector<2000x128xf32>
    %get3A_2 = arith.constant 0 : index
    %get3A_3 = arith.constant 0 : index
    %get3A_4 = vector.load %arg2[%get3A_2, %get3A_3] : memref<2000x128xf32, #tpu.memory_space<vmem>>, vector<2000x128xf32>
    %add3A = arith.addf %get3A_1, %get3A_4 : vector<2000x128xf32>
    %get3A_5 = arith.constant 0 : index
    %get3A_6 = arith.constant 0 : index
    %get3A_7 = vector.load %arg5[%get3A_5, %get3A_6] : memref<2000x144xf32, #tpu.memory_space<vmem>>, vector<2000x128xf32>
    %add3A_8 = arith.addf %add3A, %get3A_7 : vector<2000x128xf32>
    %get3A_9 = arith.constant 0 : index
    %get3A_10 = arith.constant 0 : index
    %get3A_11 = vector.load %arg3[%get3A_9, %get3A_10] : memref<2000x16xf32, #tpu.memory_space<vmem>>, vector<2000x16xf32>
    %get3A_12 = arith.constant 0 : index
    %get3A_13 = arith.constant 0 : index
    %get3A_14 = vector.load %arg4[%get3A_12, %get3A_13] : memref<2000x16xf32, #tpu.memory_space<vmem>>, vector<2000x16xf32>
    %add3A_15 = arith.addf %get3A_11, %get3A_14 : vector<2000x16xf32>
    %get3A_16 = arith.constant 0 : index
    %get3A_17 = arith.constant 128 : index
    %get3A_18 = vector.load %arg5[%get3A_16, %get3A_17] : memref<2000x144xf32, #tpu.memory_space<vmem>>, vector<2000x16xf32>
    %add3A_19 = arith.addf %add3A_15, %get3A_18 : vector<2000x16xf32>
    %get3A_20 = arith.constant 0 : index
    %get3A_21 = arith.constant 0 : index
    %get3A_22 = vector.load %arg7[%get3A_20, %get3A_21] : memref<16x128xf32, #tpu.memory_space<vmem>>, vector<16x128xf32>
    %dot_general3A = arith.constant dense<0.000000e+00> : vector<2000x128xf32>
    %dot_general3A_23 = tpu.matmul %add3A_19, %get3A_22, %dot_general3A {dimension_numbers = #tpu.dot_dimension_numbers<[1], [0], [0], [1], [0, 0, 1, 1], [], []>, transpose_lhs_hint = false} : vector<2000x16xf32>, vector<16x128xf32>, vector<2000x128xf32> -> vector<2000x128xf32>
    %div3A = arith.divf %add3A_8, %dot_general3A_23 : vector<2000x128xf32>
    %get3A_24 = arith.constant 0 : index
    %get3A_25 = arith.constant 0 : index
    %get3A_26 = vector.load %arg6[%get3A_24, %get3A_25] : memref<1x128xf32, #tpu.memory_space<vmem>>, vector<1x128xf32>
    %add3A_27 = vector.broadcast %get3A_26 : vector<1x128xf32> to vector<2000x128xf32>
    %add3A_28 = arith.addf %div3A, %add3A_27 : vector<2000x128xf32>
    %swap3A = arith.constant 0 : index
    %swap3A_29 = arith.constant 0 : index
    %swap3A_30 = vector.load %arg8[%swap3A, %swap3A_29] : memref<2000x128xf32, #tpu.memory_space<vmem>>, vector<2000x128xf32>
    tpu.vector_store %arg8[%swap3A, %swap3A_29], %add3A_28 {strides = array<i32>} : memref<2000x128xf32, #tpu.memory_space<vmem>>, vector<2000x128xf32>,
    %reduce_sum3A = arith.constant dense<0.000000e+00> : vector<128xf32>
    %reduce_sum3A_31 = vector.multi_reduction <add>, %add3A_28, %reduce_sum3A [0] : vector<2000x128xf32> to vector<128xf32>
    %broadcast_in_dim3A = vector.shape_cast %reduce_sum3A_31 : vector<128xf32> to vector<1x128xf32>
    %swap3A_32 = arith.constant 0 : index
    %swap3A_33 = arith.constant 0 : index
    %swap3A_34 = arith.constant 0 : index
    %swap3A_35 = vector.load %arg9[%swap3A_32, %swap3A_33, %swap3A_34] : memref<1x2x128xf32, #tpu.memory_space<vmem>>, vector<1x1x128xf32>
    %swap3A_36 = vector.shape_cast %swap3A_35 : vector<1x1x128xf32> to vector<1x128xf32>
    %swap3A_37 = vector.shape_cast %broadcast_in_dim3A : vector<1x128xf32> to vector<1x1x128xf32>
    tpu.vector_store %arg9[%swap3A_32, %swap3A_33, %swap3A_34], %swap3A_37 {strides = array<i32>} : memref<1x2x128xf32, #tpu.memory_space<vmem>>, vector<1x1x128xf32>,
    %mul3A = arith.mulf %add3A_28, %add3A_28 : vector<2000x128xf32>
    %reduce_sum3A_38 = arith.constant dense<0.000000e+00> : vector<128xf32>
    %reduce_sum3A_39 = vector.multi_reduction <add>, %mul3A, %reduce_sum3A_38 [0] : vector<2000x128xf32> to vector<128xf32>
    %broadcast_in_dim3A_40 = vector.shape_cast %reduce_sum3A_39 : vector<128xf32> to vector<1x128xf32>
    %swap3A_41 = arith.constant 0 : index
    %swap3A_42 = arith.constant 1 : index
    %swap3A_43 = arith.constant 0 : index
    %swap3A_44 = vector.load %arg9[%swap3A_41, %swap3A_42, %swap3A_43] : memref<1x2x128xf32, #tpu.memory_space<vmem>>, vector<1x1x128xf32>
    %swap3A_45 = vector.shape_cast %swap3A_44 : vector<1x1x128xf32> to vector<1x128xf32>
    %swap3A_46 = vector.shape_cast %broadcast_in_dim3A_40 : vector<1x128xf32> to vector<1x1x128xf32>
    tpu.vector_store %arg9[%swap3A_41, %swap3A_42, %swap3A_43], %swap3A_46 {strides = array<i32>} : memref<1x2x128xf32, #tpu.memory_space<vmem>>, vector<1x1x128xf32>,
    return
  }
  func.func @transform_0(%arg0: i32) -> (i32, i32) {
    %c0_i32 = arith.constant 0 : i32
    %c0_i32_0 = arith.constant 0 : i32
    return %arg0, %c0_i32 : i32, i32
  }
  func.func @transform_1(%arg0: i32) -> (i32, i32) {
    %c0_i32 = arith.constant 0 : i32
    %c0_i32_0 = arith.constant 0 : i32
    return %arg0, %c0_i32 : i32, i32
  }
  func.func @transform_2(%arg0: i32) -> (i32, i32) {
    %c0_i32 = arith.constant 0 : i32
    %c0_i32_0 = arith.constant 0 : i32
    return %arg0, %c0_i32 : i32, i32
  }
  func.func @transform_3(%arg0: i32) -> (i32, i32) {
    %c0_i32 = arith.constant 0 : i32
    %c0_i32_0 = arith.constant 0 : i32
    return %arg0, %c0_i32 : i32, i32
  }
  func.func @transform_4(%arg0: i32) -> (i32, i32) {
    %c0_i32 = arith.constant 0 : i32
    %c0_i32_0 = arith.constant 0 : i32
    return %arg0, %c0_i32 : i32, i32
  }
  func.func @transform_5(%arg0: i32) -> (i32, i32) {
    %c0_i32 = arith.constant 0 : i32
    %c0_i32_0 = arith.constant 0 : i32
    %c0_i32_1 = arith.constant 0 : i32
    return %c0_i32, %c0_i32_0 : i32, i32
  }
  func.func @transform_6(%arg0: i32) -> (i32, i32) {
    %c0_i32 = arith.constant 0 : i32
    %c0_i32_0 = arith.constant 0 : i32
    %c0_i32_1 = arith.constant 0 : i32
    return %c0_i32, %c0_i32_0 : i32, i32
  }
  func.func @transform_7(%arg0: i32) -> (i32, i32) {
    %c0_i32 = arith.constant 0 : i32
    %c0_i32_0 = arith.constant 0 : i32
    return %arg0, %c0_i32 : i32, i32
  }
  func.func @transform_8(%arg0: i32) -> (i32, i32, i32) {
    %c0_i32 = arith.constant 0 : i32
    %c0_i32_0 = arith.constant 0 : i32
    %c0_i32_1 = arith.constant 0 : i32
    return %arg0, %c0_i32, %c0_i32_0 : i32, i32, i32
  }
}

module attributes {stable_mosaic.version = 14 : i64} {
  func.func @_norm2_body(%arg0: i32, %arg1: memref<2000x128xf32, #tpu.memory_space<vmem>>, %arg2: memref<5x2x128xf32, #tpu.memory_space<vmem>>, %arg3: memref<2000x128xf32, #tpu.memory_space<vmem>>, %arg4: memref<1x128xf32, #tpu.memory_space<vmem>>, %arg5: memref<1x128xf32, #tpu.memory_space<vmem>>, %arg6: memref<2000x128xf32, #tpu.memory_space<vmem>>) attributes {dimension_semantics = [#tpu.dimension_semantics<arbitrary>], iteration_bounds = array<i64: 5>, scalar_prefetch = 0 : i64, scratch_operands = 0 : i64, tpu.core_type = #tpu.core_type<tc>, window_params = [{transform_indices = @transform_0, window_bounds = array<i64: 2000, 128>}, {pipeline_mode = #tpu.pipeline_mode<synchronous>, transform_indices = @transform_1, window_bounds = array<i64: 5, 2, 128>}, {transform_indices = @transform_2, window_bounds = array<i64: 2000, 128>}, {pipeline_mode = #tpu.pipeline_mode<synchronous>, transform_indices = @transform_3, window_bounds = array<i64: 1, 128>}, {pipeline_mode = #tpu.pipeline_mode<synchronous>, transform_indices = @transform_4, window_bounds = array<i64: 1, 128>}, {transform_indices = @transform_5, window_bounds = array<i64: 2000, 128>}]} {
    %get3A = arith.constant 0 : index
    %get3A_0 = arith.constant 0 : index
    %get3A_1 = arith.constant 0 : index
    %get3A_2 = vector.load %arg2[%get3A, %get3A_0, %get3A_1] : memref<5x2x128xf32, #tpu.memory_space<vmem>>, vector<5x2x128xf32>
    %reduce_sum3A = arith.constant dense<0.000000e+00> : vector<2x128xf32>
    %reduce_sum3A_3 = vector.multi_reduction <add>, %get3A_2, %reduce_sum3A [0] : vector<5x2x128xf32> to vector<2x128xf32>
    %slice3A = vector.extract_strided_slice %reduce_sum3A_3 {offsets = [0, 0], sizes = [1, 128], strides = [1, 1]} : vector<2x128xf32> to vector<1x128xf32>
    %mul3A = arith.constant 9.99999974E-5 : f32
    %mul3A_4 = vector.broadcast %mul3A : f32 to vector<1x128xf32>
    %mul3A_5 = arith.mulf %slice3A, %mul3A_4 : vector<1x128xf32>
    %slice3A_6 = vector.extract_strided_slice %reduce_sum3A_3 {offsets = [1, 0], sizes = [1, 128], strides = [1, 1]} : vector<2x128xf32> to vector<1x128xf32>
    %mul3A_7 = arith.constant 9.99999974E-5 : f32
    %mul3A_8 = vector.broadcast %mul3A_7 : f32 to vector<1x128xf32>
    %mul3A_9 = arith.mulf %slice3A_6, %mul3A_8 : vector<1x128xf32>
    %mul3A_10 = arith.mulf %mul3A_5, %mul3A_5 : vector<1x128xf32>
    %sub3A = arith.subf %mul3A_9, %mul3A_10 : vector<1x128xf32>
    %add3A = arith.constant 9.99999974E-6 : f32
    %add3A_11 = vector.broadcast %add3A : f32 to vector<1x128xf32>
    %add3A_12 = arith.addf %sub3A, %add3A_11 : vector<1x128xf32>
    %rsqrt3A = math.rsqrt %add3A_12 : vector<1x128xf32>
    %get3A_13 = arith.constant 0 : index
    %get3A_14 = arith.constant 0 : index
    %get3A_15 = vector.load %arg1[%get3A_13, %get3A_14] : memref<2000x128xf32, #tpu.memory_space<vmem>>, vector<2000x128xf32>
    %sub3A_16 = vector.broadcast %mul3A_5 : vector<1x128xf32> to vector<2000x128xf32>
    %sub3A_17 = arith.subf %get3A_15, %sub3A_16 : vector<2000x128xf32>
    %mul3A_18 = vector.broadcast %rsqrt3A : vector<1x128xf32> to vector<2000x128xf32>
    %mul3A_19 = arith.mulf %sub3A_17, %mul3A_18 : vector<2000x128xf32>
    %get3A_20 = arith.constant 0 : index
    %get3A_21 = arith.constant 0 : index
    %get3A_22 = vector.load %arg4[%get3A_20, %get3A_21] : memref<1x128xf32, #tpu.memory_space<vmem>>, vector<1x128xf32>
    %mul3A_23 = vector.broadcast %get3A_22 : vector<1x128xf32> to vector<2000x128xf32>
    %mul3A_24 = arith.mulf %mul3A_19, %mul3A_23 : vector<2000x128xf32>
    %get3A_25 = arith.constant 0 : index
    %get3A_26 = arith.constant 0 : index
    %get3A_27 = vector.load %arg5[%get3A_25, %get3A_26] : memref<1x128xf32, #tpu.memory_space<vmem>>, vector<1x128xf32>
    %add3A_28 = vector.broadcast %get3A_27 : vector<1x128xf32> to vector<2000x128xf32>
    %add3A_29 = arith.addf %mul3A_24, %add3A_28 : vector<2000x128xf32>
    %get3A_30 = arith.constant 0 : index
    %get3A_31 = arith.constant 0 : index
    %get3A_32 = vector.load %arg3[%get3A_30, %get3A_31] : memref<2000x128xf32, #tpu.memory_space<vmem>>, vector<2000x128xf32>
    %add3A_33 = arith.addf %add3A_29, %get3A_32 : vector<2000x128xf32>
    %swap3A = arith.constant 0 : index
    %swap3A_34 = arith.constant 0 : index
    %swap3A_35 = vector.load %arg6[%swap3A, %swap3A_34] : memref<2000x128xf32, #tpu.memory_space<vmem>>, vector<2000x128xf32>
    tpu.vector_store %arg6[%swap3A, %swap3A_34], %add3A_33 {strides = array<i32>} : memref<2000x128xf32, #tpu.memory_space<vmem>>, vector<2000x128xf32>,
    return
  }
  func.func @transform_0(%arg0: i32) -> (i32, i32) {
    %c0_i32 = arith.constant 0 : i32
    %c0_i32_0 = arith.constant 0 : i32
    return %arg0, %c0_i32 : i32, i32
  }
  func.func @transform_1(%arg0: i32) -> (i32, i32, i32) {
    %c0_i32 = arith.constant 0 : i32
    %c0_i32_0 = arith.constant 0 : i32
    %c0_i32_1 = arith.constant 0 : i32
    %c0_i32_2 = arith.constant 0 : i32
    return %c0_i32, %c0_i32_0, %c0_i32_1 : i32, i32, i32
  }
  func.func @transform_2(%arg0: i32) -> (i32, i32) {
    %c0_i32 = arith.constant 0 : i32
    %c0_i32_0 = arith.constant 0 : i32
    return %arg0, %c0_i32 : i32, i32
  }
  func.func @transform_3(%arg0: i32) -> (i32, i32) {
    %c0_i32 = arith.constant 0 : i32
    %c0_i32_0 = arith.constant 0 : i32
    %c0_i32_1 = arith.constant 0 : i32
    return %c0_i32, %c0_i32_0 : i32, i32
  }
  func.func @transform_4(%arg0: i32) -> (i32, i32) {
    %c0_i32 = arith.constant 0 : i32
    %c0_i32_0 = arith.constant 0 : i32
    %c0_i32_1 = arith.constant 0 : i32
    return %c0_i32, %c0_i32_0 : i32, i32
  }
  func.func @transform_5(%arg0: i32) -> (i32, i32) {
    %c0_i32 = arith.constant 0 : i32
    %c0_i32_0 = arith.constant 0 : i32
    return %arg0, %c0_i32 : i32, i32
  }
}

</mosaic_0001>

<sc_bundles>
// kernel: kernel.6.cloned.1.call-start
scs
__scs_entry_jumppad:
0x0: {  	(pc) =	sbr.rel $0x88, $3  }
0x1: {  	(tag) =	ssettag $0x0;
	lr =	simm.s32 $0x1  }
0x2: {  	[smem:$0x3F99] =	sst lr;
	_ =	strace $0xD0000000  }
0x3: {  	_ = 	snop  }
0x4: {  	_ = 	snop  }
0x5: {  	_ = 	snop  }
0x6: {  	_ = 	snop  }
0x7: {  	_ = 	snop  }
__scs_overlays_trampoline_lowered:
0x8: {  	[smem:$0x3FA8] =	sst s0  }
0x9: {  	[smem:$0x3FA9] =	sst s1  }
0xa: {  	[smem:$0x3FAA] =	sst s2  }
0xb: {  	[smem:$0x3FAB] =	sst s3  }
0xc: {  	[smem:$0x3FAC] =	sst s4  }
0xd: {  	[smem:$0x3FAD] =	sst s5  }
0xe: {  	[smem:$0x3FAE] =	sst s6  }
0xf: {  	[smem:$0x3FAF] =	sst s7  }
0x10: {  	[smem:$0x3FB0] =	sst s8  }
0x11: {  	[smem:$0x3FB1] =	sst s9;
	s0 =	simm.s32 @!p0 $0x0  }
0x12: {  	s1 =	sld [smem:$0x3F97];
	s0 =	simm.s32 @p0 $0x1  }
0x13: {  	[smem:$0x3FB2] =	sst s0;
	s0 =	simm.s32 @!p1 $0x0  }
0x14: {  	s2 =	sld [smem:$0x3F96];
	s0 =	simm.s32 @p1 $0x1  }
0x15: {  	[smem:$0x3FB3] =	sst s0;
	s0 =	simm.s32 @!p2 $0x0  }
0x16: {  	s3 =	sld [smem:$0x3FDB];
	s0 =	simm.s32 @p2 $0x1  }
0x17: {  	s4 =	simm.s32 $0x1BF5;
	[smem:$0x3FB5] =	sst s0  }
0x18: {  	s0 =	sld [smem:$0x3F98];
	_ =	swait.ge [sflag:s4], $0x0  }
0x19: {  	s7 =	sld [smem:$0x3F99]  }
0x1a: {  	s8 =	sadd.s32 $0xFFFFE003, lr  }
0x1b: {  	s9 =	sadd.s32 $0xFFFFFEF7, lr;
	s5 =	simm.s32 $0xFFFFFFFF;
	p2 =	slt.u32 s8, $0xFFFFF086  }
0x1c: {  	p1 =	slt.u32 s9, $0xF7A;
	s5 =	simm.s32 @!p2 $0x0  }
0x1d: {  	s5 =	simm.s32 @p1 $0x1;
	p0 =	seq.s32 s7, s2  }
0x1e: {  	s7 =	smul.u32 @!p0 $0xF7A, s2;
	p2 =	seq.s32 @!p0 s5, $0x0  }
0x1f: {  	s9 =	smul.u32 $0xF7A, s1;
	s8 =	simm.s32 @!p0 $0x1BF5;
	p2 =	por !p2, p0  }
0x20: {  	[sflag:s8] =	ssyncset.s32 @!p0 $0xFFFFF086;
	s6 =	sadd.s32 @!p0 s3, s7;
	s7 =	simm.s32 @!p0 $0x108  }
0x21: {  	s3 =	sadd.s32 s3, s9;
	s6 =	sadd.s32 @!p0 $0x88, s6;
	s7 =	simm.s32 @p2 $0x1082  }
0x22: {  	[simem:s7], [sflag:s8] =	dma.local @!p0 [hbm:s6], $0xF7A  }
0x23: {  	s9 =	sor.u32 $0xD0000000, s2;
	s6 =	simm.s32 $0x108;
	_ =	swait.ge @!p0 [sflag:s8], $0x0  }
0x24: {  	s3 =	sadd.s32 $0x88, s3;
	s6 =	simm.s32 @!p1 $0x1082;
	[sflag:s4] =	ssyncset.s32 $0xFFFFF086  }
0x25: {  	[simem:s6], [sflag:s4] =	dma.local [hbm:s3], $0xF7A  }
0x26: {  	[smem:$0x3F99] =	sst s1;
	(tag) =	ssettag s2;
	_ =	strace s9  }
0x27: {  	s1 =	sld [smem:$0x3FA9]  }
0x28: {  	s2 =	sld [smem:$0x3FAA]  }
0x29: {  	s4 =	sld [smem:$0x3FAC]  }
0x2a: {  	p0 =	seq.s32 s5, $0x0;
	s5 =	sld [smem:$0x3FAD]  }
0x2b: {  	s6 =	sld [smem:$0x3FAE]  }
0x2c: {  	s7 =	sld [smem:$0x3FAF]  }
0x2d: {  	s3 =	simm.s32 $0x108;
	s8 =	sld [smem:$0x3FB0]  }
0x2e: {  	s3 =	simm.s32 @!p0 $0x1082;
	s9 =	sld [smem:$0x3FB1]  }
0x2f: {  	lr =	sadd.s32 s0, s3;
	s0 =	sld [smem:$0x3FA8]  }
0x30: {  	s3 =	sld [smem:$0x3FAB]  }
0x31: {  	[smem:$0x3FB4] =	sst s10  }
0x32: {  	s10 =	sld [smem:$0x3FB2];
	_ =	sdelay $0x3  }
0x33: {  	p0 =	seq.s32 s10, $0x1;
	s10 =	sld [smem:$0x3FB4];
	_ =	sdelay $0x3  }
0x34: {  	[smem:$0x3FB4] =	sst s10  }
0x35: {  	s10 =	sld [smem:$0x3FB3];
	_ =	sdelay $0x3  }
0x36: {  	p1 =	seq.s32 s10, $0x1;
	s10 =	sld [smem:$0x3FB4];
	_ =	sdelay $0x3  }
0x37: {  	[smem:$0x3FB4] =	sst s10  }
0x38: {  	s10 =	sld [smem:$0x3FB5]  }
0x39: {  	_ = 	snop;
	(pc) =	sbr.ind lr, $3  }
0x3a: {  	_ = 	snop  }
0x3b: {  	_ = 	snop  }
0x3c: {  	p2 =	seq.s32 s10, $0x1;
	s10 =	sld [smem:$0x3FB4]  }
0x3d: {  	_ =	shalt  }
0x3e: {  	_ =	shalt  }
0x3f: {  	_ =	shalt  }
0x40: {  	_ =	shalt  }
0x41: {  	_ =	shalt  }
0x42: {  	_ =	shalt  }
0x43: {  	_ =	shalt  }
0x44: {  	_ =	shalt  }
0x45: {  	_ =	shalt  }
0x46: {  	_ =	shalt  }
0x47: {  	_ =	shalt  }
0x48: {  	_ =	shalt  }
0x49: {  	_ =	shalt  }
0x4a: {  	_ =	shalt  }
0x4b: {  	_ =	shalt  }
0x4c: {  	_ =	shalt  }
0x4d: {  	_ =	shalt  }
0x4e: {  	_ =	shalt  }
0x4f: {  	_ =	shalt  }
0x50: {  	_ =	shalt  }
0x51: {  	_ =	shalt  }
0x52: {  	_ =	shalt  }
0x53: {  	_ =	shalt  }
0x54: {  	_ =	shalt  }
0x55: {  	_ =	shalt  }
0x56: {  	_ =	shalt  }
0x57: {  	_ =	shalt  }
0x58: {  	_ =	shalt  }
0x59: {  	_ =	shalt  }
0x5a: {  	_ =	shalt  }
0x5b: {  	_ =	shalt  }
0x5c: {  	_ =	shalt  }
0x5d: {  	_ =	shalt  }
0x5e: {  	_ =	shalt  }
0x5f: {  	_ =	shalt  }
0x60: {  	_ =	shalt  }
0x61: {  	_ =	shalt  }
0x62: {  	_ =	shalt  }
0x63: {  	_ =	shalt  }
0x64: {  	_ =	shalt  }
0x65: {  	_ =	shalt  }
0x66: {  	_ =	shalt  }
0x67: {  	_ =	shalt  }
0x68: {  	_ =	shalt  }
0x69: {  	_ =	shalt  }
0x6a: {  	_ =	shalt  }
0x6b: {  	_ =	shalt  }
0x6c: {  	_ =	shalt  }
0x6d: {  	_ =	shalt  }
0x6e: {  	_ =	shalt  }
0x6f: {  	_ =	shalt  }
0x70: {  	_ =	shalt  }
0x71: {  	_ =	shalt  }
0x72: {  	_ =	shalt  }
0x73: {  	_ =	shalt  }
0x74: {  	_ =	shalt  }
0x75: {  	_ =	shalt  }
0x76: {  	_ =	shalt  }
0x77: {  	_ =	shalt  }
0x78: {  	_ =	shalt  }
0x79: {  	_ =	shalt  }
0x7a: {  	_ =	shalt  }
0x7b: {  	_ =	shalt  }
0x7c: {  	_ =	shalt  }
0x7d: {  	_ =	shalt  }
0x7e: {  	_ =	shalt  }
0x7f: {  	_ =	shalt  }
0x80: {  	_ =	shalt  }
0x81: {  	_ =	shalt  }
0x82: {  	_ =	shalt  }
0x83: {  	_ =	shalt  }
0x84: {  	_ =	shalt  }
0x85: {  	_ =	shalt  }
0x86: {  	_ =	shalt  }
0x87: {  	_ =	shalt  }
.Lfunc_end0:
.L_simem_size_0:
called_computation_lowered:
.L_overlay_start_0:
0x88: {  	s2 =	sld [smem:$0x3FD9]  }
0x89: {  	s3 =	sld [smem:$0x3FFE];
	_ =	sdelay $0x1  }
0x8a: {  	s1 =	srdreg.scid  }
0x8b: {  	s0 =	sand.u32 $0x1, s1  }
0x8c: {  	s17 =	sshll.u32 s0, $0xA;
	s2 =	sadd.s32 s3, s2  }
0x8d: {  	s2 =	sadd.s32 s2, s17  }
0x8e: {  	[smem:$0x3FC0] =	sst s2  }
0x8f: {  	_ = 	snop  }
0x90: {  	s2 =	sld [smem:$0x3FD0];
	(tm) =	ssettm $0x1  }
0x91: {  	s18 =	sld [smem:$0x3FFB];
	_ =	sdelay $0x3  }
0x92: {  	_ =	strace s18  }
0x93: {  	s3 =	sld [smem:$0x3FFC];
	_ =	sdelay $0x3  }
0x94: {  	_ =	strace s3  }
0x95: {  	s3 =	sld [smem:$0x3FFD];
	_ =	sdelay $0x3  }
0x96: {  	_ =	strace s3  }
0x97: {  	_ =	strace $0x8FFFFFFF  }
0x98: {  	s19 =	sld [smem:$0x3FDB];
	_ =	sdelay $0x1  }
0x99: {  	s4 =	simm.s32 $_scs_section_size  }
0x9a: {  	s5 =	simm.s32 $_size__tile_overlayer_lowered;
	s6 =	simm.s32 $_tile_overlayer_lowered  }
0x9b: {  	s22 =	simm.s32 $0x1BFF;
	s21 =	sshll.u32 s6, $0x1;
	s3 =	sadd.s32 s4, s19  }
0x9c: {  	s7 =	simm.s32 $0x0;
	s20 =	sshll.u32 s5, $0x1;
	s5 =	sadd.s32 s21, s3  }
0x9d: {  	[timem:s7], [sflag:s22] =	dma.local [hbm:s5], s20  }
0x9e: {  	_ =	swait.ge [sflag:s22], s20  }
0x9f: {  	s4 =	ssub.s32 $0x0, s20;
	[sflag:s22] =	ssyncset.done $0x0  }
0xa0: {  	[sflag:s22] =	ssyncadd.s32 s4;
	_ =	sdelay $0x1  }
0xa1: {  	s23 =	simm.s32 $0x1B8B  }
0xa2: {  	_ =	swait.ge [sflag:s23], $0x1  }
0xa3: {  	[sflag:s23] =	ssyncset.done $0x0  }
0xa4: {  	s25 =	simm.s32 $0x1B8E;
	s24 =	sld [smem:$0x3FFE];
	[sflag:s23] =	ssyncadd.s32 $0xFFFFFFFF  }
0xa5: {  	s26 =	simm.s32 $execute0_lowered;
	[smem:$0x3FD2] =	sst s25  }
0xa6: {  	s5 =	sshll.u32 s26, $0x1;
	_ =	strace $0x80000046;
	[dreg:$0x1] =	wrdreg $0xFFFFFFFF  }
0xa7: {  	s28 =	simm.s32 $_size_execute0_lowered;
	s3 =	sadd.s32 s3, s5;
	[dreg:$0x0] =	wrdreg $0x0  }
0xa8: {  	s5 =	sshll.u32 s28, $0x1;
	[dreg:$0x2] =	wrdreg s3  }
0xa9: {  	[dreg:$0x3] =	wrdreg s5  }
0xaa: {  	[dreg:$0x4] =	wrdreg $0xC0  }
0xab: {  	_ =	task [dreg:s7], $0x5FFFF  }
0xac: {  	[dreg:$0x1] =	wrdreg $0xFFFFFFFF  }
0xad: {  	[dreg:$0x0] =	wrdreg $0x60  }
0xae: {  	[dreg:$0x2] =	wrdreg s2  }
0xaf: {  	[dreg:$0x3] =	wrdreg s24  }
0xb0: {  	[dreg:$0x4] =	wrdreg $0x7A400  }
0xb1: {  	[dreg:$0x5] =	wrdreg $0x9  }
0xb2: {  	_ =	task.clear_ibuf [dreg:s7], $0x6FFFF;
	_ =	strace $0x90000046  }
0xb3: {  	s29 =	simm.s32 $0x9;
	_ =	strace $0x80000048  }
0xb4: {  	_ =	swait.ge [sflag:s29], $0x1  }
0xb5: {  	[sflag:s29] =	ssyncadd.s32 $0xFFFFFFFF  }
0xb6: {  	_ =	strace $0x90000048  }
0xb7: {  	_ =	sfence  }
0xb8: {  	s30 =	sld [smem:$0x0];
	_ =	sdelay $0x2  }
0xb9: {  	s31 =	sshll.u32 s1, $0xD;
	s1 =	sshrl.u32 s1, $0x2  }
0xba: {  	s3 =	sand.u32 $0x4000, s31;
	s1 =	sadd.s32 s1, s30  }
0xbb: {  	s0 =	sor.u32 s3, s0;
	s1 =	sshll.u32 s1, $0x11  }
0xbc: {  	s0 =	sor.u32 s1, s0  }
0xbd: {  	s0 =	sadd.s32 $0x8F2B, s0  }
0xbe: {  	[sflag:s0] =	ssyncadd.remote.s32 $0x1  }
0xbf: {  	_ =	sfence.sel $0xFFFF  }
0xc0: {  	[dreg:$0x0] =	wrdreg $0xFFFFFFFF;
	(pc) =	sbr.abs _section_cstart, $3  }
0xc1: {  	[dreg:$0x1] =	wrdreg $0xFFFFFFFF  }
0xc2: {  	_ =	task.clear_ibuf [dreg:s7], $0x2FFFF;
	_ =	strace $0x9FFFFFFF  }
0xc3: {  	(tm) =	ssettm $0x7FFFFFFF  }
tec
execute0_lowered:
.L_overlay_start_1:
0x0: {  	(tag) =	ssettag $0x1  }
0x1: {  	s3 =	rddreg [dreg:$0x1];
	s0 =	simm.s32 $0x0;
	s1 =	srdreg.scid  }
0x2: {  	s25 =	stileid.u32;
	s28 =	simm.s32 $0x2;
	s30 =	simm.s32 $0x4  }
0x3: {  	s31 =	simm.s32 $0x3;
	[smem:$0x7FF] =	sst s0;
	s5 =	sadd.s32 $0x8B400, s3  }
0x4: {  	s4 =	sadd.s32 $0x81400, s3;
	s6 =	sand.u32 $0x1, s1;
	s7 =	sadd.s32 $0xB3400, s3  }
0x5: {  	s8 =	smul.u32 $0x280, s25;
	s9 =	sadd.s32 $0x86400, s3;
	s10 =	sshll.u32 s25, $0x1  }
0x6: {  	s0 =	smul.u32 $0x2800, s25;
	s1 =	ssub.s32 $0x2, s6;
	p0 =	seq.s32 s6, $0x1  }
0x7: {  	s2 =	sshrl.u32 s1, $0x1;
	s11 =	sadd.s32 $0x80, s8;
	s12 =	sadd.s32 $0xC0, s8  }
0x8: {  	s13 =	sadd.s32 $0x100, s8;
	s14 =	sadd.s32 $0x140, s8;
	s15 =	sadd.s32 $0x180, s8  }
0x9: {  	s16 =	sadd.s32 $0x1C0, s8;
	s17 =	sadd.s32 $0x200, s8;
	s5 =	smov.u32 @p0 s7  }
0xa: {  	s4 =	smov.u32 @p0 s9;
	s1 =	ssub.s32 s1, s2;
	s2 =	sor.u32 s6, s10  }
0xb: {  	s10 =	sor.u32 $0x40, s8;
	s8 =	sadd.s32 $0x240, s8;
	s19 =	sshll.u32 s11, $0x4  }
0xc: {  	s20 =	sshll.u32 s12, $0x4;
	s21 =	sshll.u32 s13, $0x4;
	s22 =	sshll.u32 s14, $0x4  }
0xd: {  	s23 =	sshll.u32 s15, $0x4;
	s24 =	sshll.u32 s16, $0x4;
	s6 =	sadd.s32 s5, s0  }
0xe: {  	s7 =	sshll.u32 s17, $0x4;
	[dreg:$0x4] =	wrdreg s6;
	s19 =	sadd.s32 s5, s19  }
0xf: {  	s18 =	sshll.u32 s10, $0x4;
	s20 =	sadd.s32 s5, s20;
	[dreg:$0x6] =	wrdreg s19  }
0x10: {  	s9 =	sshll.u32 s8, $0x4;
	s21 =	sadd.s32 s5, s21;
	[dreg:$0x7] =	wrdreg s20  }
0x11: {  	s22 =	sadd.s32 s5, s22;
	s26 =	sadd.s32 s5, s23;
	[dreg:$0x8] =	wrdreg s21  }
0x12: {  	s0 =	sadd.s32 s5, s24;
	s7 =	sadd.s32 s5, s7;
	[dreg:$0x9] =	wrdreg s22  }
0x13: {  	s23 =	sshll.u32 s17, $0x1;
	s8 =	sshll.u32 s8, $0x1;
	[dreg:$0xa] =	wrdreg s26  }
0x14: {  	s24 =	sshll.u32 s10, $0x1;
	p0 =	sne.s32 s2, $0x1F;
	[dreg:$0xb] =	wrdreg s0  }
0x15: {  	s2 =	smul.u32 $0x2880, s2;
	s18 =	sadd.s32 s5, s18;
	[dreg:$0xc] =	wrdreg s7  }
0x16: {  	s5 =	sadd.s32 s5, s9;
	s19 =	sshll.u32 s13, $0x1;
	[dreg:$0x5] =	wrdreg s18  }
0x17: {  	s20 =	sshll.u32 s14, $0x1;
	s22 =	sshll.u32 s16, $0x1;
	[dreg:$0xd] =	wrdreg s5  }
0x18: {  	s26 =	sshll.u32 s11, $0x1;
	s7 =	sadd.s32 s4, s19;
	s19 =	rddreg [dreg:$0x0]  }
0x19: {  	s14 =	sadd.s32 s4, s23;
	s13 =	sadd.s32 s4, s22;
	s22 =	rddreg [dreg:$0x2]  }
0x1a: {  	s9 =	smul.u32 $0x500, s25;
	s0 =	sadd.s32 s4, s26;
	[dreg:$0x16] =	wrdreg s14  }
0x1b: {  	s21 =	sshll.u32 s15, $0x1;
	s15 =	smul.u32 $0x240, s10;
	[dreg:$0x10] =	wrdreg s0  }
0x1c: {  	s18 =	sshll.u32 s12, $0x1;
	s12 =	sadd.s32 s4, s21;
	[dreg:$0x12] =	wrdreg s7  }
0x1d: {  	s1 =	smax.u32 s1, $0x1;
	s16 =	smul.u32 $0x240, s11;
	[dreg:$0x14] =	wrdreg s12  }
0x1e: {  	s26 =	sadd.s32 $0x7C400, s3;
	s5 =	sadd.s32 s4, s9;
	[dreg:$0x15] =	wrdreg s13  }
0x1f: {  	s6 =	sadd.s32 s4, s18;
	s9 =	sadd.s32 s4, s20;
	[dreg:$0xe] =	wrdreg s5  }
0x20: {  	s18 =	sshrl.u32 s15, $0x2;
	s20 =	sshrl.u32 s16, $0x2;
	[dreg:$0x11] =	wrdreg s6  }
0x21: {  	s5 =	sadd.s32 s4, s24;
	[dreg:$0x13] =	wrdreg s9;
	s4 =	sadd.s32 s4, s8  }
0x22: {  	s12 =	sadd.s32 s18, s22;
	s13 =	sadd.s32 s20, s22;
	[dreg:$0xf] =	wrdreg s5  }
0x23: {  	s20 =	sshrl.u32 s2, $0x3;
	s5 =	smul.u32 $0x5A000, s25;
	[dreg:$0x17] =	wrdreg s4  }
0x24: {  	s25 =	sadd.s32 $0x50200, s3;
	_ =	strace $0x80000047;
	[dreg:$0x1d] =	wrdreg s1  }
0x25: {  	s17 =	sshrl.u32 s5, $0x2;
	s21 =	sadd.s32 $0x1B000, s5;
	s0 =	sadd.s32 $0x24000, s5  }
0x26: {  	s6 =	sadd.s32 $0x2D000, s5;
	s9 =	sadd.s32 $0x36000, s5;
	s11 =	sadd.s32 $0x3F000, s5  }
0x27: {  	s16 =	sadd.s32 $0x48000, s5;
	s18 =	sadd.s32 $0x51000, s5;
	s5 =	sadd.s32 $0x80, s2  }
0x28: {  	s24 =	sadd.s32 s17, s22;
	s23 =	sshrl.u32 s21, $0x2;
	s4 =	sshrl.u32 s0, $0x2  }
0x29: {  	s8 =	sshrl.u32 s6, $0x2;
	s10 =	sshrl.u32 s9, $0x2;
	s14 =	sshrl.u32 s11, $0x2  }
0x2a: {  	s3 =	sshrl.u32 s18, $0x2;
	s21 =	sshrl.u32 s5, $0x3;
	s9 =	sadd.s32 $0xC0, s2  }
0x2b: {  	s11 =	sadd.s32 $0x140, s2;
	s15 =	sadd.s32 s23, s22;
	s7 =	sadd.s32 s4, s22  }
0x2c: {  	s29 =	sadd.s32 s8, s22;
	s8 =	sadd.s32 s3, s22;
	s3 =	sadd.s32 s19, s21  }
0x2d: {  	s17 =	sadd.s32 s10, s22;
	s0 =	sadd.s32 s14, s22;
	[dreg:$0x1c] =	wrdreg s3  }
0x2e: {  	s4 =	sshrl.u32 s16, $0x2;
	s23 =	sadd.s32 $0x80, s24;
	[dreg:$0x18] =	wrdreg s0  }
0x2f: {  	s10 =	sadd.s32 $0x100, s2;
	s1 =	sshrl.u32 s23, $0x3;
	[dreg:$0x1a] =	wrdreg s8  }
0x30: {  	s2 =	sadd.s32 $0x80, s12;
	s6 =	sadd.s32 s4, s22;
	[dreg:$0x1e] =	wrdreg s1  }
0x31: {  	s4 =	sadd.s32 s19, s20;
	s3 =	sadd.s32 $0x80, s13;
	[dreg:$0x19] =	wrdreg s6  }
0x32: {  	s16 =	sadd.s32 $0x80, s15;
	s1 =	sshrl.u32 s2, $0x3;
	[dreg:$0x1b] =	wrdreg s4  }
0x33: {  	s20 =	sadd.s32 $0x80, s29;
	s14 =	sshrl.u32 s3, $0x3;
	[dreg:$0x1f] =	wrdreg s1  }
0x34: {  	s18 =	sadd.s32 $0x80, s7;
	s21 =	sshrl.u32 s20, $0x3;
	[smem:$0x7F2] =	sst s14  }
0x35: {  	s23 =	sadd.s32 $0x80, s17;
	s20 =	sadd.s32 $0x8, s4;
	[smem:$0x7F5] =	sst s21  }
0x36: {  	s2 =	sadd.s32 $0x80, s0;
	s1 =	sshrl.u32 s16, $0x3;
	[smem:$0x7FB] =	sst s20  }
0x37: {  	s3 =	sadd.s32 $0x80, s6;
	s0 =	sshrl.u32 s2, $0x3;
	[smem:$0x7F3] =	sst s1  }
0x38: {  	s6 =	sshrl.u32 s3, $0x3;
	s14 =	sadd.s32 $0x80, s8;
	[smem:$0x7F7] =	sst s0  }
0x39: {  	s21 =	sadd.s32 $0x9C48, s4;
	s8 =	simm.s32 $0x1;
	[smem:$0x7F8] =	sst s6  }
0x3a: {  	s2 =	simm.s32 $0x0;
	s1 =	sshrl.u32 s18, $0x3;
	[smem:$0x7FC] =	sst s21  }
.Ltmp0:
0x3b: {  	s16 =	sshrl.u32 s14, $0x3;
	[smem:$0x7F4] =	sst s1;
	(pc) =	sbr.rel .LBB2_1-.Ltmp0, $4  }
0x3c: {  	s18 =	sadd.s32 $0x9C40, s4;
	s21 =	simm.s32 $0x2400;
	[smem:$0x7F9] =	sst s16  }
0x3d: {  	v0 =	vimm.f32 $0.0e+00;
	v6 =	vimm.s32 $0x0;
	v7 =	vimm.s32 $0x1;
	s14 =	simm.s32 $0x4800;
	s1 =	sshrl.u32 s23, $0x3;
	[smem:$0x7FA] =	sst s18  }
0x3e: {  	v53 =	vimm.s32 $0x2;
	v36 =	vimm.s32 $0x3;
	v33 =	vimm.s32 $0x4;
	s23 =	sadd.s32 $0x9C50, s4;
	s16 =	simm.s32 $0xA;
	[smem:$0x7F6] =	sst s1  }
0x3f: {  	v31 =	vimm.s32 $0x5;
	v32 =	vimm.s32 $0x6;
	v42 =	vimm.s32 $0x7;
	s18 =	simm.s32 $0x40;
	[smem:$0x7FD] =	sst s23;
	s1 =	simm.s32 $0x5  }
.LBB2_12:
0x40: {  	s0 =	simm.s32 $0x6  }
0x41: {  	_ =	swait.ge [sflag:s0], $0x2400  }
0x42: {  	[sflag:s0] =	ssyncset.done $0x0  }
0x43: {  	s2 =	stileid.u32;
	s3 =	sshrl.u32 s24, $0x3;
	[sflag:s0] =	ssyncadd.s32 $0xFFFFDC00  }
0x44: {  	s6 =	simm.s32 $0x10;
	s2 =	sshll.u32 s2, $0x6;
	[bflag:$0x0] =	sbarrier.arrive $0xFFFF  }
0x45: {  	s20 =	simm.s32 $0x12;
	s2 =	sor.u32 $0x1C0A, s2;
	s4 =	rddreg [dreg:$0x4]  }
0x46: {  	[hbm:s4@s6], [sflag:s2] =	dma.strided [spmem:s3@s20], $0x400, s8, $0x10   }
0x47: {  	_ =	swait.ge [sflag:s16], $0x400  }
0x48: {  	[sflag:s16] =	ssyncset.done $0x0;
	s4 =	rddreg [dreg:$0xe]  }
0x49: {  	s23 =	rddreg [dreg:$0x1e];
	[sflag:s16] =	ssyncadd.s32 $0xFFFFFC00  }
0x4a: {  	[hbm:s4@s28], [sflag:s2] =	dma.strided [spmem:s23@s20], $0x80, s8, $0x2   }
0x4b: {  	_ =	swait.ge [sflag:s16], $0x80  }
0x4c: {  	[sflag:s16] =	ssyncset.done $0x0  }
0x4d: {  	s4 =	sshrl.u32 s12, $0x3;
	s23 =	rddreg [dreg:$0x5];
	[sflag:s16] =	ssyncadd.s32 $0xFFFFFF80  }
0x4e: {  	[hbm:s23@s6], [sflag:s2] =	dma.strided [spmem:s4@s20], $0x400, s8, $0x10   }
0x4f: {  	_ =	swait.ge [sflag:s16], $0x400  }
0x50: {  	[sflag:s16] =	ssyncset.done $0x0;
	s0 =	rddreg [dreg:$0xf]  }
0x51: {  	s4 =	rddreg [dreg:$0x1f];
	[sflag:s16] =	ssyncadd.s32 $0xFFFFFC00  }
0x52: {  	[hbm:s0@s28], [sflag:s2] =	dma.strided [spmem:s4@s20], $0x80, s8, $0x2   }
0x53: {  	_ =	swait.ge [sflag:s16], $0x80  }
0x54: {  	[sflag:s16] =	ssyncset.done $0x0  }
0x55: {  	s23 =	sshrl.u32 s13, $0x3;
	s0 =	rddreg [dreg:$0x6];
	[sflag:s16] =	ssyncadd.s32 $0xFFFFFF80  }
0x56: {  	[hbm:s0@s6], [sflag:s2] =	dma.strided [spmem:s23@s20], $0x400, s8, $0x10   }
0x57: {  	_ =	swait.ge [sflag:s16], $0x400  }
0x58: {  	s23 =	sld [smem:$0x7F2]  }
0x59: {  	[sflag:s16] =	ssyncset.done $0x0  }
0x5a: {  	s4 =	rddreg [dreg:$0x10];
	[sflag:s16] =	ssyncadd.s32 $0xFFFFFC00  }
0x5b: {  	[hbm:s4@s28], [sflag:s2] =	dma.strided [spmem:s23@s20], $0x80, s8, $0x2   }
0x5c: {  	_ =	swait.ge [sflag:s16], $0x80  }
0x5d: {  	[sflag:s16] =	ssyncset.done $0x0  }
0x5e: {  	s4 =	sshrl.u32 s15, $0x3;
	s23 =	rddreg [dreg:$0x7];
	[sflag:s16] =	ssyncadd.s32 $0xFFFFFF80  }
0x5f: {  	[hbm:s23@s6], [sflag:s2] =	dma.strided [spmem:s4@s20], $0x400, s8, $0x10   }
0x60: {  	_ =	swait.ge [sflag:s16], $0x400  }
0x61: {  	s4 =	sld [smem:$0x7F3]  }
0x62: {  	[sflag:s16] =	ssyncset.done $0x0  }
0x63: {  	s0 =	rddreg [dreg:$0x11];
	[sflag:s16] =	ssyncadd.s32 $0xFFFFFC00  }
0x64: {  	[hbm:s0@s28], [sflag:s2] =	dma.strided [spmem:s4@s20], $0x80, s8, $0x2   }
0x65: {  	_ =	swait.ge [sflag:s16], $0x80  }
0x66: {  	[sflag:s16] =	ssyncset.done $0x0  }
0x67: {  	s23 =	sshrl.u32 s7, $0x3;
	s0 =	rddreg [dreg:$0x8];
	[sflag:s16] =	ssyncadd.s32 $0xFFFFFF80  }
0x68: {  	[hbm:s0@s6], [sflag:s2] =	dma.strided [spmem:s23@s20], $0x400, s8, $0x10   }
0x69: {  	_ =	swait.ge [sflag:s16], $0x400  }
0x6a: {  	s23 =	sld [smem:$0x7F4]  }
0x6b: {  	[sflag:s16] =	ssyncset.done $0x0  }
0x6c: {  	s4 =	rddreg [dreg:$0x12];
	[sflag:s16] =	ssyncadd.s32 $0xFFFFFC00  }
0x6d: {  	[hbm:s4@s28], [sflag:s2] =	dma.strided [spmem:s23@s20], $0x80, s8, $0x2   }
0x6e: {  	_ =	swait.ge [sflag:s16], $0x80  }
0x6f: {  	[sflag:s16] =	ssyncset.done $0x0  }
0x70: {  	s4 =	sshrl.u32 s29, $0x3;
	s23 =	rddreg [dreg:$0x9];
	[sflag:s16] =	ssyncadd.s32 $0xFFFFFF80  }
0x71: {  	[hbm:s23@s6], [sflag:s2] =	dma.strided [spmem:s4@s20], $0x400, s8, $0x10   }
0x72: {  	_ =	swait.ge [sflag:s16], $0x400  }
0x73: {  	s4 =	sld [smem:$0x7F5]  }
0x74: {  	[sflag:s16] =	ssyncset.done $0x0  }
0x75: {  	s0 =	rddreg [dreg:$0x13];
	[sflag:s16] =	ssyncadd.s32 $0xFFFFFC00  }
0x76: {  	[hbm:s0@s28], [sflag:s2] =	dma.strided [spmem:s4@s20], $0x80, s8, $0x2   }
0x77: {  	_ =	swait.ge [sflag:s16], $0x80  }
0x78: {  	[sflag:s16] =	ssyncset.done $0x0  }
0x79: {  	s23 =	sshrl.u32 s17, $0x3;
	s0 =	rddreg [dreg:$0xa];
	[sflag:s16] =	ssyncadd.s32 $0xFFFFFF80  }
0x7a: {  	[hbm:s0@s6], [sflag:s2] =	dma.strided [spmem:s23@s20], $0x400, s8, $0x10   }
0x7b: {  	_ =	swait.ge [sflag:s16], $0x400  }
0x7c: {  	s23 =	sld [smem:$0x7F6]  }
0x7d: {  	[sflag:s16] =	ssyncset.done $0x0  }
0x7e: {  	s4 =	rddreg [dreg:$0x14];
	[sflag:s16] =	ssyncadd.s32 $0xFFFFFC00  }
0x7f: {  	[hbm:s4@s28], [sflag:s2] =	dma.strided [spmem:s23@s20], $0x80, s8, $0x2   }
0x80: {  	_ =	swait.ge [sflag:s16], $0x80  }
0x81: {  	[sflag:s16] =	ssyncset.done $0x0;
	s4 =	rddreg [dreg:$0x18]  }
0x82: {  	s0 =	rddreg [dreg:$0xb];
	[sflag:s16] =	ssyncadd.s32 $0xFFFFFF80;
	s23 =	sshrl.u32 s4, $0x3  }
0x83: {  	[hbm:s0@s6], [sflag:s2] =	dma.strided [spmem:s23@s20], $0x400, s8, $0x10   }
0x84: {  	_ =	swait.ge [sflag:s16], $0x400  }
0x85: {  	s23 =	sld [smem:$0x7F7]  }
0x86: {  	[sflag:s16] =	ssyncset.done $0x0  }
0x87: {  	s4 =	rddreg [dreg:$0x15];
	[sflag:s16] =	ssyncadd.s32 $0xFFFFFC00  }
0x88: {  	[hbm:s4@s28], [sflag:s2] =	dma.strided [spmem:s23@s20], $0x80, s8, $0x2   }
0x89: {  	_ =	swait.ge [sflag:s16], $0x80  }
0x8a: {  	[sflag:s16] =	ssyncset.done $0x0;
	s4 =	rddreg [dreg:$0x19]  }
0x8b: {  	s0 =	rddreg [dreg:$0xc];
	[sflag:s16] =	ssyncadd.s32 $0xFFFFFF80;
	s23 =	sshrl.u32 s4, $0x3  }
0x8c: {  	[hbm:s0@s6], [sflag:s2] =	dma.strided [spmem:s23@s20], $0x400, s8, $0x10   }
0x8d: {  	_ =	swait.ge [sflag:s16], $0x400  }
0x8e: {  	s23 =	sld [smem:$0x7F8]  }
0x8f: {  	[sflag:s16] =	ssyncset.done $0x0  }
0x90: {  	s4 =	rddreg [dreg:$0x16];
	[sflag:s16] =	ssyncadd.s32 $0xFFFFFC00  }
0x91: {  	[hbm:s4@s28], [sflag:s2] =	dma.strided [spmem:s23@s20], $0x80, s8, $0x2   }
0x92: {  	_ =	swait.ge [sflag:s16], $0x80  }
0x93: {  	[sflag:s16] =	ssyncset.done $0x0;
	s4 =	rddreg [dreg:$0x1a]  }
0x94: {  	s0 =	rddreg [dreg:$0xd];
	[sflag:s16] =	ssyncadd.s32 $0xFFFFFF80;
	s23 =	sshrl.u32 s4, $0x3  }
0x95: {  	[hbm:s0@s6], [sflag:s2] =	dma.strided [spmem:s23@s20], $0x400, s8, $0x10   }
0x96: {  	_ =	swait.ge [sflag:s16], $0x400  }
0x97: {  	s6 =	sld [smem:$0x7F9]  }
0x98: {  	[sflag:s16] =	ssyncset.done $0x0  }
0x99: {  	s4 =	rddreg [dreg:$0x17];
	[sflag:s16] =	ssyncadd.s32 $0xFFFFFC00  }
0x9a: {  	[hbm:s4@s28], [sflag:s2] =	dma.strided [spmem:s6@s20], $0x80, s8, $0x2   }
0x9b: {  	_ =	swait.ge [sflag:s16], $0x80  }
0x9c: {  	s20 =	sld [smem:$0x7F1];
	_ =	sdelay $0x2  }
0x9d: {  	s23 =	rddreg [dreg:$0x1d];
	s2 =	sadd.s32 $0x1, s20  }
0x9e: {  	p1 =	sne.s32 s2, s23  }
.Ltmp1:
0x9f: {  	_ = 	snop;
	(pc) =	sbr.rel @!p1 .LBB2_13-.Ltmp1, $4  }
0xa0: {  	_ = 	snop  }
0xa1: {  	v0 =	vimm.f32 $0.0e+00;
	v6 =	vimm.s32 $0x0;
	v7 =	vimm.s32 $0x1  }
0xa2: {  	v53 =	vimm.s32 $0x2;
	v36 =	vimm.s32 $0x3;
	v33 =	vimm.s32 $0x4;
	[sflag:s16] =	ssyncset.done $0x0  }
0xa3: {  	v31 =	vimm.s32 $0x5;
	v32 =	vimm.s32 $0x6;
	v42 =	vimm.s32 $0x7;
	[sflag:s16] =	ssyncadd.s32 $0xFFFFFF80  }
.LBB2_1:
0xa4: {  	[smem:$0x7F1] =	sst s2;
	s23 =	simm.s32 $0x0  }
0xa5: {  	s0 =	smov.u32 s17;
	s17 =	smov.u32 s29;
	s2 =	smul.u32 $0xE38F, s23  }
0xa6: {  	s29 =	smov.u32 s7;
	s7 =	smov.u32 s15;
	s15 =	smov.u32 s13  }
0xa7: {  	s13 =	smov.u32 s12;
	s12 =	smov.u32 s24;
	s3 =	sshrl.u32 s2, $0x13  }
0xa8: {  	s4 =	simm.s32 $0x0;
	s2 =	simm.s32 $0x1;
	s6 =	smul.u32 $0x9, s3  }
.LBB2_2:
0xa9: {  	s20 =	smul.u32 $0xE38F, s2  }
0xaa: {  	s23 =	smov.u32 s2;
	s3 =	smul.u32 $0x240, s3;
	p1 =	sne.s32 s2, $0x23F  }
.Ltmp2:
0xab: {  	s4 =	ssub.s32 s4, s6;
	(pc) =	sbr.rel @p1 .LBB2_2-.Ltmp2, $4  }
0xac: {  	s2 =	sadd.s32 $0x1, s2;
	s4 =	sand.u32 $0xFFFF, s4  }
0xad: {  	s6 =	sshrl.u32 s3, $0x2;
	s24 =	sshll.u32 s4, $0x4;
	s4 =	smov.u32 s23  }
0xae: {  	s3 =	sshrl.u32 s20, $0x13;
	s20 =	sadd.s32 s24, s6  }
0xaf: {  	s6 =	smul.u32 $0x9, s3;
	[tilespmem:s20+$0x0] =	vst v0  }
0xb0: {  	_ = 	snop  }
0xb1: {  	s3 =	smul.u32 $0x240, s3;
	s2 =	ssub.s32 s4, s6  }
0xb2: {  	s2 =	sand.u32 $0xFFFF, s2  }
0xb3: {  	s3 =	sshrl.u32 s3, $0x2;
	s2 =	sshll.u32 s2, $0x4  }
0xb4: {  	s2 =	sadd.s32 s2, s3  }
0xb5: {  	s20 =	simm.s32 $0x0;
	[tilespmem:s2+$0x0] =	vst v0  }
0xb6: {  	[spmem:s12] =	stream.linear.scatter [tilespmem:s20], [sflag:$0xA], $0x2400, $0x38;
	[tilespmem:$0x1E240] =	vst v63  }
0xb7: {  	_ =	swait.ge [sflag:s16], $0x2400  }
0xb8: {  	[sflag:s16] =	ssyncset.done $0x0  }
0xb9: {  	[sflag:s16] =	ssyncadd.s32 $0xFFFFDC00  }
0xba: {  	[spmem:s13] =	stream.linear.scatter [tilespmem:s20], [sflag:$0xA], $0x2400, $0x38;
	[tilespmem:$0x1E240] =	vst v63  }
0xbb: {  	_ =	swait.ge [sflag:s16], $0x2400  }
0xbc: {  	[sflag:s16] =	ssyncset.done $0x0  }
0xbd: {  	[sflag:s16] =	ssyncadd.s32 $0xFFFFDC00  }
0xbe: {  	[spmem:s15] =	stream.linear.scatter [tilespmem:s20], [sflag:$0xA], $0x2400, $0x38;
	[tilespmem:$0x1E240] =	vst v63  }
0xbf: {  	_ =	swait.ge [sflag:s16], $0x2400  }
0xc0: {  	[sflag:s16] =	ssyncset.done $0x0  }
0xc1: {  	[sflag:s16] =	ssyncadd.s32 $0xFFFFDC00  }
0xc2: {  	[spmem:s7] =	stream.linear.scatter [tilespmem:s20], [sflag:$0xA], $0x2400, $0x38;
	[tilespmem:$0x1E240] =	vst v63  }
0xc3: {  	_ =	swait.ge [sflag:s16], $0x2400  }
0xc4: {  	[sflag:s16] =	ssyncset.done $0x0  }
0xc5: {  	[sflag:s16] =	ssyncadd.s32 $0xFFFFDC00  }
0xc6: {  	[spmem:s29] =	stream.linear.scatter [tilespmem:s20], [sflag:$0xA], $0x2400, $0x38;
	[tilespmem:$0x1E240] =	vst v63  }
0xc7: {  	_ =	swait.ge [sflag:s16], $0x2400  }
0xc8: {  	[sflag:s16] =	ssyncset.done $0x0  }
0xc9: {  	s24 =	smov.u32 s12;
	s12 =	smov.u32 s13;
	[sflag:s16] =	ssyncadd.s32 $0xFFFFDC00  }
0xca: {  	[spmem:s17] =	stream.linear.scatter [tilespmem:s20], [sflag:$0xA], $0x2400, $0x38;
	[tilespmem:$0x1E240] =	vst v63  }
0xcb: {  	s13 =	smov.u32 s15;
	s15 =	smov.u32 s7;
	_ =	swait.ge [sflag:s16], $0x2400  }
0xcc: {  	s7 =	smov.u32 s29;
	s29 =	smov.u32 s17;
	[sflag:s16] =	ssyncset.done $0x0  }
0xcd: {  	s17 =	smov.u32 s0;
	s0 =	simm.s32 $0x0;
	[sflag:s16] =	ssyncadd.s32 $0xFFFFDC00  }
0xce: {  	[spmem:s17] =	stream.linear.scatter [tilespmem:s0], [sflag:$0xA], $0x2400, $0x38;
	[tilespmem:$0x1E240] =	vst v63  }
0xcf: {  	_ =	swait.ge [sflag:s16], $0x2400  }
0xd0: {  	[sflag:s16] =	ssyncset.done $0x0  }
0xd1: {  	s23 =	rddreg [dreg:$0x18];
	[sflag:s16] =	ssyncadd.s32 $0xFFFFDC00  }
0xd2: {  	[spmem:s23] =	stream.linear.scatter [tilespmem:s0], [sflag:$0xA], $0x2400, $0x38;
	[tilespmem:$0x1E240] =	vst v63  }
0xd3: {  	_ =	swait.ge [sflag:s16], $0x2400  }
0xd4: {  	[sflag:s16] =	ssyncset.done $0x0  }
0xd5: {  	s3 =	rddreg [dreg:$0x19];
	[sflag:s16] =	ssyncadd.s32 $0xFFFFDC00  }
0xd6: {  	[spmem:s3] =	stream.linear.scatter [tilespmem:s0], [sflag:$0xA], $0x2400, $0x38;
	[tilespmem:$0x1E240] =	vst v63  }
0xd7: {  	_ =	swait.ge [sflag:s16], $0x2400  }
0xd8: {  	[sflag:s16] =	ssyncset.done $0x0  }
0xd9: {  	s4 =	rddreg [dreg:$0x1a];
	[sflag:s16] =	ssyncadd.s32 $0xFFFFDC00  }
0xda: {  	[spmem:s4] =	stream.linear.scatter [tilespmem:s0], [sflag:$0xA], $0x2400, $0x38;
	[tilespmem:$0x1E240] =	vst v63  }
0xdb: {  	_ =	swait.ge [sflag:s16], $0x2400  }
0xdc: {  	[sflag:s16] =	ssyncset.done $0x0  }
0xdd: {  	[sflag:s16] =	ssyncadd.s32 $0xFFFFDC00  }
0xde: {  	[bflag:$0x0] =	sbarrier.arrive $0xFFFF  }
0xdf: {  	s4 =	rddreg [dreg:$0x1b]  }
0xe0: {  	s2 =	simm.s32 @p0 $0x0;
	s3 =	simm.s32 @p0 $0x7800;
	s6 =	sld [smem:$0x7FA]  }
0xe1: {  	[tilespmem:s3], [sflag:$0x7] =	stream.linear.gather @p0 [hbm4b:s4+s2], $0x40, $0x38;
	[tilespmem:$0x1E240] =	vst v63  }
0xe2: {  	s20 =	sld [smem:$0x7FB];
	s4 =	simm.s32 @p0 $0x78C0  }
0xe3: {  	[tilespmem:s4], [sflag:$0x7] =	stream.linear.gather @p0 [hbm4b:s6+s2], $0x40, $0x38;
	[tilespmem:$0x1E240] =	vst v63  }
0xe4: {  	s6 =	simm.s32 @p0 $0x7840  }
0xe5: {  	[tilespmem:s6], [sflag:$0x8] =	stream.linear.gather @p0 [hbm4b:s20+s2], $0x40, $0x38;
	[tilespmem:$0x1E240] =	vst v63  }
0xe6: {  	s20 =	sld [smem:$0x7FC];
	_ =	sdelay $0x1  }
0xe7: {  	s6 =	simm.s32 @p0 $0x7900  }
0xe8: {  	[tilespmem:s6], [sflag:$0x8] =	stream.linear.gather @p0 [hbm4b:s20+s2], $0x40, $0x38;
	[tilespmem:$0x1E240] =	vst v63  }
0xe9: {  	s6 =	simm.s32 @p0 $0x7880;
	s20 =	rddreg [dreg:$0x1c]  }
0xea: {  	[tilespmem:s6], [sflag:$0x9] =	stream.linear.gather @p0 [hbm4b:s20+s2], $0x40, $0x38;
	[tilespmem:$0x1E240] =	vst v63  }
0xeb: {  	s20 =	sld [smem:$0x7FD];
	_ =	sdelay $0x1  }
0xec: {  	s6 =	simm.s32 @p0 $0x7940  }
0xed: {  	[tilespmem:s6], [sflag:$0x9] =	stream.linear.gather @p0 [hbm4b:s20+s2], $0x40, $0x38;
	[tilespmem:$0x1E240] =	vst v63  }
0xee: {  	s6 =	simm.s32 @p0 $0x7  }
0xef: {  	_ =	swait.ge @p0 [sflag:s6], $0x40  }
0xf0: {  	[sflag:s6] =	ssyncset.done @p0 $0x0  }
0xf1: {  	[sflag:s6] =	ssyncadd.s32 @p0 $0xFFFFFFC0  }
0xf2: {  	_ =	swait.ge @p0 [sflag:s6], $0x40  }
0xf3: {  	[sflag:s6] =	ssyncset.done @p0 $0x0  }
0xf4: {  	[sflag:s6] =	ssyncadd.s32 @p0 $0xFFFFFFC0;
	s6 =	simm.s32 @p0 $0x40  }
0xf5: {  	[tilespmem:s2], [sflag:$0x1] =	stream.indirect.gather @p0 [hbm4b:s25+s6], $0x90, s3, s6, $0xb8;
	[tilespmem:$0x1E240] =	vst v63  }
0xf6: {  	s2 =	simm.s32 @p0 $0x6C00  }
0xf7: {  	[tilespmem:s2], [sflag:$0x1] =	stream.indirect.gather @p0 [hbm4b:s26+s6], $0x10, s4, s6, $0xb8;
	[tilespmem:$0x1E240] =	vst v63  }
0xf8: {  	s2 =	simm.s32 @p0 $0x8  }
0xf9: {  	_ =	swait.ge @p0 [sflag:s2], $0x40  }
0xfa: {  	[sflag:s2] =	ssyncset.done @p0 $0x0  }
0xfb: {  	[sflag:s2] =	ssyncadd.s32 @p0 $0xFFFFFFC0  }
0xfc: {  	v0 =	vlaneseq.u32 @!p0;
	_ =	swait.ge @p0 [sflag:s2], $0x40  }
0xfd: {  	v0 =	vand.u32 @!p0 $0x7, v0;
	[sflag:s2] =	ssyncset.done @p0 $0x0  }
0xfe: {  	v0 =	vor.u32 @!p0 $0x2710, v0;
	[sflag:s2] =	ssyncadd.s32 @p0 $0xFFFFFFC0  }
0xff: {  	[tilespmem:$0x7800] =	vst @!p0 v0  }
0x100: {  	[tilespmem:$0x78C0] =	vst @!p0 v0  }
0x101: {  	[tilespmem:$0x7810] =	vst @!p0 v0  }
0x102: {  	[tilespmem:$0x78D0] =	vst @!p0 v0  }
0x103: {  	[tilespmem:$0x7820] =	vst @!p0 v0  }
0x104: {  	[tilespmem:$0x78E0] =	vst @!p0 v0  }
0x105: {  	[tilespmem:$0x7830] =	vst @!p0 v0  }
0x106: {  	[tilespmem:$0x78F0] =	vst @!p0 v0  }
0x107: {  	[tilespmem:$0x7840] =	vst @!p0 v0  }
0x108: {  	[tilespmem:$0x7900] =	vst @!p0 v0  }
0x109: {  	[tilespmem:$0x7850] =	vst @!p0 v0  }
0x10a: {  	[tilespmem:$0x7910] =	vst @!p0 v0  }
0x10b: {  	[tilespmem:$0x7860] =	vst @!p0 v0  }
0x10c: {  	[tilespmem:$0x7920] =	vst @!p0 v0  }
0x10d: {  	[tilespmem:$0x7870] =	vst @!p0 v0  }
0x10e: {  	[tilespmem:$0x7930] =	vst @!p0 v0  }
0x10f: {  	[tilespmem:$0x7880] =	vst @!p0 v0  }
0x110: {  	[tilespmem:$0x7940] =	vst @!p0 v0  }
0x111: {  	[tilespmem:$0x7890] =	vst @!p0 v0  }
0x112: {  	[tilespmem:$0x7950] =	vst @!p0 v0  }
0x113: {  	[tilespmem:$0x78A0] =	vst @!p0 v0  }
0x114: {  	[tilespmem:$0x7960] =	vst @!p0 v0  }
0x115: {  	[tilespmem:$0x78B0] =	vst @!p0 v0  }
0x116: {  	s3 =	simm.s32 @!p0 $0x7800;
	s4 =	simm.s32 @!p0 $0x0;
	s2 =	simm.s32 @!p0 $0x40;
	[tilespmem:$0x7970] =	vst @!p0 v0  }
0x117: {  	[tilespmem:s4], [sflag:$0x1] =	stream.indirect.gather @!p0 [hbm4b:s25+s2], $0x90, s3, s2, $0xb8;
	[tilespmem:$0x1E240] =	vst v63  }
0x118: {  	s3 =	simm.s32 @!p0 $0x78C0;
	s4 =	simm.s32 @!p0 $0x6C00  }
0x119: {  	[tilespmem:s4], [sflag:$0x1] =	stream.indirect.gather @!p0 [hbm4b:s26+s2], $0x10, s3, s2, $0xb8;
	[tilespmem:$0x1E240] =	vst v63  }
0x11a: {  	s6 =	simm.s32 $0x7840  }
0x11b: {  	[tilespmem:s21], [sflag:$0x2] =	stream.indirect.gather [hbm4b:s25+s18], $0x90, s6, s18, $0xb8;
	[tilespmem:$0x1E240] =	vst v63  }
0x11c: {  	s23 =	simm.s32 $0x7000;
	s20 =	simm.s32 $0x7900;
	s6 =	simm.s32 $0x0  }
0x11d: {  	[tilespmem:s23], [sflag:$0x2] =	stream.indirect.gather [hbm4b:s26+s18], $0x10, s20, s18, $0xb8;
	[tilespmem:$0x1E240] =	vst v63  }
.LBB2_4:
0x11e: {  	_ =	swait.ge [sflag:s8], $0x2400  }
0x11f: {  	[sflag:s8] =	ssyncset.done $0x0  }
0x120: {  	[sflag:s8] =	ssyncadd.s32 $0xFFFFDC00  }
0x121: {  	_ =	swait.ge [sflag:s8], $0x400  }
0x122: {  	[sflag:s8] =	ssyncset.done $0x0  }
0x123: {  	[sflag:s8] =	ssyncadd.s32 $0xFFFFFC00  }
0x124: {  	v0 =	vld [tilespmem:$0x78C0]  }
0x125: {  	v1 =	vld [tilespmem:$0x78D0]  }
0x126: {  	v2 =	vld [tilespmem:$0x78E0]  }
0x127: {  	v3 =	vld [tilespmem:$0x78F0];
	_ =	sdelay $0x1  }
0x128: {  	[tilespmem:$0x7980] =	vst v0  }
0x129: {  	[tilespmem:$0x7990] =	vst v1  }
0x12a: {  	[tilespmem:$0x79A0] =	vst v2  }
0x12b: {  	s2 =	simm.s32 $0x120;
	[tilespmem:$0x79B0] =	vst v3  }
0x12c: {  	s4 =	simm.s32 $0x6C20;
	v0 =	vld [tilespmem:s2+$0x110]  }
0x12d: {  	v1 =	vld [tilespmem:s4+$0x10]  }
0x12e: {  	v3 =	vld [tilespmem:s2+$0xFFFFFFF0]  }
0x12f: {  	v8 =	vld [tilespmem:s2+$0xFFFFFEE0]  }
0x130: {  	v4 =	vld [tilespmem:s4+$0xFFFFFFF0]  }
0x131: {  	v2 =	vld [tilespmem:s4+$0xFFFFFFE0]  }
0x132: {  	v5 =	vld [tilespmem:s2+$0x80]  }
0x133: {  	v9 =	vld [tilespmem:s4+$0x0];
	v0 =	vadd.f32 v1, v0  }
0x134: {  	v1 =	vld [tilespmem:s2+$0xFFFFFF60];
	[tilespmem:$0x1FFF0] =	vst v8  }
0x135: {  	v3 =	vadd.f32 v4, v3;
	v13 =	vld [tilespmem:s2+$0xFFFFFEF0];
	v10 =	vmul.f32 $2.000000030e-01, v0  }
0x136: {  	v14 =	vld [tilespmem:s2+$0xFFFFFF00]  }
0x137: {  	v15 =	vld [tilespmem:s2+$0xFFFFFF10];
	v4 =	vmul.f32 $2.000000030e-01, v3;
	v0 =	vmax.f32 v0, v10  }
0x138: {  	v17 =	vld [tilespmem:s2+$0xFFFFFF20];
	v0 =	vmul.f32 $1.442695020e+00, v0  }
0x139: {  	v16 =	vld [tilespmem:s2+$0xFFFFFF30];
	v1 =	vadd.f32 v2, v1;
	v2 =	vmax.f32 v3, v4  }
0x13a: {  	v5 =	vadd.f32 v9, v5;
	v18 =	vld [tilespmem:s2+$0xFFFFFF40];
	v2 =	vmul.f32 $1.442695020e+00, v2;
	(erf) = vpow2.f32 v0  }
0x13b: {  	v19 =	vld [tilespmem:s2+$0xFFFFFF50]  }
0x13c: {  	v20 =	vld [tilespmem:s2+$0xFFFFFF70];
	v3 =	vmul.f32 $2.000000030e-01, v5;
	(erf) = vpow2.f32 v2  }
0x13d: {  	v21 =	vld [tilespmem:s2+$0xFFFFFF80];
	v0 =	vmul.f32 $2.000000030e-01, v1  }
0x13e: {  	v22 =	vld [tilespmem:s2+$0xFFFFFF90];
	v3 =	vmax.f32 v5, v3  }
0x13f: {  	v23 =	vld [tilespmem:s2+$0xFFFFFFA0];
	v0 =	vmax.f32 v1, v0;
	v1 =	vmul.f32 $1.442695020e+00, v3  }
0x140: {  	v25 =	vld [tilespmem:s2+$0xFFFFFFB0]  }
0x141: {  	v24 =	vld [tilespmem:s2+$0xFFFFFFC0];
	v0 =	vmul.f32 $1.442695020e+00, v0;
	(erf) = vpow2.f32 v1  }
0x142: {  	v26 =	vld [tilespmem:s2+$0xFFFFFFD0]  }
0x143: {  	v27 =	vld [tilespmem:s2+$0xFFFFFFE0];
	(erf) = vpow2.f32 v0;
	v44 =	vpop (erf)  }
0x144: {  	v28 =	vld [tilespmem:s2+$0x0];
	v11 =	vperm.xlane v44, v6;
	v1 =	vperm.xlane v44, v42  }
0x145: {  	v0 =	vld [tilespmem:s2+$0x100];
	v12 =	vperm.xlane v44, v7;
	v10 =	vperm.xlane v44, v53;
	v39 =	vpop (erf)  }
0x146: {  	v29 =	vld [tilespmem:s2+$0x10];
	v51 =	vperm.xlane v39, v6;
	v48 =	vperm.xlane v39, v7  }
0x147: {  	v30 =	vld [tilespmem:s2+$0x20];
	v50 =	vperm.xlane v39, v53;
	v46 =	vperm.xlane v39, v36  }
0x148: {  	v34 =	vld [tilespmem:s2+$0x40];
	v52 =	vperm.xlane v39, v33;
	v47 =	vperm.xlane v39, v31  }
0x149: {  	v40 =	vimm.s32 $0x5;
	v41 =	vld [tilespmem:s2+$0x50];
	v62 =	vperm.xlane v39, v32;
	v60 =	vperm.xlane v39, v42  }
0x14a: {  	v37 =	vld [tilespmem:s2+$0x60];
	[tilespmem:s2+$0xFFFFFFF0] =	vst v39;
	v39 =	vperm.xlane v44, v40;
	v0 =	vmul.f32 v0, v1;
	v49 =	vpop (erf)  }
0x14b: {  	v35 =	vld [tilespmem:s2+$0xA0];
	[tilespmem:s2+$0x110] =	vst v44;
	v61 =	vperm.xlane v49, v6;
	v58 =	vperm.xlane v49, v7  }
0x14c: {  	v8 =	vimm.s32 $0x4;
	v45 =	vld [tilespmem:s2+$0x70];
	[tilespmem:s2+$0x100] =	vst v0;
	v59 =	vperm.xlane v49, v53;
	v57 =	vperm.xlane v49, v36  }
0x14d: {  	v33 =	vld [tilespmem:s2+$0x30];
	v38 =	vpop (erf);
	v56 =	vperm.xlane v49, v8;
	v55 =	vperm.xlane v49, v40;
	[tilespmem:s2+$0x80] =	vst v49  }
0x14e: {  	v40 =	vld [tilespmem:s2+$0xE0];
	v43 =	vperm.xlane v38, v6;
	v5 =	vperm.xlane v38, v53;
	v6 =	vimm.s32 $0x6;
	[tilespmem:s2+$0xFFFFFF60] =	vst v38  }
0x14f: {  	v53 =	vperm.xlane v49, v42;
	v54 =	vperm.xlane v49, v6;
	v49 =	vld [tilespmem:$0x1FFF0]  }
0x150: {  	v9 =	vperm.xlane v44, v36;
	v0 =	vperm.xlane v38, v31;
	v31 =	vld [tilespmem:s2+$0x90]  }
0x151: {  	v2 =	vperm.xlane v38, v7;
	v3 =	vperm.xlane v38, v32;
	v32 =	vld [tilespmem:s2+$0xB0]  }
0x152: {  	v1 =	vperm.xlane v38, v36;
	v4 =	vperm.xlane v38, v8;
	v36 =	vld [tilespmem:s2+$0xC0]  }
0x153: {  	v63 =	vperm.xlane v38, v42;
	v38 =	vld [tilespmem:s2+$0xD0];
	v7 =	vimm.s32 $0x7;
	v42 =	vperm.xlane v44, v8  }
0x154: {  	s3 =	simm.s32 $0x0;
	s20 =	simm.s32 $0x360;
	v8 =	vimm.s32 $0x4;
	v49 =	vmul.f32 v49, v43;
	v43 =	vperm.xlane v44, v6;
	v44 =	vld [tilespmem:s2+$0xF0]  }
.LBB2_5:
0x155: {  	v6 =	vld [tilespmem:s20+$0x110];
	v2 =	vmul.f32 v13, v2;
	v5 =	vmul.f32 v14, v5;
	s4 =	sadd.s32 $0x40, s4  }
0x156: {  	s3 =	sadd.s32 $0x4, s3;
	v1 =	vmul.f32 v15, v1;
	v4 =	vmul.f32 v17, v4;
	v13 =	vld [tilespmem:s4+$0x10];
	[tilespmem:s2+$0xFFFFFEE0] =	vst v49  }
0x157: {  	v0 =	vmul.f32 v16, v0;
	p1 =	slt.u32 s3, $0x3C;
	v17 =	vld [tilespmem:s4+$0xFFFFFFE0];
	[tilespmem:s2+$0xFFFFFEF0] =	vst v2;
	v2 =	vmul.f32 v18, v3  }
0x158: {  	v14 =	vmul.f32 v20, v51;
	v3 =	vld [tilespmem:s20+$0xFFFFFFF0];
	[tilespmem:s2+$0xFFFFFF00] =	vst v5;
	v5 =	vmul.f32 v19, v63  }
0x159: {  	v16 =	vmul.f32 v22, v50;
	v15 =	vld [tilespmem:s4+$0xFFFFFFF0];
	[tilespmem:s2+$0xFFFFFF10] =	vst v1;
	v1 =	vmul.f32 v21, v48  }
0x15a: {  	v19 =	vmul.f32 v25, v52;
	v18 =	vld [tilespmem:s20+$0x80];
	[tilespmem:s2+$0xFFFFFF20] =	vst v4;
	v4 =	vmul.f32 v23, v46  }
0x15b: {  	v21 =	vmul.f32 v26, v62;
	v20 =	vld [tilespmem:s4+$0x0];
	v6 =	vadd.f32 v13, v6;
	[tilespmem:s2+$0xFFFFFF30] =	vst v0;
	v0 =	vmul.f32 v24, v47  }
0x15c: {  	v23 =	vmul.f32 v28, v61;
	v22 =	vld [tilespmem:s20+$0xFFFFFF60];
	[tilespmem:s2+$0xFFFFFF40] =	vst v2;
	v2 =	vmul.f32 v27, v60  }
0x15d: {  	v49 =	vld [tilespmem:s20+$0xFFFFFEE0];
	v24 =	vmul.f32 $2.000000030e-01, v6;
	[tilespmem:s2+$0xFFFFFF50] =	vst v5;
	v5 =	vmul.f32 v29, v58  }
0x15e: {  	v25 =	vmul.f32 v30, v59;
	v26 =	vmul.f32 v33, v57;
	v13 =	vld [tilespmem:s20+$0xFFFFFEF0];
	v3 =	vadd.f32 v15, v3;
	[tilespmem:s2+$0xFFFFFF70] =	vst v14  }
0x15f: {  	v27 =	vmul.f32 v41, v55;
	v14 =	vld [tilespmem:s20+$0xFFFFFF00];
	v6 =	vmax.f32 v6, v24;
	[tilespmem:s2+$0xFFFFFF80] =	vst v1;
	v1 =	vmul.f32 v34, v56  }
0x160: {  	v15 =	vld [tilespmem:s20+$0xFFFFFF10];
	v24 =	vmul.f32 $2.000000030e-01, v3;
	v20 =	vadd.f32 v20, v18;
	v6 =	vmul.f32 $1.442695020e+00, v6;
	[tilespmem:s2+$0xFFFFFF90] =	vst v16  }
0x161: {  	v28 =	vmul.f32 v45, v53;
	v22 =	vadd.f32 v17, v22;
	v17 =	vld [tilespmem:s20+$0xFFFFFF20];
	[tilespmem:s2+$0xFFFFFFA0] =	vst v4;
	v4 =	vmul.f32 v37, v54  }
0x162: {  	v16 =	vld [tilespmem:s20+$0xFFFFFF30];
	v3 =	vmax.f32 v3, v24;
	v24 =	vmul.f32 $2.000000030e-01, v20;
	(erf) = vpow2.f32 v6;
	[tilespmem:s2+$0xFFFFFFB0] =	vst v19  }
0x163: {  	v6 =	vmul.f32 $2.000000030e-01, v22;
	v18 =	vld [tilespmem:s20+$0xFFFFFF40];
	v3 =	vmul.f32 $1.442695020e+00, v3;
	[tilespmem:s2+$0xFFFFFFC0] =	vst v0  }
0x164: {  	v30 =	vmul.f32 v35, v12;
	v29 =	vmul.f32 v31, v11;
	v19 =	vld [tilespmem:s20+$0xFFFFFF50];
	v0 =	vmax.f32 v20, v24;
	[tilespmem:s2+$0xFFFFFFD0] =	vst v21  }
0x165: {  	v6 =	vmax.f32 v22, v6;
	v20 =	vld [tilespmem:s20+$0xFFFFFF70];
	v0 =	vmul.f32 $1.442695020e+00, v0;
	(erf) = vpow2.f32 v3;
	[tilespmem:s2+$0xFFFFFFE0] =	vst v2  }
0x166: {  	v3 =	vmul.f32 v32, v10;
	v2 =	vmul.f32 $1.442695020e+00, v6;
	v21 =	vld [tilespmem:s20+$0xFFFFFF80];
	[tilespmem:s2+$0x0] =	vst v23  }
0x167: {  	v22 =	vld [tilespmem:s20+$0xFFFFFF90];
	(erf) = vpow2.f32 v0;
	[tilespmem:s2+$0x10] =	vst v5;
	v0 =	vmul.f32 v36, v9  }
0x168: {  	v6 =	vmul.f32 v38, v42;
	v23 =	vld [tilespmem:s20+$0xFFFFFFA0];
	(erf) = vpow2.f32 v2;
	[tilespmem:s2+$0x20] =	vst v25  }
0x169: {  	v31 =	vmul.f32 v40, v39;
	v32 =	vmul.f32 v44, v43;
	v2 =	vld [tilespmem:s20+$0x100];
	[tilespmem:s2+$0x30] =	vst v26  }
0x16a: {  	v25 =	vld [tilespmem:s20+$0xFFFFFFB0];
	[tilespmem:s2+$0x40] =	vst v1  }
0x16b: {  	v53 =	vimm.s32 $0x2;
	v42 =	vimm.s32 $0x0;
	v24 =	vld [tilespmem:s20+$0xFFFFFFC0];
	v43 =	vpop (erf);
	[tilespmem:s2+$0x50] =	vst v27  }
0x16c: {  	v40 =	vimm.s32 $0x1;
	v26 =	vld [tilespmem:s20+$0xFFFFFFD0];
	v11 =	vperm.xlane v43, v42;
	v1 =	vperm.xlane v43, v7;
	[tilespmem:s2+$0x60] =	vst v4  }
0x16d: {  	v54 =	vimm.s32 $0x3;
	v12 =	vperm.xlane v43, v40;
	v10 =	vperm.xlane v43, v53;
	v27 =	vld [tilespmem:s20+$0xFFFFFFE0];
	[tilespmem:s2+$0x70] =	vst v28  }
0x16e: {  	v9 =	vperm.xlane v43, v54;
	v28 =	vld [tilespmem:s20+$0x0];
	v1 =	vmul.f32 v2, v1;
	v35 =	vpop (erf);
	[tilespmem:s2+$0x90] =	vst v29  }
0x16f: {  	v51 =	vperm.xlane v35, v42;
	v48 =	vperm.xlane v35, v40;
	v29 =	vld [tilespmem:s20+$0x10];
	[tilespmem:s2+$0xA0] =	vst v30  }
0x170: {  	v39 =	vimm.s32 $0x5;
	v50 =	vperm.xlane v35, v53;
	v46 =	vperm.xlane v35, v54;
	v30 =	vld [tilespmem:s20+$0x20];
	[tilespmem:s20+$0x100] =	vst v1;
	v38 =	vpop (erf)  }
0x171: {  	v52 =	vperm.xlane v35, v8;
	v47 =	vperm.xlane v35, v39;
	v33 =	vld [tilespmem:s20+$0x30];
	v36 =	vpop (erf);
	[tilespmem:s2+$0xB0] =	vst v3  }
0x172: {  	v44 =	vperm.xlane v36, v42;
	v2 =	vperm.xlane v36, v40;
	v34 =	vld [tilespmem:s20+$0x40];
	[tilespmem:s2+$0xC0] =	vst v0  }
0x173: {  	v5 =	vperm.xlane v36, v53;
	v1 =	vperm.xlane v36, v54;
	v41 =	vld [tilespmem:s20+$0x50];
	[tilespmem:s2+$0xD0] =	vst v6  }
0x174: {  	v4 =	vperm.xlane v36, v8;
	v0 =	vperm.xlane v36, v39;
	v6 =	vimm.s32 $0x6;
	v37 =	vld [tilespmem:s20+$0x60];
	[tilespmem:s2+$0xE0] =	vst v31  }
0x175: {  	v63 =	vperm.xlane v36, v7;
	v3 =	vperm.xlane v36, v6;
	v45 =	vld [tilespmem:s20+$0x70];
	[tilespmem:s2+$0xF0] =	vst v32;
	s2 =	smov.u32 s20  }
0x176: {  	v60 =	vperm.xlane v35, v7;
	v62 =	vperm.xlane v35, v6;
	[tilespmem:s20+$0xFFFFFF60] =	vst v36;
	v31 =	vld [tilespmem:s20+$0x90]  }
0x177: {  	v61 =	vperm.xlane v38, v42;
	v58 =	vperm.xlane v38, v40;
	[tilespmem:s20+$0xFFFFFFF0] =	vst v35;
	v35 =	vld [tilespmem:s20+$0xA0]  }
.Ltmp3:
0x178: {  	v59 =	vperm.xlane v38, v53;
	v57 =	vperm.xlane v38, v54;
	[tilespmem:s20+$0x80] =	vst v38;
	v32 =	vld [tilespmem:s20+$0xB0];
	(pc) =	sbr.rel @p1 .LBB2_5-.Ltmp3, $4  }
0x179: {  	v56 =	vperm.xlane v38, v8;
	v55 =	vperm.xlane v38, v39;
	[tilespmem:s20+$0x110] =	vst v43;
	v36 =	vld [tilespmem:s20+$0xC0]  }
0x17a: {  	v53 =	vperm.xlane v38, v7;
	v54 =	vperm.xlane v38, v6;
	v38 =	vld [tilespmem:s20+$0xD0]  }
0x17b: {  	v42 =	vperm.xlane v43, v8;
	v39 =	vperm.xlane v43, v39;
	v40 =	vld [tilespmem:s20+$0xE0]  }
0x17c: {  	v49 =	vmul.f32 v49, v44;
	v43 =	vperm.xlane v43, v6;
	s20 =	sadd.s32 $0x240, s20;
	v44 =	vld [tilespmem:s2+$0xF0]  }
0x17d: {  	v2 =	vmul.f32 v13, v2  }
0x17e: {  	v5 =	vmul.f32 v14, v5;
	[tilespmem:s2+$0xFFFFFEE0] =	vst v49  }
0x17f: {  	v1 =	vmul.f32 v15, v1;
	[tilespmem:s2+$0xFFFFFEF0] =	vst v2  }
0x180: {  	v0 =	vmul.f32 v16, v0;
	[tilespmem:s2+$0xFFFFFF00] =	vst v5  }
0x181: {  	v2 =	vmul.f32 v17, v4;
	[tilespmem:s2+$0xFFFFFF10] =	vst v1  }
0x182: {  	v1 =	vmul.f32 v18, v3;
	[tilespmem:s2+$0xFFFFFF30] =	vst v0  }
0x183: {  	v0 =	vmul.f32 v20, v51;
	[tilespmem:s2+$0xFFFFFF20] =	vst v2  }
0x184: {  	v2 =	vmul.f32 v19, v63;
	[tilespmem:s2+$0xFFFFFF40] =	vst v1  }
0x185: {  	v1 =	vmul.f32 v21, v48;
	[tilespmem:s2+$0xFFFFFF70] =	vst v0  }
0x186: {  	v0 =	vmul.f32 v23, v46;
	[tilespmem:s2+$0xFFFFFF50] =	vst v2  }
0x187: {  	v2 =	vmul.f32 v22, v50;
	[tilespmem:s2+$0xFFFFFF80] =	vst v1  }
0x188: {  	v1 =	vmul.f32 v25, v52;
	[tilespmem:s2+$0xFFFFFFA0] =	vst v0  }
0x189: {  	v0 =	vmul.f32 v26, v62;
	[tilespmem:s2+$0xFFFFFF90] =	vst v2  }
0x18a: {  	v2 =	vmul.f32 v24, v47;
	[tilespmem:s2+$0xFFFFFFB0] =	vst v1  }
0x18b: {  	v1 =	vmul.f32 v27, v60;
	[tilespmem:s2+$0xFFFFFFD0] =	vst v0  }
0x18c: {  	v0 =	vmul.f32 v29, v58;
	[tilespmem:s2+$0xFFFFFFC0] =	vst v2  }
0x18d: {  	v2 =	vmul.f32 v28, v61;
	[tilespmem:s2+$0xFFFFFFE0] =	vst v1  }
0x18e: {  	v1 =	vmul.f32 v30, v59;
	[tilespmem:s2+$0x10] =	vst v0  }
0x18f: {  	v0 =	vmul.f32 v34, v56;
	[tilespmem:s2+$0x0] =	vst v2  }
0x190: {  	v2 =	vmul.f32 v33, v57;
	[tilespmem:s2+$0x20] =	vst v1  }
0x191: {  	v1 =	vmul.f32 v41, v55;
	[tilespmem:s2+$0x40] =	vst v0  }
0x192: {  	v0 =	vmul.f32 v45, v53;
	[tilespmem:s2+$0x30] =	vst v2  }
0x193: {  	v2 =	vmul.f32 v37, v54;
	[tilespmem:s2+$0x50] =	vst v1  }
0x194: {  	v1 =	vmul.f32 v31, v11;
	[tilespmem:s2+$0x70] =	vst v0  }
0x195: {  	v0 =	vmul.f32 v32, v10;
	[tilespmem:s2+$0x60] =	vst v2  }
0x196: {  	v2 =	vmul.f32 v35, v12;
	[tilespmem:s2+$0x90] =	vst v1  }
0x197: {  	v1 =	vmul.f32 v36, v9;
	[tilespmem:s2+$0xB0] =	vst v0  }
0x198: {  	v0 =	vmul.f32 v40, v39;
	[tilespmem:s2+$0xA0] =	vst v2  }
0x199: {  	v2 =	vmul.f32 v38, v42;
	[tilespmem:s2+$0xC0] =	vst v1  }
0x19a: {  	v1 =	vmul.f32 v44, v43;
	[tilespmem:s2+$0xE0] =	vst v0  }
0x19b: {  	p1 =	seq.s32 s6, $0x0;
	[tilespmem:s2+$0xD0] =	vst v2  }
0x19c: {  	s4 =	simm.s32 $0x7980;
	s3 =	simm.s32 @!p1 $0x6;
	[tilespmem:s2+$0xF0] =	vst v1;
	s2 =	smul.u32 $0xC0, s6  }
0x19d: {  	[spmem:s22] =	stream.indirect.scatter.add.f32 [tilespmem:s0], [sflag:$0x4], $0x90, s4, s18, $0xb8;
	[tilespmem:$0x1E240] =	vst v63  }
0x19e: {  	_ =	swait.ge @!p1 [sflag:s3], $0x2400;
	s4 =	sadd.s32 s2, s5  }
0x19f: {  	[sflag:s3] =	ssyncset.done @!p1 $0x0;
	p2 =	sgt.u32 s4, $0x4E1FF  }
0x1a0: {  	[sflag:s3] =	ssyncadd.s32 @!p1 $0xFFFFDC00;
	s3 =	simm.s32 @!p2 $0x9  }
0x1a1: {  	_ =	swait.ge @!p2 [sflag:s3], $0x40  }
0x1a2: {  	[sflag:s3] =	ssyncset.done @!p2 $0x0  }
0x1a3: {  	p1 =	seq.s32 s6, $0x35;
	[sflag:s3] =	ssyncadd.s32 @!p2 $0xFFFFFFC0  }
0x1a4: {  	s4 =	sadd.s32 @!p1 s2, s9;
	_ =	swait.ge @!p2 [sflag:s3], $0x40  }
0x1a5: {  	p4 =	sgt.u32 @!p1 s4, $0x4E1FF;
	[sflag:s3] =	ssyncset.done @!p2 $0x0  }
0x1a6: {  	s20 =	simm.s32 $0x7880;
	p3 =	por !p4, p1;
	[sflag:s3] =	ssyncadd.s32 @!p2 $0xFFFFFFC0  }
0x1a7: {  	v0 =	vlaneseq.u32 @!p3;
	[tilespmem:s14], [sflag:$0x3] =	stream.indirect.gather [hbm4b:s25+s18], $0x90, s20, s18, $0xb8;
	[tilespmem:$0x1E240] =	vst v63  }
0x1a8: {  	s23 =	simm.s32 $0x7940;
	v0 =	vand.u32 @!p3 $0x7, v0;
	s20 =	simm.s32 $0x7400  }
0x1a9: {  	v0 =	vor.u32 @!p3 $0x2710, v0;
	[tilespmem:s20], [sflag:$0x3] =	stream.indirect.gather [hbm4b:s26+s18], $0x10, s23, s18, $0xb8;
	[tilespmem:$0x1E240] =	vst v63  }
0x1aa: {  	[tilespmem:$0x7800] =	vst @!p3 v0  }
0x1ab: {  	[tilespmem:$0x78C0] =	vst @!p3 v0  }
0x1ac: {  	[tilespmem:$0x7810] =	vst @!p3 v0  }
0x1ad: {  	[tilespmem:$0x78D0] =	vst @!p3 v0  }
0x1ae: {  	[tilespmem:$0x7820] =	vst @!p3 v0  }
0x1af: {  	p2 =	por p4, p1;
	[tilespmem:$0x78E0] =	vst @!p3 v0  }
0x1b0: {  	s3 =	sshrl.u32 @!p2 s4, $0x3;
	[tilespmem:$0x7830] =	vst @!p3 v0  }
0x1b1: {  	s4 =	simm.s32 @!p2 $0x0;
	s3 =	sadd.s32 @!p2 s19, s3;
	s20 =	simm.s32 @!p2 $0x7800;
	[tilespmem:$0x78F0] =	vst @!p3 v0  }
0x1b2: {  	[tilespmem:s20], [sflag:$0x7] =	stream.linear.gather @!p2 [hbm4b:s3+s4], $0x40, $0x38;
	[tilespmem:$0x1E240] =	vst v63  }
0x1b3: {  	s3 =	sadd.s32 @!p2 $0x9C40, s3;
	s20 =	simm.s32 @!p2 $0x78C0  }
0x1b4: {  	[tilespmem:s20], [sflag:$0x7] =	stream.linear.gather @!p2 [hbm4b:s3+s4], $0x40, $0x38;
	[tilespmem:$0x1E240] =	vst v63  }
0x1b5: {  	_ =	swait.ge [sflag:s28], $0x2400  }
0x1b6: {  	[sflag:s28] =	ssyncset.done $0x0  }
0x1b7: {  	[sflag:s28] =	ssyncadd.s32 $0xFFFFDC00  }
0x1b8: {  	_ =	swait.ge [sflag:s28], $0x400  }
0x1b9: {  	[sflag:s28] =	ssyncset.done $0x0  }
0x1ba: {  	[sflag:s28] =	ssyncadd.s32 $0xFFFFFC00  }
0x1bb: {  	v0 =	vld [tilespmem:$0x7900]  }
0x1bc: {  	v1 =	vld [tilespmem:$0x7910]  }
0x1bd: {  	v2 =	vld [tilespmem:$0x7920]  }
0x1be: {  	v3 =	vld [tilespmem:$0x7930];
	_ =	sdelay $0x1  }
0x1bf: {  	[tilespmem:$0x79C0] =	vst v0  }
0x1c0: {  	[tilespmem:$0x79D0] =	vst v1  }
0x1c1: {  	[tilespmem:$0x79E0] =	vst v2  }
0x1c2: {  	s4 =	simm.s32 $0x2520;
	[tilespmem:$0x79F0] =	vst v3  }
0x1c3: {  	s3 =	simm.s32 $0x7020;
	v0 =	vld [tilespmem:s4+$0x110]  }
0x1c4: {  	v1 =	vld [tilespmem:s3+$0x10]  }
0x1c5: {  	v3 =	vld [tilespmem:s4+$0xFFFFFFF0]  }
0x1c6: {  	v9 =	vld [tilespmem:s4+$0xFFFFFEE0]  }
0x1c7: {  	v4 =	vld [tilespmem:s3+$0xFFFFFFF0]  }
0x1c8: {  	v2 =	vld [tilespmem:s3+$0xFFFFFFE0]  }
0x1c9: {  	v5 =	vld [tilespmem:s4+$0x80]  }
0x1ca: {  	v6 =	vld [tilespmem:s3+$0x0];
	v0 =	vadd.f32 v1, v0  }
0x1cb: {  	v1 =	vld [tilespmem:s4+$0xFFFFFF60];
	[tilespmem:$0x1FFE0] =	vst v9  }
0x1cc: {  	v3 =	vadd.f32 v4, v3;
	v13 =	vld [tilespmem:s4+$0xFFFFFEF0];
	v9 =	vmul.f32 $2.000000030e-01, v0  }
0x1cd: {  	v14 =	vld [tilespmem:s4+$0xFFFFFF00]  }
0x1ce: {  	v15 =	vld [tilespmem:s4+$0xFFFFFF10];
	v4 =	vmul.f32 $2.000000030e-01, v3;
	v0 =	vmax.f32 v0, v9  }
0x1cf: {  	v17 =	vld [tilespmem:s4+$0xFFFFFF20];
	v0 =	vmul.f32 $1.442695020e+00, v0  }
0x1d0: {  	v5 =	vadd.f32 v6, v5;
	v16 =	vld [tilespmem:s4+$0xFFFFFF30];
	v1 =	vadd.f32 v2, v1;
	v2 =	vmax.f32 v3, v4  }
0x1d1: {  	v18 =	vld [tilespmem:s4+$0xFFFFFF40];
	v2 =	vmul.f32 $1.442695020e+00, v2;
	(erf) = vpow2.f32 v0  }
0x1d2: {  	v19 =	vld [tilespmem:s4+$0xFFFFFF50];
	v3 =	vmul.f32 $2.000000030e-01, v5  }
0x1d3: {  	v20 =	vld [tilespmem:s4+$0xFFFFFF70];
	v0 =	vmul.f32 $2.000000030e-01, v1;
	(erf) = vpow2.f32 v2  }
0x1d4: {  	v21 =	vld [tilespmem:s4+$0xFFFFFF80];
	v3 =	vmax.f32 v5, v3  }
0x1d5: {  	v22 =	vld [tilespmem:s4+$0xFFFFFF90];
	v0 =	vmax.f32 v1, v0;
	v1 =	vmul.f32 $1.442695020e+00, v3  }
0x1d6: {  	v23 =	vld [tilespmem:s4+$0xFFFFFFA0]  }
0x1d7: {  	v25 =	vld [tilespmem:s4+$0xFFFFFFB0];
	(erf) = vpow2.f32 v1  }
0x1d8: {  	v24 =	vld [tilespmem:s4+$0xFFFFFFC0];
	v0 =	vmul.f32 $1.442695020e+00, v0  }
0x1d9: {  	v26 =	vld [tilespmem:s4+$0xFFFFFFD0]  }
0x1da: {  	v58 =	vimm.s32 $0x0;
	v59 =	vimm.s32 $0x1;
	v27 =	vld [tilespmem:s4+$0xFFFFFFE0];
	(erf) = vpow2.f32 v0;
	v6 =	vpop (erf)  }
0x1db: {  	v42 =	vimm.s32 $0x2;
	v28 =	vld [tilespmem:s4+$0x0];
	v11 =	vperm.xlane v6, v58;
	v1 =	vperm.xlane v6, v7  }
0x1dc: {  	v53 =	vimm.s32 $0x3;
	v0 =	vld [tilespmem:s4+$0x100];
	v12 =	vperm.xlane v6, v59;
	v10 =	vperm.xlane v6, v42;
	v39 =	vpop (erf)  }
0x1dd: {  	v29 =	vld [tilespmem:s4+$0x10];
	v9 =	vperm.xlane v6, v53;
	v51 =	vperm.xlane v39, v58  }
0x1de: {  	v40 =	vimm.s32 $0x5;
	v30 =	vld [tilespmem:s4+$0x20];
	v48 =	vperm.xlane v39, v59;
	v50 =	vperm.xlane v39, v42  }
0x1df: {  	v43 =	vimm.s32 $0x6;
	v33 =	vld [tilespmem:s4+$0x30];
	v46 =	vperm.xlane v39, v53;
	v52 =	vperm.xlane v39, v8  }
0x1e0: {  	v34 =	vld [tilespmem:s4+$0x40];
	v47 =	vperm.xlane v39, v40;
	v62 =	vperm.xlane v39, v43;
	v44 =	vpop (erf)  }
0x1e1: {  	v41 =	vld [tilespmem:s4+$0x50];
	[tilespmem:s4+$0x110] =	vst v6;
	v0 =	vmul.f32 v0, v1;
	v61 =	vperm.xlane v44, v58  }
0x1e2: {  	v37 =	vld [tilespmem:s4+$0x60];
	[tilespmem:s4+$0xFFFFFFF0] =	vst v39;
	v57 =	vperm.xlane v44, v53;
	v56 =	vperm.xlane v44, v8  }
0x1e3: {  	v31 =	vld [tilespmem:s4+$0x90];
	v38 =	vpop (erf);
	[tilespmem:s4+$0x100] =	vst v0;
	v55 =	vperm.xlane v44, v40;
	v54 =	vperm.xlane v44, v43  }
0x1e4: {  	v35 =	vld [tilespmem:s4+$0xA0];
	[tilespmem:s4+$0x80] =	vst v44;
	v49 =	vperm.xlane v38, v58;
	v2 =	vperm.xlane v38, v59  }
0x1e5: {  	v32 =	vld [tilespmem:s4+$0xB0];
	v1 =	vperm.xlane v38, v53;
	v58 =	vperm.xlane v44, v59;
	[tilespmem:s4+$0xFFFFFF60] =	vst v38  }
0x1e6: {  	v59 =	vperm.xlane v44, v42;
	v53 =	vperm.xlane v44, v7;
	v44 =	vld [tilespmem:$0x1FFE0]  }
0x1e7: {  	v45 =	vld [tilespmem:s4+$0x70];
	v60 =	vperm.xlane v39, v7;
	v5 =	vperm.xlane v38, v42  }
0x1e8: {  	v36 =	vld [tilespmem:s4+$0xC0];
	v4 =	vperm.xlane v38, v8;
	v0 =	vperm.xlane v38, v40  }
0x1e9: {  	v3 =	vperm.xlane v38, v43;
	v63 =	vperm.xlane v38, v7;
	v38 =	vld [tilespmem:s4+$0xD0]  }
0x1ea: {  	v39 =	vperm.xlane v6, v40;
	v42 =	vperm.xlane v6, v8;
	v40 =	vld [tilespmem:s4+$0xE0]  }
0x1eb: {  	s23 =	simm.s32 $0x2760;
	s20 =	simm.s32 $0x0;
	v43 =	vperm.xlane v6, v43;
	v49 =	vmul.f32 v44, v49;
	v44 =	vld [tilespmem:s4+$0xF0]  }
.LBB2_7:
0x1ec: {  	v6 =	vld [tilespmem:s23+$0x110];
	v2 =	vmul.f32 v13, v2;
	v5 =	vmul.f32 v14, v5;
	s3 =	sadd.s32 $0x40, s3  }
0x1ed: {  	s20 =	sadd.s32 $0x4, s20;
	v1 =	vmul.f32 v15, v1;
	v4 =	vmul.f32 v17, v4;
	v13 =	vld [tilespmem:s3+$0x10];
	[tilespmem:s4+$0xFFFFFEE0] =	vst v49  }
0x1ee: {  	v0 =	vmul.f32 v16, v0;
	p3 =	slt.u32 s20, $0x3C;
	v17 =	vld [tilespmem:s3+$0xFFFFFFE0];
	[tilespmem:s4+$0xFFFFFEF0] =	vst v2;
	v2 =	vmul.f32 v18, v3  }
0x1ef: {  	v14 =	vmul.f32 v20, v51;
	v3 =	vld [tilespmem:s23+$0xFFFFFFF0];
	[tilespmem:s4+$0xFFFFFF00] =	vst v5;
	v5 =	vmul.f32 v19, v63  }
0x1f0: {  	v16 =	vmul.f32 v22, v50;
	v15 =	vld [tilespmem:s3+$0xFFFFFFF0];
	[tilespmem:s4+$0xFFFFFF10] =	vst v1;
	v1 =	vmul.f32 v21, v48  }
0x1f1: {  	v19 =	vmul.f32 v25, v52;
	v18 =	vld [tilespmem:s23+$0x80];
	[tilespmem:s4+$0xFFFFFF20] =	vst v4;
	v4 =	vmul.f32 v23, v46  }
0x1f2: {  	v21 =	vmul.f32 v26, v62;
	v20 =	vld [tilespmem:s3+$0x0];
	v6 =	vadd.f32 v13, v6;
	[tilespmem:s4+$0xFFFFFF30] =	vst v0;
	v0 =	vmul.f32 v24, v47  }
0x1f3: {  	v23 =	vmul.f32 v28, v61;
	v22 =	vld [tilespmem:s23+$0xFFFFFF60];
	[tilespmem:s4+$0xFFFFFF40] =	vst v2;
	v2 =	vmul.f32 v27, v60  }
0x1f4: {  	v49 =	vld [tilespmem:s23+$0xFFFFFEE0];
	v24 =	vmul.f32 $2.000000030e-01, v6;
	[tilespmem:s4+$0xFFFFFF50] =	vst v5;
	v5 =	vmul.f32 v29, v58  }
0x1f5: {  	v25 =	vmul.f32 v30, v59;
	v26 =	vmul.f32 v33, v57;
	v13 =	vld [tilespmem:s23+$0xFFFFFEF0];
	v3 =	vadd.f32 v15, v3;
	[tilespmem:s4+$0xFFFFFF70] =	vst v14  }
0x1f6: {  	v27 =	vmul.f32 v41, v55;
	v14 =	vld [tilespmem:s23+$0xFFFFFF00];
	v6 =	vmax.f32 v6, v24;
	[tilespmem:s4+$0xFFFFFF80] =	vst v1;
	v1 =	vmul.f32 v34, v56  }
0x1f7: {  	v15 =	vld [tilespmem:s23+$0xFFFFFF10];
	v24 =	vmul.f32 $2.000000030e-01, v3;
	v20 =	vadd.f32 v20, v18;
	v6 =	vmul.f32 $1.442695020e+00, v6;
	[tilespmem:s4+$0xFFFFFF90] =	vst v16  }
0x1f8: {  	v28 =	vmul.f32 v45, v53;
	v22 =	vadd.f32 v17, v22;
	v17 =	vld [tilespmem:s23+$0xFFFFFF20];
	[tilespmem:s4+$0xFFFFFFA0] =	vst v4;
	v4 =	vmul.f32 v37, v54  }
0x1f9: {  	v16 =	vld [tilespmem:s23+$0xFFFFFF30];
	v3 =	vmax.f32 v3, v24;
	v24 =	vmul.f32 $2.000000030e-01, v20;
	(erf) = vpow2.f32 v6;
	[tilespmem:s4+$0xFFFFFFB0] =	vst v19  }
0x1fa: {  	v6 =	vmul.f32 $2.000000030e-01, v22;
	v18 =	vld [tilespmem:s23+$0xFFFFFF40];
	v3 =	vmul.f32 $1.442695020e+00, v3;
	[tilespmem:s4+$0xFFFFFFC0] =	vst v0  }
0x1fb: {  	v30 =	vmul.f32 v35, v12;
	v29 =	vmul.f32 v31, v11;
	v19 =	vld [tilespmem:s23+$0xFFFFFF50];
	v0 =	vmax.f32 v20, v24;
	[tilespmem:s4+$0xFFFFFFD0] =	vst v21  }
0x1fc: {  	v6 =	vmax.f32 v22, v6;
	v20 =	vld [tilespmem:s23+$0xFFFFFF70];
	v0 =	vmul.f32 $1.442695020e+00, v0;
	(erf) = vpow2.f32 v3;
	[tilespmem:s4+$0xFFFFFFE0] =	vst v2  }
0x1fd: {  	v3 =	vmul.f32 v32, v10;
	v2 =	vmul.f32 $1.442695020e+00, v6;
	v21 =	vld [tilespmem:s23+$0xFFFFFF80];
	[tilespmem:s4+$0x0] =	vst v23  }
0x1fe: {  	v22 =	vld [tilespmem:s23+$0xFFFFFF90];
	(erf) = vpow2.f32 v0;
	[tilespmem:s4+$0x10] =	vst v5;
	v0 =	vmul.f32 v36, v9  }
0x1ff: {  	v6 =	vmul.f32 v38, v42;
	v23 =	vld [tilespmem:s23+$0xFFFFFFA0];
	(erf) = vpow2.f32 v2;
	[tilespmem:s4+$0x20] =	vst v25  }
0x200: {  	v31 =	vmul.f32 v40, v39;
	v32 =	vmul.f32 v44, v43;
	v2 =	vld [tilespmem:s23+$0x100];
	[tilespmem:s4+$0x30] =	vst v26  }
0x201: {  	v25 =	vld [tilespmem:s23+$0xFFFFFFB0];
	[tilespmem:s4+$0x40] =	vst v1  }
0x202: {  	v53 =	vimm.s32 $0x2;
	v42 =	vimm.s32 $0x0;
	v24 =	vld [tilespmem:s23+$0xFFFFFFC0];
	v43 =	vpop (erf);
	[tilespmem:s4+$0x50] =	vst v27  }
0x203: {  	v40 =	vimm.s32 $0x1;
	v26 =	vld [tilespmem:s23+$0xFFFFFFD0];
	v11 =	vperm.xlane v43, v42;
	v1 =	vperm.xlane v43, v7;
	[tilespmem:s4+$0x60] =	vst v4  }
0x204: {  	v54 =	vimm.s32 $0x3;
	v12 =	vperm.xlane v43, v40;
	v10 =	vperm.xlane v43, v53;
	v27 =	vld [tilespmem:s23+$0xFFFFFFE0];
	[tilespmem:s4+$0x70] =	vst v28  }
0x205: {  	v9 =	vperm.xlane v43, v54;
	v28 =	vld [tilespmem:s23+$0x0];
	v1 =	vmul.f32 v2, v1;
	v35 =	vpop (erf);
	[tilespmem:s4+$0x90] =	vst v29  }
0x206: {  	v51 =	vperm.xlane v35, v42;
	v48 =	vperm.xlane v35, v40;
	v29 =	vld [tilespmem:s23+$0x10];
	[tilespmem:s4+$0xA0] =	vst v30  }
0x207: {  	v39 =	vimm.s32 $0x5;
	v50 =	vperm.xlane v35, v53;
	v46 =	vperm.xlane v35, v54;
	v30 =	vld [tilespmem:s23+$0x20];
	[tilespmem:s23+$0x100] =	vst v1;
	v38 =	vpop (erf)  }
0x208: {  	v52 =	vperm.xlane v35, v8;
	v47 =	vperm.xlane v35, v39;
	v33 =	vld [tilespmem:s23+$0x30];
	v36 =	vpop (erf);
	[tilespmem:s4+$0xB0] =	vst v3  }
0x209: {  	v44 =	vperm.xlane v36, v42;
	v2 =	vperm.xlane v36, v40;
	v34 =	vld [tilespmem:s23+$0x40];
	[tilespmem:s4+$0xC0] =	vst v0  }
0x20a: {  	v5 =	vperm.xlane v36, v53;
	v1 =	vperm.xlane v36, v54;
	v41 =	vld [tilespmem:s23+$0x50];
	[tilespmem:s4+$0xD0] =	vst v6  }
0x20b: {  	v4 =	vperm.xlane v36, v8;
	v0 =	vperm.xlane v36, v39;
	v6 =	vimm.s32 $0x6;
	v37 =	vld [tilespmem:s23+$0x60];
	[tilespmem:s4+$0xE0] =	vst v31  }
0x20c: {  	v63 =	vperm.xlane v36, v7;
	v3 =	vperm.xlane v36, v6;
	v45 =	vld [tilespmem:s23+$0x70];
	[tilespmem:s4+$0xF0] =	vst v32;
	s4 =	smov.u32 s23  }
0x20d: {  	v60 =	vperm.xlane v35, v7;
	v62 =	vperm.xlane v35, v6;
	[tilespmem:s23+$0xFFFFFF60] =	vst v36;
	v31 =	vld [tilespmem:s23+$0x90]  }
0x20e: {  	v61 =	vperm.xlane v38, v42;
	v58 =	vperm.xlane v38, v40;
	[tilespmem:s23+$0xFFFFFFF0] =	vst v35;
	v35 =	vld [tilespmem:s23+$0xA0]  }
.Ltmp4:
0x20f: {  	v59 =	vperm.xlane v38, v53;
	v57 =	vperm.xlane v38, v54;
	[tilespmem:s23+$0x80] =	vst v38;
	v32 =	vld [tilespmem:s23+$0xB0];
	(pc) =	sbr.rel @p3 .LBB2_7-.Ltmp4, $4  }
0x210: {  	v56 =	vperm.xlane v38, v8;
	v55 =	vperm.xlane v38, v39;
	[tilespmem:s23+$0x110] =	vst v43;
	v36 =	vld [tilespmem:s23+$0xC0]  }
0x211: {  	v53 =	vperm.xlane v38, v7;
	v54 =	vperm.xlane v38, v6;
	v38 =	vld [tilespmem:s23+$0xD0]  }
0x212: {  	v42 =	vperm.xlane v43, v8;
	v39 =	vperm.xlane v43, v39;
	v40 =	vld [tilespmem:s23+$0xE0]  }
0x213: {  	v49 =	vmul.f32 v49, v44;
	v43 =	vperm.xlane v43, v6;
	s23 =	sadd.s32 $0x240, s23;
	v44 =	vld [tilespmem:s4+$0xF0]  }
0x214: {  	v2 =	vmul.f32 v13, v2  }
0x215: {  	v5 =	vmul.f32 v14, v5;
	[tilespmem:s4+$0xFFFFFEE0] =	vst v49  }
0x216: {  	v1 =	vmul.f32 v15, v1;
	[tilespmem:s4+$0xFFFFFEF0] =	vst v2  }
0x217: {  	v0 =	vmul.f32 v16, v0;
	[tilespmem:s4+$0xFFFFFF00] =	vst v5  }
0x218: {  	v2 =	vmul.f32 v17, v4;
	[tilespmem:s4+$0xFFFFFF10] =	vst v1  }
0x219: {  	v1 =	vmul.f32 v18, v3;
	[tilespmem:s4+$0xFFFFFF30] =	vst v0  }
0x21a: {  	v0 =	vmul.f32 v20, v51;
	[tilespmem:s4+$0xFFFFFF20] =	vst v2  }
0x21b: {  	v2 =	vmul.f32 v19, v63;
	[tilespmem:s4+$0xFFFFFF40] =	vst v1  }
0x21c: {  	v1 =	vmul.f32 v21, v48;
	[tilespmem:s4+$0xFFFFFF70] =	vst v0  }
0x21d: {  	v0 =	vmul.f32 v23, v46;
	[tilespmem:s4+$0xFFFFFF50] =	vst v2  }
0x21e: {  	v2 =	vmul.f32 v22, v50;
	[tilespmem:s4+$0xFFFFFF80] =	vst v1  }
0x21f: {  	v1 =	vmul.f32 v25, v52;
	[tilespmem:s4+$0xFFFFFFA0] =	vst v0  }
0x220: {  	v0 =	vmul.f32 v26, v62;
	[tilespmem:s4+$0xFFFFFF90] =	vst v2  }
0x221: {  	v2 =	vmul.f32 v24, v47;
	[tilespmem:s4+$0xFFFFFFB0] =	vst v1  }
0x222: {  	v1 =	vmul.f32 v27, v60;
	[tilespmem:s4+$0xFFFFFFD0] =	vst v0  }
0x223: {  	v0 =	vmul.f32 v29, v58;
	[tilespmem:s4+$0xFFFFFFC0] =	vst v2  }
0x224: {  	v2 =	vmul.f32 v28, v61;
	[tilespmem:s4+$0xFFFFFFE0] =	vst v1  }
0x225: {  	v1 =	vmul.f32 v30, v59;
	[tilespmem:s4+$0x10] =	vst v0  }
0x226: {  	v0 =	vmul.f32 v34, v56;
	[tilespmem:s4+$0x0] =	vst v2  }
0x227: {  	v2 =	vmul.f32 v33, v57;
	[tilespmem:s4+$0x20] =	vst v1  }
0x228: {  	v1 =	vmul.f32 v41, v55;
	[tilespmem:s4+$0x40] =	vst v0  }
0x229: {  	v0 =	vmul.f32 v45, v53;
	[tilespmem:s4+$0x30] =	vst v2  }
0x22a: {  	v2 =	vmul.f32 v37, v54;
	[tilespmem:s4+$0x50] =	vst v1  }
0x22b: {  	v1 =	vmul.f32 v31, v11;
	[tilespmem:s4+$0x70] =	vst v0  }
0x22c: {  	v0 =	vmul.f32 v32, v10;
	[tilespmem:s4+$0x60] =	vst v2  }
0x22d: {  	v2 =	vmul.f32 v35, v12;
	[tilespmem:s4+$0x90] =	vst v1  }
0x22e: {  	v1 =	vmul.f32 v36, v9;
	[tilespmem:s4+$0xB0] =	vst v0  }
0x22f: {  	v0 =	vmul.f32 v40, v39;
	[tilespmem:s4+$0xA0] =	vst v2  }
0x230: {  	v2 =	vmul.f32 v38, v42;
	[tilespmem:s4+$0xC0] =	vst v1  }
0x231: {  	v1 =	vmul.f32 v44, v43;
	[tilespmem:s4+$0xE0] =	vst v0  }
0x232: {  	[tilespmem:s4+$0xD0] =	vst v2  }
0x233: {  	s3 =	simm.s32 $0x79C0;
	[tilespmem:s4+$0xF0] =	vst v1  }
0x234: {  	[spmem:s22] =	stream.indirect.scatter.add.f32 [tilespmem:s21], [sflag:$0x5], $0x90, s3, s18, $0xb8;
	[tilespmem:$0x1E240] =	vst v63  }
0x235: {  	_ =	swait.ge [sflag:s30], $0x2400  }
0x236: {  	[sflag:s30] =	ssyncset.done $0x0  }
0x237: {  	s3 =	simm.s32 @!p2 $0x7;
	[sflag:s30] =	ssyncadd.s32 $0xFFFFDC00  }
0x238: {  	_ =	swait.ge @!p2 [sflag:s3], $0x40  }
0x239: {  	[sflag:s3] =	ssyncset.done @!p2 $0x0  }
0x23a: {  	[sflag:s3] =	ssyncadd.s32 @!p2 $0xFFFFFFC0  }
0x23b: {  	_ =	swait.ge @!p2 [sflag:s3], $0x40  }
0x23c: {  	s4 =	sadd.s32 @!p1 s2, s10;
	[sflag:s3] =	ssyncset.done @!p2 $0x0  }
0x23d: {  	s20 =	simm.s32 @!p1 $0x7800;
	[sflag:s3] =	ssyncadd.s32 @!p2 $0xFFFFFFC0;
	p2 =	sgt.u32 @!p1 s4, $0x4E1FF  }
0x23e: {  	s23 =	simm.s32 @!p1 $0x0;
	s3 =	simm.s32 @!p1 $0x40;
	p3 =	por !p2, p1  }
0x23f: {  	[tilespmem:s23], [sflag:$0x1] =	stream.indirect.gather @!p1 [hbm4b:s25+s3], $0x90, s20, s3, $0xb8;
	v0 =	vlaneseq.u32 @!p3;
	[tilespmem:$0x1E240] =	vst v63  }
0x240: {  	s20 =	simm.s32 @!p1 $0x78C0;
	s23 =	simm.s32 @!p1 $0x6C00;
	v0 =	vand.u32 @!p3 $0x7, v0  }
0x241: {  	[tilespmem:s23], [sflag:$0x1] =	stream.indirect.gather @!p1 [hbm4b:s26+s3], $0x10, s20, s3, $0xb8;
	v0 =	vor.u32 @!p3 $0x2710, v0;
	[tilespmem:$0x1E240] =	vst v63  }
0x242: {  	[tilespmem:$0x7840] =	vst @!p3 v0  }
0x243: {  	[tilespmem:$0x7900] =	vst @!p3 v0  }
0x244: {  	[tilespmem:$0x7850] =	vst @!p3 v0  }
0x245: {  	[tilespmem:$0x7910] =	vst @!p3 v0  }
0x246: {  	[tilespmem:$0x7860] =	vst @!p3 v0  }
0x247: {  	p2 =	por p2, p1;
	[tilespmem:$0x7920] =	vst @!p3 v0  }
0x248: {  	s3 =	sshrl.u32 @!p2 s4, $0x3;
	[tilespmem:$0x7870] =	vst @!p3 v0  }
0x249: {  	s4 =	simm.s32 @!p2 $0x0;
	s20 =	simm.s32 @!p2 $0x7840;
	s3 =	sadd.s32 @!p2 s19, s3;
	[tilespmem:$0x7930] =	vst @!p3 v0  }
0x24a: {  	[tilespmem:s20], [sflag:$0x8] =	stream.linear.gather @!p2 [hbm4b:s3+s4], $0x40, $0x38;
	[tilespmem:$0x1E240] =	vst v63  }
0x24b: {  	s3 =	sadd.s32 @!p2 $0x9C40, s3;
	s20 =	simm.s32 @!p2 $0x7900  }
0x24c: {  	[tilespmem:s20], [sflag:$0x8] =	stream.linear.gather @!p2 [hbm4b:s3+s4], $0x40, $0x38;
	[tilespmem:$0x1E240] =	vst v63  }
0x24d: {  	_ =	swait.ge [sflag:s31], $0x2400  }
0x24e: {  	[sflag:s31] =	ssyncset.done $0x0  }
0x24f: {  	[sflag:s31] =	ssyncadd.s32 $0xFFFFDC00  }
0x250: {  	_ =	swait.ge [sflag:s31], $0x400  }
0x251: {  	[sflag:s31] =	ssyncset.done $0x0  }
0x252: {  	[sflag:s31] =	ssyncadd.s32 $0xFFFFFC00  }
0x253: {  	v0 =	vld [tilespmem:$0x7940]  }
0x254: {  	v1 =	vld [tilespmem:$0x7950]  }
0x255: {  	v2 =	vld [tilespmem:$0x7960]  }
0x256: {  	v3 =	vld [tilespmem:$0x7970];
	_ =	sdelay $0x1  }
0x257: {  	[tilespmem:$0x7A00] =	vst v0  }
0x258: {  	[tilespmem:$0x7A10] =	vst v1  }
0x259: {  	[tilespmem:$0x7A20] =	vst v2  }
0x25a: {  	s4 =	simm.s32 $0x4920;
	[tilespmem:$0x7A30] =	vst v3  }
0x25b: {  	s3 =	simm.s32 $0x7420;
	v0 =	vld [tilespmem:s4+$0x110]  }
0x25c: {  	v1 =	vld [tilespmem:s3+$0x10]  }
0x25d: {  	v3 =	vld [tilespmem:s4+$0xFFFFFFF0]  }
0x25e: {  	v9 =	vld [tilespmem:s4+$0xFFFFFEE0]  }
0x25f: {  	v4 =	vld [tilespmem:s3+$0xFFFFFFF0]  }
0x260: {  	v2 =	vld [tilespmem:s3+$0xFFFFFFE0]  }
0x261: {  	v5 =	vld [tilespmem:s4+$0x80]  }
0x262: {  	v6 =	vld [tilespmem:s3+$0x0];
	v0 =	vadd.f32 v1, v0  }
0x263: {  	v1 =	vld [tilespmem:s4+$0xFFFFFF60];
	[tilespmem:$0x1FFD0] =	vst v9  }
0x264: {  	v3 =	vadd.f32 v4, v3;
	v13 =	vld [tilespmem:s4+$0xFFFFFEF0];
	v9 =	vmul.f32 $2.000000030e-01, v0  }
0x265: {  	v14 =	vld [tilespmem:s4+$0xFFFFFF00]  }
0x266: {  	v15 =	vld [tilespmem:s4+$0xFFFFFF10];
	v4 =	vmul.f32 $2.000000030e-01, v3;
	v0 =	vmax.f32 v0, v9  }
0x267: {  	v17 =	vld [tilespmem:s4+$0xFFFFFF20];
	v0 =	vmul.f32 $1.442695020e+00, v0  }
0x268: {  	v5 =	vadd.f32 v6, v5;
	v16 =	vld [tilespmem:s4+$0xFFFFFF30];
	v1 =	vadd.f32 v2, v1;
	v2 =	vmax.f32 v3, v4  }
0x269: {  	v18 =	vld [tilespmem:s4+$0xFFFFFF40];
	v2 =	vmul.f32 $1.442695020e+00, v2;
	(erf) = vpow2.f32 v0  }
0x26a: {  	v19 =	vld [tilespmem:s4+$0xFFFFFF50];
	v3 =	vmul.f32 $2.000000030e-01, v5  }
0x26b: {  	v20 =	vld [tilespmem:s4+$0xFFFFFF70];
	v0 =	vmul.f32 $2.000000030e-01, v1;
	(erf) = vpow2.f32 v2  }
0x26c: {  	v21 =	vld [tilespmem:s4+$0xFFFFFF80];
	v3 =	vmax.f32 v5, v3  }
0x26d: {  	v22 =	vld [tilespmem:s4+$0xFFFFFF90];
	v0 =	vmax.f32 v1, v0;
	v1 =	vmul.f32 $1.442695020e+00, v3  }
0x26e: {  	v23 =	vld [tilespmem:s4+$0xFFFFFFA0]  }
0x26f: {  	v25 =	vld [tilespmem:s4+$0xFFFFFFB0];
	(erf) = vpow2.f32 v1  }
0x270: {  	v24 =	vld [tilespmem:s4+$0xFFFFFFC0];
	v0 =	vmul.f32 $1.442695020e+00, v0  }
0x271: {  	v26 =	vld [tilespmem:s4+$0xFFFFFFD0]  }
0x272: {  	v58 =	vimm.s32 $0x0;
	v59 =	vimm.s32 $0x1;
	v27 =	vld [tilespmem:s4+$0xFFFFFFE0];
	(erf) = vpow2.f32 v0;
	v6 =	vpop (erf)  }
0x273: {  	v42 =	vimm.s32 $0x2;
	v28 =	vld [tilespmem:s4+$0x0];
	v11 =	vperm.xlane v6, v58;
	v1 =	vperm.xlane v6, v7  }
0x274: {  	v53 =	vimm.s32 $0x3;
	v0 =	vld [tilespmem:s4+$0x100];
	v12 =	vperm.xlane v6, v59;
	v10 =	vperm.xlane v6, v42;
	v39 =	vpop (erf)  }
0x275: {  	v29 =	vld [tilespmem:s4+$0x10];
	v9 =	vperm.xlane v6, v53;
	v51 =	vperm.xlane v39, v58  }
0x276: {  	v40 =	vimm.s32 $0x5;
	v30 =	vld [tilespmem:s4+$0x20];
	v48 =	vperm.xlane v39, v59;
	v50 =	vperm.xlane v39, v42  }
0x277: {  	v43 =	vimm.s32 $0x6;
	v33 =	vld [tilespmem:s4+$0x30];
	v46 =	vperm.xlane v39, v53;
	v52 =	vperm.xlane v39, v8  }
0x278: {  	v34 =	vld [tilespmem:s4+$0x40];
	v47 =	vperm.xlane v39, v40;
	v62 =	vperm.xlane v39, v43;
	v44 =	vpop (erf)  }
0x279: {  	v41 =	vld [tilespmem:s4+$0x50];
	[tilespmem:s4+$0x110] =	vst v6;
	v0 =	vmul.f32 v0, v1;
	v61 =	vperm.xlane v44, v58  }
0x27a: {  	v37 =	vld [tilespmem:s4+$0x60];
	[tilespmem:s4+$0xFFFFFFF0] =	vst v39;
	v57 =	vperm.xlane v44, v53;
	v56 =	vperm.xlane v44, v8  }
0x27b: {  	v31 =	vld [tilespmem:s4+$0x90];
	v38 =	vpop (erf);
	[tilespmem:s4+$0x100] =	vst v0;
	v55 =	vperm.xlane v44, v40;
	v54 =	vperm.xlane v44, v43  }
0x27c: {  	v35 =	vld [tilespmem:s4+$0xA0];
	[tilespmem:s4+$0x80] =	vst v44;
	v49 =	vperm.xlane v38, v58;
	v2 =	vperm.xlane v38, v59  }
0x27d: {  	v32 =	vld [tilespmem:s4+$0xB0];
	v1 =	vperm.xlane v38, v53;
	v58 =	vperm.xlane v44, v59;
	[tilespmem:s4+$0xFFFFFF60] =	vst v38  }
0x27e: {  	v59 =	vperm.xlane v44, v42;
	v53 =	vperm.xlane v44, v7;
	v44 =	vld [tilespmem:$0x1FFD0]  }
0x27f: {  	v45 =	vld [tilespmem:s4+$0x70];
	v60 =	vperm.xlane v39, v7;
	v5 =	vperm.xlane v38, v42  }
0x280: {  	v36 =	vld [tilespmem:s4+$0xC0];
	v4 =	vperm.xlane v38, v8;
	v0 =	vperm.xlane v38, v40  }
0x281: {  	v3 =	vperm.xlane v38, v43;
	v63 =	vperm.xlane v38, v7;
	v38 =	vld [tilespmem:s4+$0xD0]  }
0x282: {  	v39 =	vperm.xlane v6, v40;
	v42 =	vperm.xlane v6, v8;
	v40 =	vld [tilespmem:s4+$0xE0]  }
0x283: {  	s23 =	simm.s32 $0x4B60;
	s20 =	simm.s32 $0x0;
	v43 =	vperm.xlane v6, v43;
	v49 =	vmul.f32 v44, v49;
	v44 =	vld [tilespmem:s4+$0xF0]  }
.LBB2_9:
0x284: {  	v6 =	vld [tilespmem:s23+$0x110];
	v2 =	vmul.f32 v13, v2;
	v5 =	vmul.f32 v14, v5;
	s3 =	sadd.s32 $0x40, s3  }
0x285: {  	s20 =	sadd.s32 $0x4, s20;
	v1 =	vmul.f32 v15, v1;
	v4 =	vmul.f32 v17, v4;
	v13 =	vld [tilespmem:s3+$0x10];
	[tilespmem:s4+$0xFFFFFEE0] =	vst v49  }
0x286: {  	v0 =	vmul.f32 v16, v0;
	p2 =	slt.u32 s20, $0x3C;
	v17 =	vld [tilespmem:s3+$0xFFFFFFE0];
	[tilespmem:s4+$0xFFFFFEF0] =	vst v2;
	v2 =	vmul.f32 v18, v3  }
0x287: {  	v14 =	vmul.f32 v20, v51;
	v3 =	vld [tilespmem:s23+$0xFFFFFFF0];
	[tilespmem:s4+$0xFFFFFF00] =	vst v5;
	v5 =	vmul.f32 v19, v63  }
0x288: {  	v16 =	vmul.f32 v22, v50;
	v15 =	vld [tilespmem:s3+$0xFFFFFFF0];
	[tilespmem:s4+$0xFFFFFF10] =	vst v1;
	v1 =	vmul.f32 v21, v48  }
0x289: {  	v19 =	vmul.f32 v25, v52;
	v18 =	vld [tilespmem:s23+$0x80];
	[tilespmem:s4+$0xFFFFFF20] =	vst v4;
	v4 =	vmul.f32 v23, v46  }
0x28a: {  	v21 =	vmul.f32 v26, v62;
	v20 =	vld [tilespmem:s3+$0x0];
	v6 =	vadd.f32 v13, v6;
	[tilespmem:s4+$0xFFFFFF30] =	vst v0;
	v0 =	vmul.f32 v24, v47  }
0x28b: {  	v23 =	vmul.f32 v28, v61;
	v22 =	vld [tilespmem:s23+$0xFFFFFF60];
	[tilespmem:s4+$0xFFFFFF40] =	vst v2;
	v2 =	vmul.f32 v27, v60  }
0x28c: {  	v49 =	vld [tilespmem:s23+$0xFFFFFEE0];
	v24 =	vmul.f32 $2.000000030e-01, v6;
	[tilespmem:s4+$0xFFFFFF50] =	vst v5;
	v5 =	vmul.f32 v29, v58  }
0x28d: {  	v25 =	vmul.f32 v30, v59;
	v26 =	vmul.f32 v33, v57;
	v13 =	vld [tilespmem:s23+$0xFFFFFEF0];
	v3 =	vadd.f32 v15, v3;
	[tilespmem:s4+$0xFFFFFF70] =	vst v14  }
0x28e: {  	v27 =	vmul.f32 v41, v55;
	v14 =	vld [tilespmem:s23+$0xFFFFFF00];
	v6 =	vmax.f32 v6, v24;
	[tilespmem:s4+$0xFFFFFF80] =	vst v1;
	v1 =	vmul.f32 v34, v56  }
0x28f: {  	v15 =	vld [tilespmem:s23+$0xFFFFFF10];
	v24 =	vmul.f32 $2.000000030e-01, v3;
	v20 =	vadd.f32 v20, v18;
	v6 =	vmul.f32 $1.442695020e+00, v6;
	[tilespmem:s4+$0xFFFFFF90] =	vst v16  }
0x290: {  	v28 =	vmul.f32 v45, v53;
	v22 =	vadd.f32 v17, v22;
	v17 =	vld [tilespmem:s23+$0xFFFFFF20];
	[tilespmem:s4+$0xFFFFFFA0] =	vst v4;
	v4 =	vmul.f32 v37, v54  }
0x291: {  	v16 =	vld [tilespmem:s23+$0xFFFFFF30];
	v3 =	vmax.f32 v3, v24;
	v24 =	vmul.f32 $2.000000030e-01, v20;
	(erf) = vpow2.f32 v6;
	[tilespmem:s4+$0xFFFFFFB0] =	vst v19  }
0x292: {  	v6 =	vmul.f32 $2.000000030e-01, v22;
	v18 =	vld [tilespmem:s23+$0xFFFFFF40];
	v3 =	vmul.f32 $1.442695020e+00, v3;
	[tilespmem:s4+$0xFFFFFFC0] =	vst v0  }
0x293: {  	v30 =	vmul.f32 v35, v12;
	v29 =	vmul.f32 v31, v11;
	v19 =	vld [tilespmem:s23+$0xFFFFFF50];
	v0 =	vmax.f32 v20, v24;
	[tilespmem:s4+$0xFFFFFFD0] =	vst v21  }
0x294: {  	v6 =	vmax.f32 v22, v6;
	v20 =	vld [tilespmem:s23+$0xFFFFFF70];
	v0 =	vmul.f32 $1.442695020e+00, v0;
	(erf) = vpow2.f32 v3;
	[tilespmem:s4+$0xFFFFFFE0] =	vst v2  }
0x295: {  	v3 =	vmul.f32 v32, v10;
	v2 =	vmul.f32 $1.442695020e+00, v6;
	v21 =	vld [tilespmem:s23+$0xFFFFFF80];
	[tilespmem:s4+$0x0] =	vst v23  }
0x296: {  	v22 =	vld [tilespmem:s23+$0xFFFFFF90];
	(erf) = vpow2.f32 v0;
	[tilespmem:s4+$0x10] =	vst v5;
	v0 =	vmul.f32 v36, v9  }
0x297: {  	v6 =	vmul.f32 v38, v42;
	v23 =	vld [tilespmem:s23+$0xFFFFFFA0];
	(erf) = vpow2.f32 v2;
	[tilespmem:s4+$0x20] =	vst v25  }
0x298: {  	v31 =	vmul.f32 v40, v39;
	v32 =	vmul.f32 v44, v43;
	v2 =	vld [tilespmem:s23+$0x100];
	[tilespmem:s4+$0x30] =	vst v26  }
0x299: {  	v25 =	vld [tilespmem:s23+$0xFFFFFFB0];
	[tilespmem:s4+$0x40] =	vst v1  }
0x29a: {  	v53 =	vimm.s32 $0x2;
	v42 =	vimm.s32 $0x0;
	v24 =	vld [tilespmem:s23+$0xFFFFFFC0];
	v43 =	vpop (erf);
	[tilespmem:s4+$0x50] =	vst v27  }
0x29b: {  	v40 =	vimm.s32 $0x1;
	v26 =	vld [tilespmem:s23+$0xFFFFFFD0];
	v11 =	vperm.xlane v43, v42;
	v1 =	vperm.xlane v43, v7;
	[tilespmem:s4+$0x60] =	vst v4  }
0x29c: {  	v54 =	vimm.s32 $0x3;
	v12 =	vperm.xlane v43, v40;
	v10 =	vperm.xlane v43, v53;
	v27 =	vld [tilespmem:s23+$0xFFFFFFE0];
	[tilespmem:s4+$0x70] =	vst v28  }
0x29d: {  	v9 =	vperm.xlane v43, v54;
	v28 =	vld [tilespmem:s23+$0x0];
	v1 =	vmul.f32 v2, v1;
	v35 =	vpop (erf);
	[tilespmem:s4+$0x90] =	vst v29  }
0x29e: {  	v51 =	vperm.xlane v35, v42;
	v48 =	vperm.xlane v35, v40;
	v29 =	vld [tilespmem:s23+$0x10];
	[tilespmem:s4+$0xA0] =	vst v30  }
0x29f: {  	v39 =	vimm.s32 $0x5;
	v50 =	vperm.xlane v35, v53;
	v46 =	vperm.xlane v35, v54;
	v30 =	vld [tilespmem:s23+$0x20];
	[tilespmem:s23+$0x100] =	vst v1;
	v38 =	vpop (erf)  }
0x2a0: {  	v52 =	vperm.xlane v35, v8;
	v47 =	vperm.xlane v35, v39;
	v33 =	vld [tilespmem:s23+$0x30];
	v36 =	vpop (erf);
	[tilespmem:s4+$0xB0] =	vst v3  }
0x2a1: {  	v44 =	vperm.xlane v36, v42;
	v2 =	vperm.xlane v36, v40;
	v34 =	vld [tilespmem:s23+$0x40];
	[tilespmem:s4+$0xC0] =	vst v0  }
0x2a2: {  	v5 =	vperm.xlane v36, v53;
	v1 =	vperm.xlane v36, v54;
	v41 =	vld [tilespmem:s23+$0x50];
	[tilespmem:s4+$0xD0] =	vst v6  }
0x2a3: {  	v4 =	vperm.xlane v36, v8;
	v0 =	vperm.xlane v36, v39;
	v6 =	vimm.s32 $0x6;
	v37 =	vld [tilespmem:s23+$0x60];
	[tilespmem:s4+$0xE0] =	vst v31  }
0x2a4: {  	v63 =	vperm.xlane v36, v7;
	v3 =	vperm.xlane v36, v6;
	v45 =	vld [tilespmem:s23+$0x70];
	[tilespmem:s4+$0xF0] =	vst v32;
	s4 =	smov.u32 s23  }
0x2a5: {  	v60 =	vperm.xlane v35, v7;
	v62 =	vperm.xlane v35, v6;
	[tilespmem:s23+$0xFFFFFF60] =	vst v36;
	v31 =	vld [tilespmem:s23+$0x90]  }
0x2a6: {  	v61 =	vperm.xlane v38, v42;
	v58 =	vperm.xlane v38, v40;
	[tilespmem:s23+$0xFFFFFFF0] =	vst v35;
	v35 =	vld [tilespmem:s23+$0xA0]  }
.Ltmp5:
0x2a7: {  	v59 =	vperm.xlane v38, v53;
	v57 =	vperm.xlane v38, v54;
	[tilespmem:s23+$0x80] =	vst v38;
	v32 =	vld [tilespmem:s23+$0xB0];
	(pc) =	sbr.rel @p2 .LBB2_9-.Ltmp5, $4  }
0x2a8: {  	v56 =	vperm.xlane v38, v8;
	v55 =	vperm.xlane v38, v39;
	[tilespmem:s23+$0x110] =	vst v43;
	v36 =	vld [tilespmem:s23+$0xC0]  }
0x2a9: {  	v53 =	vperm.xlane v38, v7;
	v54 =	vperm.xlane v38, v6;
	v38 =	vld [tilespmem:s23+$0xD0]  }
0x2aa: {  	v42 =	vperm.xlane v43, v8;
	v39 =	vperm.xlane v43, v39;
	v40 =	vld [tilespmem:s23+$0xE0]  }
0x2ab: {  	v49 =	vmul.f32 v49, v44;
	v43 =	vperm.xlane v43, v6;
	s23 =	sadd.s32 $0x240, s23;
	v44 =	vld [tilespmem:s4+$0xF0]  }
0x2ac: {  	v2 =	vmul.f32 v13, v2  }
0x2ad: {  	v5 =	vmul.f32 v14, v5;
	[tilespmem:s4+$0xFFFFFEE0] =	vst v49  }
0x2ae: {  	v1 =	vmul.f32 v15, v1;
	[tilespmem:s4+$0xFFFFFEF0] =	vst v2  }
0x2af: {  	v15 =	vmul.f32 v17, v4;
	[tilespmem:s4+$0xFFFFFF00] =	vst v5  }
0x2b0: {  	v0 =	vmul.f32 v16, v0;
	[tilespmem:s4+$0xFFFFFF10] =	vst v1  }
0x2b1: {  	v17 =	vmul.f32 v18, v3;
	[tilespmem:s4+$0xFFFFFF20] =	vst v15  }
0x2b2: {  	v18 =	vmul.f32 v19, v63;
	[tilespmem:s4+$0xFFFFFF30] =	vst v0  }
0x2b3: {  	v19 =	vmul.f32 v20, v51;
	[tilespmem:s4+$0xFFFFFF40] =	vst v17  }
0x2b4: {  	v20 =	vmul.f32 v21, v48;
	[tilespmem:s4+$0xFFFFFF50] =	vst v18  }
0x2b5: {  	v21 =	vmul.f32 v22, v50;
	[tilespmem:s4+$0xFFFFFF70] =	vst v19  }
0x2b6: {  	v22 =	vmul.f32 v23, v46;
	[tilespmem:s4+$0xFFFFFF80] =	vst v20  }
0x2b7: {  	v23 =	vmul.f32 v25, v52;
	[tilespmem:s4+$0xFFFFFF90] =	vst v21  }
0x2b8: {  	v25 =	vmul.f32 v24, v47;
	[tilespmem:s4+$0xFFFFFFA0] =	vst v22  }
0x2b9: {  	v26 =	vmul.f32 v26, v62;
	[tilespmem:s4+$0xFFFFFFB0] =	vst v23  }
0x2ba: {  	v46 =	vmul.f32 v27, v60;
	[tilespmem:s4+$0xFFFFFFC0] =	vst v25  }
0x2bb: {  	v47 =	vmul.f32 v28, v61;
	[tilespmem:s4+$0xFFFFFFD0] =	vst v26  }
0x2bc: {  	v48 =	vmul.f32 v29, v58;
	[tilespmem:s4+$0xFFFFFFE0] =	vst v46  }
0x2bd: {  	v50 =	vmul.f32 v33, v57;
	[tilespmem:s4+$0x0] =	vst v47  }
0x2be: {  	v51 =	vmul.f32 v34, v56;
	[tilespmem:s4+$0x10] =	vst v48  }
0x2bf: {  	v52 =	vmul.f32 v41, v55;
	[tilespmem:s4+$0x30] =	vst v50  }
0x2c0: {  	v55 =	vmul.f32 v37, v54;
	[tilespmem:s4+$0x40] =	vst v51  }
0x2c1: {  	v56 =	vmul.f32 v45, v53;
	[tilespmem:s4+$0x50] =	vst v52  }
0x2c2: {  	v57 =	vmul.f32 v31, v11;
	[tilespmem:s4+$0x60] =	vst v55  }
0x2c3: {  	v58 =	vmul.f32 v35, v12;
	[tilespmem:s4+$0x70] =	vst v56  }
0x2c4: {  	v49 =	vmul.f32 v30, v59;
	[tilespmem:s4+$0x90] =	vst v57  }
0x2c5: {  	v59 =	vmul.f32 v32, v10;
	[tilespmem:s4+$0xA0] =	vst v58  }
0x2c6: {  	v60 =	vmul.f32 v36, v9;
	[tilespmem:s4+$0x20] =	vst v49  }
0x2c7: {  	v61 =	vmul.f32 v38, v42;
	[tilespmem:s4+$0xB0] =	vst v59  }
0x2c8: {  	v62 =	vmul.f32 v40, v39;
	[tilespmem:s4+$0xC0] =	vst v60  }
0x2c9: {  	v63 =	vmul.f32 v44, v43;
	[tilespmem:s4+$0xD0] =	vst v61  }
0x2ca: {  	[tilespmem:s4+$0xE0] =	vst v62  }
.Ltmp6:
0x2cb: {  	s3 =	simm.s32 $0x7A00;
	[tilespmem:s4+$0xF0] =	vst v63;
	(pc) =	sbr.rel @p1 .LBB2_12-.Ltmp6, $4  }
0x2cc: {  	[spmem:s22] =	stream.indirect.scatter.add.f32 [tilespmem:s14], [sflag:$0x6], $0x90, s3, s18, $0xb8;
	[tilespmem:$0x1E240] =	vst v63  }
0x2cd: {  	_ =	swait.ge [sflag:s1], $0x2400  }
0x2ce: {  	[sflag:s1] =	ssyncset.done $0x0  }
0x2cf: {  	[sflag:s1] =	ssyncadd.s32 $0xFFFFDC00  }
0x2d0: {  	s3 =	sadd.s32 s2, s10  }
0x2d1: {  	p1 =	sgt.u32 s3, $0x4E1FF  }
0x2d2: {  	s3 =	simm.s32 @!p1 $0x8  }
0x2d3: {  	_ =	swait.ge @!p1 [sflag:s3], $0x40  }
0x2d4: {  	[sflag:s3] =	ssyncset.done @!p1 $0x0  }
0x2d5: {  	[sflag:s3] =	ssyncadd.s32 @!p1 $0xFFFFFFC0  }
0x2d6: {  	_ =	swait.ge @!p1 [sflag:s3], $0x40  }
0x2d7: {  	s2 =	sadd.s32 s2, s11;
	[sflag:s3] =	ssyncset.done @!p1 $0x0  }
0x2d8: {  	s20 =	simm.s32 $0x7840;
	[sflag:s3] =	ssyncadd.s32 @!p1 $0xFFFFFFC0;
	p1 =	sgt.u32 s2, $0x4E1FF  }
0x2d9: {  	[tilespmem:s21], [sflag:$0x2] =	stream.indirect.gather [hbm4b:s25+s18], $0x90, s20, s18, $0xb8;
	v0 =	vlaneseq.u32 @p1;
	[tilespmem:$0x1E240] =	vst v63  }
0x2da: {  	s23 =	simm.s32 $0x7900;
	s4 =	simm.s32 $0x7000;
	v0 =	vand.u32 @p1 $0x7, v0  }
0x2db: {  	[tilespmem:s4], [sflag:$0x2] =	stream.indirect.gather [hbm4b:s26+s18], $0x10, s23, s18, $0xb8;
	v0 =	vor.u32 @p1 $0x2710, v0;
	[tilespmem:$0x1E240] =	vst v63  }
0x2dc: {  	[tilespmem:$0x7880] =	vst @p1 v0  }
0x2dd: {  	[tilespmem:$0x7940] =	vst @p1 v0  }
0x2de: {  	[tilespmem:$0x7890] =	vst @p1 v0  }
0x2df: {  	[tilespmem:$0x7950] =	vst @p1 v0  }
0x2e0: {  	[tilespmem:$0x78A0] =	vst @p1 v0  }
0x2e1: {  	[tilespmem:$0x7960] =	vst @p1 v0  }
0x2e2: {  	s2 =	sshrl.u32 @!p1 s2, $0x3;
	s3 =	simm.s32 @!p1 $0x0;
	[tilespmem:$0x78B0] =	vst @p1 v0  }
.Ltmp7:
0x2e3: {  	s2 =	sadd.s32 @!p1 s19, s2;
	s4 =	simm.s32 @!p1 $0x7880;
	[tilespmem:$0x7970] =	vst @p1 v0;
	(pc) =	sbr.rel .LBB2_4-.Ltmp7, $4  }
0x2e4: {  	[tilespmem:s4], [sflag:$0x9] =	stream.linear.gather @!p1 [hbm4b:s2+s3], $0x40, $0x38;
	[tilespmem:$0x1E240] =	vst v63  }
0x2e5: {  	v6 =	vimm.s32 $0x0;
	v7 =	vimm.s32 $0x1;
	s4 =	sadd.s32 @p1 $0x1, s6;
	s6 =	sadd.s32 @!p1 $0x1, s6  }
0x2e6: {  	v53 =	vimm.s32 $0x2;
	v36 =	vimm.s32 $0x3;
	v33 =	vimm.s32 $0x4;
	s20 =	simm.s32 @!p1 $0x7940;
	s2 =	sadd.s32 @!p1 $0x9C40, s2;
	s6 =	smov.u32 @p1 s4  }
0x2e7: {  	v31 =	vimm.s32 $0x5;
	v32 =	vimm.s32 $0x6;
	v42 =	vimm.s32 $0x7;
	[tilespmem:s20], [sflag:$0x9] =	stream.linear.gather @!p1 [hbm4b:s2+s3], $0x40, $0x38;
	[tilespmem:$0x1E240] =	vst v63  }
.LBB2_13:
0x2e8: {  	_ =	sfence.sel $0x180000  }
0x2e9: {  	[bflag:$0x0] =	sbarrier.arrive $0xFFFF  }
0x2ea: {  	_ =	strace $0x90000047  }
0x2eb: {  	s0 =	stileid.u32;
	[bflag:$0x2] =	sbarrier.arrive $0xFFFF  }
0x2ec: {  	p0 =	sne.s32 s0, $0x0;
	s0 =	rddreg [dreg:$0x3]  }
0x2ed: {  	s0 =	sadd.s32 @!p0 $0x100000, s0  }
0x2ee: {  	[sflag:s0] =	ssyncadd.tile.s32 @!p0 $0x1;
	_ =	shalt  }
.Lfunc_end2:
_tile_overlayer_lowered:
.L_overlay_start_2:
0x2ef: {  	(tag) =	ssettag $0x2  }
0x2f0: {  	s0 =	rddreg [dreg:$0x0];
	s2 =	stileid.u32  }
0x2f1: {  	s1 =	rddreg [dreg:$0x1];
	p0 =	sne.s32 s2, $0x0  }
0x2f2: {  	s3 =	rddreg [dreg:$0x2];
	[bflag:$0x3] =	sbarrier.arrive $0xFFFF;
	s2 =	simm.s32 @!p0 $0x1C0A  }
0x2f3: {  	[timem:s3], [sflag:s2] =	dma.local @!p0 [hbm:s0], s1  }
0x2f4: {  	s0 =	simm.s32 @!p0 $0xA  }
0x2f5: {  	_ =	swait.ge @!p0 [sflag:s0], s1  }
0x2f6: {  	s1 =	ssub.s32 @!p0 $0x0, s1;
	[sflag:s0] =	ssyncset.done @!p0 $0x0  }
0x2f7: {  	[sflag:s0] =	ssyncadd.s32 @!p0 s1  }
0x2f8: {  	[bflag:$0x3] =	sbarrier.arrive $0xFFFF  }
0x2f9: {  	_ =	shalt  }

</sc_bundles>
